<compile_context>
chip_gen: v7x
topology: tpu7x:2x2x1
jax: 0.10.2.dev20260603
libtpu: 0.0.44.dev20260713+nightly
codegen_flags: <defaults>
</compile_context>

<pallas_src>
import jax
import jax.numpy as jnp
from jax import lax
from jax.experimental import pallas as pl
from jax.experimental.pallas import tpu as pltpu
from jax.experimental.pallas import tpu_sc as plsc

_W = 512
NC, NS, L = 2, 16, 16
NW = NC * NS
B = 1048576
BPW = B // NW
CHUNK = 2048
NIDX = 128
NB = CHUNK // NIDX
NCH = BPW // CHUNK
D = 8
T = _W * _W
TPW = T // NW

_SC_PARAMS = pltpu.CompilerParams(
    needs_layout_passes=False, use_tc_tiling_on_sc=False
)
_MESH = plsc.VectorSubcoreMesh(core_axis_name="c", subcore_axis_name="s")


def _pad_body(img_hbm, table_hbm, buf3, buf8):
    wid = lax.axis_index("s") * NC + lax.axis_index("c")
    base = wid * TPW
    pltpu.sync_copy(img_hbm.at[pl.ds(3 * base, 3 * TPW)], buf3)
    lane = lax.iota(jnp.int32, L)
    pix_pats = [(lane + 16 * j) // 3 for j in range(3)]
    chan_pats = [(lane + 16 * j) % 3 for j in range(3)]

    def expand_body(g, c2):
        for j in range(3):
            v = buf3[pl.ds(48 * g + 16 * j, L)]
            plsc.store_scatter(buf8, [pix_pats[j] + 16 * g, chan_pats[j]], v)
        return c2

    lax.fori_loop(0, TPW // 16, expand_body, 0)
    pltpu.sync_copy(buf8, table_hbm.at[pl.ds(base, TPW)])


def _col_copy(col_hbm, col_v, sem, t, base):
    off = base + t * CHUNK
    return pltpu.make_async_copy(col_hbm.at[pl.ds(off, CHUNK)], col_v, sem)


def _gather_descs(table_hbm, idx_v, rows_v, sem_g):
    return [
        pltpu.make_async_copy(
            table_hbm.at[idx_v.at[k]],
            rows_v.at[pl.ds(k * NIDX, NIDX)],
            sem_g,
        )
        for k in range(NB)
    ]


def _body(
    r_hbm, c_hbm, table_hbm, outr_hbm, outg_hbm, outb_hbm,
    r_v0, r_v1, c_v0, c_v1, idx_v0, idx_v1, rows_v0, rows_v1, pl_v,
    sem_r0, sem_r1, sem_c0, sem_c1, sem_g0, sem_g1,
):
    wid = lax.axis_index("s") * NC + lax.axis_index("c")
    base = wid * BPW
    lane = lax.iota(jnp.int32, L)
    r_bufs, c_bufs = [r_v0, r_v1], [c_v0, c_v1]
    idx_bufs, rows_bufs = [idx_v0, idx_v1], [rows_v0, rows_v1]
    sem_rs, sem_cs = [sem_r0, sem_r1], [sem_c0, sem_c1]
    sem_gs = [sem_g0, sem_g1]
    outs = [outr_hbm, outg_hbm, outb_hbm]

    def stage(t, slot):
        return (
            _col_copy(r_hbm, r_bufs[slot], sem_rs[slot], t, base),
            _col_copy(c_hbm, c_bufs[slot], sem_cs[slot], t, base),
        )

    def compute_idx(slot):
        r_v, c_v, idx_v = r_bufs[slot], c_bufs[slot], idx_bufs[slot]

        def idx_body(k, c2):
            for jj in range(NIDX // L):
                p = k * NIDX + jj * L
                r = r_v[pl.ds(p, L)]
                c = c_v[pl.ds(p, L)]
                idx_v[k, pl.ds(jj * L, L)] = r * _W + c
            return c2

        lax.fori_loop(0, NB, idx_body, 0)

    def split_and_out(slot, t_prev):
        rows_v = rows_bufs[slot]
        off = base + t_prev * CHUNK
        for j in range(3):
            chan = lane * 0 + j

            def cb(g, c2):
                v = plsc.load_gather(rows_v, [lane + 16 * g, chan])
                pl_v[pl.ds(16 * g, L)] = v
                return c2

            lax.fori_loop(0, CHUNK // 16, cb, 0)
            pltpu.sync_copy(pl_v, outs[j].at[pl.ds(off, CHUNK)])

    for d in stage(0, 0):
        d.start()

    def pair_body(tt, carry):
        for slot in range(2):
            t = 2 * tt + slot
            for d in stage(t, slot):
                d.wait()

            @pl.when(t + 1 < NCH)
            def _():
                for d in stage(t + 1, 1 - slot):
                    d.start()

            compute_idx(slot)
            for d in _gather_descs(table_hbm, idx_bufs[slot], rows_bufs[slot], sem_gs[slot]):
                d.start()

            @pl.when(t > 0)
            def _():
                for d in _gather_descs(
                    table_hbm, idx_bufs[1 - slot], rows_bufs[1 - slot], sem_gs[1 - slot]
                ):
                    d.wait()
                split_and_out(1 - slot, t - 1)
        return carry

    lax.fori_loop(0, NCH // 2, pair_body, 0)
    for d in _gather_descs(table_hbm, idx_bufs[1], rows_bufs[1], sem_gs[1]):
        d.wait()
    split_and_out(1, NCH - 1)


def kernel(coords, image):
    img_flat = image.reshape(-1)

    pad_f = pl.kernel(
        _pad_body,
        out_type=jax.ShapeDtypeStruct((T, D), jnp.float32),
        mesh=_MESH,
        compiler_params=_SC_PARAMS,
        scratch_types=[
            pltpu.VMEM((3 * TPW,), jnp.float32),
            pltpu.VMEM((TPW, D), jnp.float32),
        ],
    )
    table = pad_f(img_flat)

    f = pl.kernel(
        _body,
        out_type=(
            jax.ShapeDtypeStruct((B,), jnp.float32),
            jax.ShapeDtypeStruct((B,), jnp.float32),
            jax.ShapeDtypeStruct((B,), jnp.float32),
        ),
        mesh=_MESH,
        compiler_params=_SC_PARAMS,
        scratch_types=[
            pltpu.VMEM((CHUNK,), jnp.int32),
            pltpu.VMEM((CHUNK,), jnp.int32),
            pltpu.VMEM((CHUNK,), jnp.int32),
            pltpu.VMEM((CHUNK,), jnp.int32),
            pltpu.VMEM((NB, NIDX), jnp.int32),
            pltpu.VMEM((NB, NIDX), jnp.int32),
            pltpu.VMEM((CHUNK, D), jnp.float32),
            pltpu.VMEM((CHUNK, D), jnp.float32),
            pltpu.VMEM((CHUNK,), jnp.float32),
            pltpu.SemaphoreType.DMA,
            pltpu.SemaphoreType.DMA,
            pltpu.SemaphoreType.DMA,
            pltpu.SemaphoreType.DMA,
            pltpu.SemaphoreType.DMA,
            pltpu.SemaphoreType.DMA,
        ],
    )
    cr, cg, cb = f(
        coords[:, 0].astype(jnp.int32), coords[:, 1].astype(jnp.int32), table
    )
    return jnp.stack([cr, cg, cb], axis=-1)

# --- scband reference (transcript-rebuilt; emitter-appended) ---
"""Pipeline reference for scband-get-colors-47588237639994 (READ-ONLY COPY).

The authoritative reference and input builder live on the scoring server;
editing this copy changes nothing except your own understanding.
"""

import jax, jax.numpy as jnp
import numpy as np

WIDTH = 512

def setup_inputs(seed: int = 0) -> dict:
    key = jax.random.key(seed)
    k1, k2 = jax.random.split(key)
    coords = jax.random.randint(k1, (1048576, 2), 0, 512, dtype=jnp.int64) if jax.config.jax_enable_x64 else jax.random.randint(k1, (1048576, 2), 0, 512, dtype=jnp.int32)
    image = jax.random.normal(k2, (512, 512, 3), dtype=jnp.float32)
    return {"coords": coords, "image": image}

def reference(coords, image):
    colors_r = image[..., 0]
    colors_g = image[..., 1]
    colors_b = image[..., 2]
    indic = (coords[:, 0] * WIDTH + coords[:, 1]).astype(jnp.int32)
    # torch.take flattens the input tensor; jnp.take with axis=None does the same
    cr = jnp.take(colors_r, indic)
    cg = jnp.take(colors_g, indic)
    cb = jnp.take(colors_b, indic)
    colors_rgb = jnp.stack([cr, cg, cb], axis=-1)
    return colors_rgb

if __name__ == "__main__":
    import jax
    _d = setup_inputs()
    print(jax.jit(kernel)(*tuple(_d.values())))

</pallas_src>

<mosaic_0001>
#map = affine_map<(d0, d1) -> (0)>
#map1 = affine_map<(d0, d1) -> (0, 0)>
module attributes {stable_mosaic.version = 14 : i64} {
  func.func @_pad_body(%arg0: i32, %arg1: i32, %arg2: memref<786432xf32, #tpu.memory_space<hbm>>, %arg3: memref<262144x8xf32, #tpu.memory_space<hbm>>, %arg4: memref<24576xf32, #tpu.memory_space<vmem>>, %arg5: memref<8192x8xf32, #tpu.memory_space<vmem>>) attributes {dimension_semantics = [#tpu.dimension_semantics<core_parallel>, #tpu.dimension_semantics<subcore_parallel>], iteration_bounds = array<i64: 2, 16>, scalar_prefetch = 0 : i64, scratch_operands = 2 : i64, tpu.core_type = #tpu.core_type<sc_vector_subcore>, window_params = [{transform_indices = #map}, {transform_indices = #map1}]} {
    %mul3A = arith.constant 2 : i32
    %mul3A_0 = arith.muli %arg1, %mul3A : i32
    %add3A = arith.addi %mul3A_0, %arg0 : i32
    %mul3A_1 = arith.constant 8192 : i32
    %mul3A_2 = arith.muli %add3A, %mul3A_1 : i32
    %mul3A_3 = arith.constant 3 : i32
    %mul3A_4 = arith.muli %mul3A_3, %mul3A_2 : i32
    "tpu.region"() ({
      %run_scoped3A = tpu.sem_alloc : memref<!tpu.dma_semaphore, #tpu.memory_space<semaphore_mem>>
      %dma_start3A = tpu.memref_slice %arg2[%mul3A_4] : memref<786432xf32, #tpu.memory_space<hbm>> -> memref<24576xf32, #tpu.memory_space<hbm>>
      %dma_start3A_177 = tpu.memref_slice %arg2[%mul3A_4] : memref<786432xf32, #tpu.memory_space<hbm>> -> memref<24576xf32, #tpu.memory_space<hbm>>
      tpu.enqueue_dma source(%dma_start3A_177 : memref<24576xf32, #tpu.memory_space<hbm>>) target(%arg4 : memref<24576xf32, #tpu.memory_space<vmem>>) target_semaphore(%run_scoped3A : memref<!tpu.dma_semaphore, #tpu.memory_space<semaphore_mem>>)
      %dma_wait3A = tpu.memref_slice %arg2[%mul3A_4] : memref<786432xf32, #tpu.memory_space<hbm>> -> memref<24576xf32, #tpu.memory_space<hbm>>
      %dma_wait3A_178 = tpu.memref_slice %arg2[%mul3A_4] : memref<786432xf32, #tpu.memory_space<hbm>> -> memref<24576xf32, #tpu.memory_space<hbm>>
      tpu.wait_dma2 semaphore(%run_scoped3A : memref<!tpu.dma_semaphore, #tpu.memory_space<semaphore_mem>>) src(%dma_wait3A_178 : memref<24576xf32, #tpu.memory_space<hbm>>) dst(%arg4 : memref<24576xf32, #tpu.memory_space<vmem>>)
      tpu.yield
    }) : () -> ()
    %iota3A = tpu.iota {dimensions = array<i32: 0>} : vector<16xi32>
    %add3A_5 = arith.constant 0 : i32
    %add3A_6 = vector.broadcast %add3A_5 : i32 to vector<16xi32>
    %add3A_7 = arith.addi %iota3A, %add3A_6 : vector<16xi32>
    %jit3A = arith.constant 3 : i32
    %div3A = vector.broadcast %jit3A : i32 to vector<16xi32>
    %div3A_8 = arith.divsi %add3A_7, %div3A : vector<16xi32>
    %sign3A = arith.constant 0 : i32
    %sign3A_9 = vector.broadcast %sign3A : i32 to vector<16xi32>
    %sign3A_10 = arith.cmpi sgt, %add3A_7, %sign3A_9 : vector<16xi32>
    %sign3A_11 = arith.extui %sign3A_10 : vector<16xi1> to vector<16xi32>
    %sign3A_12 = arith.constant 0 : i32
    %sign3A_13 = vector.broadcast %sign3A_12 : i32 to vector<16xi32>
    %sign3A_14 = arith.cmpi slt, %add3A_7, %sign3A_13 : vector<16xi32>
    %sign3A_15 = arith.extui %sign3A_14 : vector<16xi1> to vector<16xi32>
    %sign3A_16 = arith.subi %sign3A_11, %sign3A_15 : vector<16xi32>
    %sign3A_17 = arith.constant 0 : i32
    %sign3A_18 = arith.cmpi sgt, %jit3A, %sign3A_17 : i32
    %sign3A_19 = arith.extui %sign3A_18 : i1 to i32
    %sign3A_20 = arith.constant 0 : i32
    %sign3A_21 = arith.cmpi slt, %jit3A, %sign3A_20 : i32
    %sign3A_22 = arith.extui %sign3A_21 : i1 to i32
    %sign3A_23 = arith.subi %sign3A_19, %sign3A_22 : i32
    %ne3A = vector.broadcast %sign3A_23 : i32 to vector<16xi32>
    %ne3A_24 = arith.cmpi ne, %sign3A_16, %ne3A : vector<16xi32>
    %rem3A = vector.broadcast %jit3A : i32 to vector<16xi32>
    %rem3A_25 = arith.remsi %add3A_7, %rem3A : vector<16xi32>
    %ne3A_26 = arith.constant 0 : i32
    %ne3A_27 = vector.broadcast %ne3A_26 : i32 to vector<16xi32>
    %ne3A_28 = arith.cmpi ne, %rem3A_25, %ne3A_27 : vector<16xi32>
    %and3A = arith.andi %ne3A_24, %ne3A_28 : vector<16xi1>
    %sub3A = arith.constant 1 : i32
    %sub3A_29 = vector.broadcast %sub3A : i32 to vector<16xi32>
    %sub3A_30 = arith.subi %div3A_8, %sub3A_29 : vector<16xi32>
    %select_n3A = arith.select %and3A, %sub3A_30, %div3A_8 : vector<16xi1>, vector<16xi32>
    %add3A_31 = arith.constant 16 : i32
    %add3A_32 = vector.broadcast %add3A_31 : i32 to vector<16xi32>
    %add3A_33 = arith.addi %iota3A, %add3A_32 : vector<16xi32>
    %jit3A_34 = arith.constant 3 : i32
    %div3A_35 = vector.broadcast %jit3A_34 : i32 to vector<16xi32>
    %div3A_36 = arith.divsi %add3A_33, %div3A_35 : vector<16xi32>
    %sign3A_37 = arith.constant 0 : i32
    %sign3A_38 = vector.broadcast %sign3A_37 : i32 to vector<16xi32>
    %sign3A_39 = arith.cmpi sgt, %add3A_33, %sign3A_38 : vector<16xi32>
    %sign3A_40 = arith.extui %sign3A_39 : vector<16xi1> to vector<16xi32>
    %sign3A_41 = arith.constant 0 : i32
    %sign3A_42 = vector.broadcast %sign3A_41 : i32 to vector<16xi32>
    %sign3A_43 = arith.cmpi slt, %add3A_33, %sign3A_42 : vector<16xi32>
    %sign3A_44 = arith.extui %sign3A_43 : vector<16xi1> to vector<16xi32>
    %sign3A_45 = arith.subi %sign3A_40, %sign3A_44 : vector<16xi32>
    %sign3A_46 = arith.constant 0 : i32
    %sign3A_47 = arith.cmpi sgt, %jit3A_34, %sign3A_46 : i32
    %sign3A_48 = arith.extui %sign3A_47 : i1 to i32
    %sign3A_49 = arith.constant 0 : i32
    %sign3A_50 = arith.cmpi slt, %jit3A_34, %sign3A_49 : i32
    %sign3A_51 = arith.extui %sign3A_50 : i1 to i32
    %sign3A_52 = arith.subi %sign3A_48, %sign3A_51 : i32
    %ne3A_53 = vector.broadcast %sign3A_52 : i32 to vector<16xi32>
    %ne3A_54 = arith.cmpi ne, %sign3A_45, %ne3A_53 : vector<16xi32>
    %rem3A_55 = vector.broadcast %jit3A_34 : i32 to vector<16xi32>
    %rem3A_56 = arith.remsi %add3A_33, %rem3A_55 : vector<16xi32>
    %ne3A_57 = arith.constant 0 : i32
    %ne3A_58 = vector.broadcast %ne3A_57 : i32 to vector<16xi32>
    %ne3A_59 = arith.cmpi ne, %rem3A_56, %ne3A_58 : vector<16xi32>
    %and3A_60 = arith.andi %ne3A_54, %ne3A_59 : vector<16xi1>
    %sub3A_61 = arith.constant 1 : i32
    %sub3A_62 = vector.broadcast %sub3A_61 : i32 to vector<16xi32>
    %sub3A_63 = arith.subi %div3A_36, %sub3A_62 : vector<16xi32>
    %select_n3A_64 = arith.select %and3A_60, %sub3A_63, %div3A_36 : vector<16xi1>, vector<16xi32>
    %add3A_65 = arith.constant 32 : i32
    %add3A_66 = vector.broadcast %add3A_65 : i32 to vector<16xi32>
    %add3A_67 = arith.addi %iota3A, %add3A_66 : vector<16xi32>
    %jit3A_68 = arith.constant 3 : i32
    %div3A_69 = vector.broadcast %jit3A_68 : i32 to vector<16xi32>
    %div3A_70 = arith.divsi %add3A_67, %div3A_69 : vector<16xi32>
    %sign3A_71 = arith.constant 0 : i32
    %sign3A_72 = vector.broadcast %sign3A_71 : i32 to vector<16xi32>
    %sign3A_73 = arith.cmpi sgt, %add3A_67, %sign3A_72 : vector<16xi32>
    %sign3A_74 = arith.extui %sign3A_73 : vector<16xi1> to vector<16xi32>
    %sign3A_75 = arith.constant 0 : i32
    %sign3A_76 = vector.broadcast %sign3A_75 : i32 to vector<16xi32>
    %sign3A_77 = arith.cmpi slt, %add3A_67, %sign3A_76 : vector<16xi32>
    %sign3A_78 = arith.extui %sign3A_77 : vector<16xi1> to vector<16xi32>
    %sign3A_79 = arith.subi %sign3A_74, %sign3A_78 : vector<16xi32>
    %sign3A_80 = arith.constant 0 : i32
    %sign3A_81 = arith.cmpi sgt, %jit3A_68, %sign3A_80 : i32
    %sign3A_82 = arith.extui %sign3A_81 : i1 to i32
    %sign3A_83 = arith.constant 0 : i32
    %sign3A_84 = arith.cmpi slt, %jit3A_68, %sign3A_83 : i32
    %sign3A_85 = arith.extui %sign3A_84 : i1 to i32
    %sign3A_86 = arith.subi %sign3A_82, %sign3A_85 : i32
    %ne3A_87 = vector.broadcast %sign3A_86 : i32 to vector<16xi32>
    %ne3A_88 = arith.cmpi ne, %sign3A_79, %ne3A_87 : vector<16xi32>
    %rem3A_89 = vector.broadcast %jit3A_68 : i32 to vector<16xi32>
    %rem3A_90 = arith.remsi %add3A_67, %rem3A_89 : vector<16xi32>
    %ne3A_91 = arith.constant 0 : i32
    %ne3A_92 = vector.broadcast %ne3A_91 : i32 to vector<16xi32>
    %ne3A_93 = arith.cmpi ne, %rem3A_90, %ne3A_92 : vector<16xi32>
    %and3A_94 = arith.andi %ne3A_88, %ne3A_93 : vector<16xi1>
    %sub3A_95 = arith.constant 1 : i32
    %sub3A_96 = vector.broadcast %sub3A_95 : i32 to vector<16xi32>
    %sub3A_97 = arith.subi %div3A_70, %sub3A_96 : vector<16xi32>
    %select_n3A_98 = arith.select %and3A_94, %sub3A_97, %div3A_70 : vector<16xi1>, vector<16xi32>
    %add3A_99 = arith.constant 0 : i32
    %add3A_100 = vector.broadcast %add3A_99 : i32 to vector<16xi32>
    %add3A_101 = arith.addi %iota3A, %add3A_100 : vector<16xi32>
    %jit3A_102 = arith.constant 3 : i32
    %eq3A = arith.constant 0 : i32
    %eq3A_103 = arith.cmpi eq, %jit3A_102, %eq3A : i32
    %jit3A_104 = arith.constant 1 : i32
    %select_n3A_105 = arith.select %eq3A_103, %jit3A_104, %jit3A_102 : i32
    %rem3A_106 = vector.broadcast %select_n3A_105 : i32 to vector<16xi32>
    %rem3A_107 = arith.remsi %add3A_101, %rem3A_106 : vector<16xi32>
    %ne3A_108 = arith.constant 0 : i32
    %ne3A_109 = vector.broadcast %ne3A_108 : i32 to vector<16xi32>
    %ne3A_110 = arith.cmpi ne, %rem3A_107, %ne3A_109 : vector<16xi32>
    %lt3A = arith.constant 0 : i32
    %lt3A_111 = vector.broadcast %lt3A : i32 to vector<16xi32>
    %lt3A_112 = arith.cmpi slt, %rem3A_107, %lt3A_111 : vector<16xi32>
    %lt3A_113 = arith.constant 0 : i32
    %lt3A_114 = arith.cmpi slt, %select_n3A_105, %lt3A_113 : i32
    %ne3A_115 = vector.broadcast %lt3A_114 : i1 to vector<16xi1>
    %ne3A_116 = vector.broadcast %ne3A_115 : vector<16xi1> to vector<16xi1>
    %ne3A_117 = arith.xori %lt3A_112, %ne3A_116 : vector<16xi1>
    %and3A_118 = arith.andi %ne3A_117, %ne3A_110 : vector<16xi1>
    %add3A_119 = vector.broadcast %select_n3A_105 : i32 to vector<16xi32>
    %add3A_120 = arith.addi %rem3A_107, %add3A_119 : vector<16xi32>
    %select_n3A_121 = arith.select %and3A_118, %add3A_120, %rem3A_107 : vector<16xi1>, vector<16xi32>
    %add3A_122 = arith.constant 16 : i32
    %add3A_123 = vector.broadcast %add3A_122 : i32 to vector<16xi32>
    %add3A_124 = arith.addi %iota3A, %add3A_123 : vector<16xi32>
    %jit3A_125 = arith.constant 3 : i32
    %eq3A_126 = arith.constant 0 : i32
    %eq3A_127 = arith.cmpi eq, %jit3A_125, %eq3A_126 : i32
    %jit3A_128 = arith.constant 1 : i32
    %select_n3A_129 = arith.select %eq3A_127, %jit3A_128, %jit3A_125 : i32
    %rem3A_130 = vector.broadcast %select_n3A_129 : i32 to vector<16xi32>
    %rem3A_131 = arith.remsi %add3A_124, %rem3A_130 : vector<16xi32>
    %ne3A_132 = arith.constant 0 : i32
    %ne3A_133 = vector.broadcast %ne3A_132 : i32 to vector<16xi32>
    %ne3A_134 = arith.cmpi ne, %rem3A_131, %ne3A_133 : vector<16xi32>
    %lt3A_135 = arith.constant 0 : i32
    %lt3A_136 = vector.broadcast %lt3A_135 : i32 to vector<16xi32>
    %lt3A_137 = arith.cmpi slt, %rem3A_131, %lt3A_136 : vector<16xi32>
    %lt3A_138 = arith.constant 0 : i32
    %lt3A_139 = arith.cmpi slt, %select_n3A_129, %lt3A_138 : i32
    %ne3A_140 = vector.broadcast %lt3A_139 : i1 to vector<16xi1>
    %ne3A_141 = vector.broadcast %ne3A_140 : vector<16xi1> to vector<16xi1>
    %ne3A_142 = arith.xori %lt3A_137, %ne3A_141 : vector<16xi1>
    %and3A_143 = arith.andi %ne3A_142, %ne3A_134 : vector<16xi1>
    %add3A_144 = vector.broadcast %select_n3A_129 : i32 to vector<16xi32>
    %add3A_145 = arith.addi %rem3A_131, %add3A_144 : vector<16xi32>
    %select_n3A_146 = arith.select %and3A_143, %add3A_145, %rem3A_131 : vector<16xi1>, vector<16xi32>
    %add3A_147 = arith.constant 32 : i32
    %add3A_148 = vector.broadcast %add3A_147 : i32 to vector<16xi32>
    %add3A_149 = arith.addi %iota3A, %add3A_148 : vector<16xi32>
    %jit3A_150 = arith.constant 3 : i32
    %eq3A_151 = arith.constant 0 : i32
    %eq3A_152 = arith.cmpi eq, %jit3A_150, %eq3A_151 : i32
    %jit3A_153 = arith.constant 1 : i32
    %select_n3A_154 = arith.select %eq3A_152, %jit3A_153, %jit3A_150 : i32
    %rem3A_155 = vector.broadcast %select_n3A_154 : i32 to vector<16xi32>
    %rem3A_156 = arith.remsi %add3A_149, %rem3A_155 : vector<16xi32>
    %ne3A_157 = arith.constant 0 : i32
    %ne3A_158 = vector.broadcast %ne3A_157 : i32 to vector<16xi32>
    %ne3A_159 = arith.cmpi ne, %rem3A_156, %ne3A_158 : vector<16xi32>
    %lt3A_160 = arith.constant 0 : i32
    %lt3A_161 = vector.broadcast %lt3A_160 : i32 to vector<16xi32>
    %lt3A_162 = arith.cmpi slt, %rem3A_156, %lt3A_161 : vector<16xi32>
    %lt3A_163 = arith.constant 0 : i32
    %lt3A_164 = arith.cmpi slt, %select_n3A_154, %lt3A_163 : i32
    %ne3A_165 = vector.broadcast %lt3A_164 : i1 to vector<16xi1>
    %ne3A_166 = vector.broadcast %ne3A_165 : vector<16xi1> to vector<16xi1>
    %ne3A_167 = arith.xori %lt3A_162, %ne3A_166 : vector<16xi1>
    %and3A_168 = arith.andi %ne3A_167, %ne3A_159 : vector<16xi1>
    %add3A_169 = vector.broadcast %select_n3A_154 : i32 to vector<16xi32>
    %add3A_170 = arith.addi %rem3A_156, %add3A_169 : vector<16xi32>
    %select_n3A_171 = arith.select %and3A_168, %add3A_170, %rem3A_156 : vector<16xi1>, vector<16xi32>
    %scan3A = arith.constant 0 : i32
    %scan3A_172 = arith.constant 0 : i32
    %scan3A_173 = arith.constant 512 : i32
    %scan3A_174 = arith.addi %scan3A_172, %scan3A_173 : i32
    %scan3A_175 = arith.constant 1 : i32
    scf.for %scan3A_177 = %scan3A_172 to %scan3A_174 step %scan3A_175  : i32 {
      %mul3A_178 = arith.constant 48 : i32
      %mul3A_179 = arith.muli %mul3A_178, %scan3A_177 : i32
      %add3A_180 = arith.constant 0 : i32
      %add3A_181 = arith.addi %mul3A_179, %add3A_180 : i32
      %get3A = arith.index_cast %add3A_181 : i32 to index
      %get3A_182 = tpu.vector_load %arg4[%get3A] {strides = array<i32>} : memref<24576xf32, #tpu.memory_space<vmem>>, vector<16xf32>,
      %mul3A_183 = arith.constant 16 : i32
      %mul3A_184 = arith.muli %mul3A_183, %scan3A_177 : i32
      %add3A_185 = vector.broadcast %mul3A_184 : i32 to vector<16xi32>
      %add3A_186 = arith.addi %select_n3A, %add3A_185 : vector<16xi32>
      tpu.vector_store_idx %arg5[%add3A_186, %select_n3A_121], %get3A_182 : memref<8192x8xf32, #tpu.memory_space<vmem>>[vector<16xi32>, vector<16xi32>], vector<16xf32>,
      %mul3A_187 = arith.constant 48 : i32
      %mul3A_188 = arith.muli %mul3A_187, %scan3A_177 : i32
      %add3A_189 = arith.constant 16 : i32
      %add3A_190 = arith.addi %mul3A_188, %add3A_189 : i32
      %get3A_191 = arith.index_cast %add3A_190 : i32 to index
      %get3A_192 = tpu.vector_load %arg4[%get3A_191] {strides = array<i32>} : memref<24576xf32, #tpu.memory_space<vmem>>, vector<16xf32>,
      %mul3A_193 = arith.constant 16 : i32
      %mul3A_194 = arith.muli %mul3A_193, %scan3A_177 : i32
      %add3A_195 = vector.broadcast %mul3A_194 : i32 to vector<16xi32>
      %add3A_196 = arith.addi %select_n3A_64, %add3A_195 : vector<16xi32>
      tpu.vector_store_idx %arg5[%add3A_196, %select_n3A_146], %get3A_192 : memref<8192x8xf32, #tpu.memory_space<vmem>>[vector<16xi32>, vector<16xi32>], vector<16xf32>,
      %mul3A_197 = arith.constant 48 : i32
      %mul3A_198 = arith.muli %mul3A_197, %scan3A_177 : i32
      %add3A_199 = arith.constant 32 : i32
      %add3A_200 = arith.addi %mul3A_198, %add3A_199 : i32
      %get3A_201 = arith.index_cast %add3A_200 : i32 to index
      %get3A_202 = tpu.vector_load %arg4[%get3A_201] {strides = array<i32>} : memref<24576xf32, #tpu.memory_space<vmem>>, vector<16xf32>,
      %mul3A_203 = arith.constant 16 : i32
      %mul3A_204 = arith.muli %mul3A_203, %scan3A_177 : i32
      %add3A_205 = vector.broadcast %mul3A_204 : i32 to vector<16xi32>
      %add3A_206 = arith.addi %select_n3A_98, %add3A_205 : vector<16xi32>
      tpu.vector_store_idx %arg5[%add3A_206, %select_n3A_171], %get3A_202 : memref<8192x8xf32, #tpu.memory_space<vmem>>[vector<16xi32>, vector<16xi32>], vector<16xf32>,
    }
    %scan3A_176 = arith.constant 512 : i32
    "tpu.region"() ({
      %run_scoped3A = tpu.sem_alloc : memref<!tpu.dma_semaphore, #tpu.memory_space<semaphore_mem>>
      %dma_start3A = arith.constant 0 : i32
      %dma_start3A_177 = tpu.memref_slice %arg3[%mul3A_2, %dma_start3A] : memref<262144x8xf32, #tpu.memory_space<hbm>> -> memref<8192x8xf32, #tpu.memory_space<hbm>>
      %dma_start3A_178 = arith.constant 0 : i32
      %dma_start3A_179 = tpu.memref_slice %arg3[%mul3A_2, %dma_start3A_178] : memref<262144x8xf32, #tpu.memory_space<hbm>> -> memref<8192x8xf32, #tpu.memory_space<hbm>>
      tpu.enqueue_dma source(%arg5 : memref<8192x8xf32, #tpu.memory_space<vmem>>) target(%dma_start3A_179 : memref<8192x8xf32, #tpu.memory_space<hbm>>) target_semaphore(%run_scoped3A : memref<!tpu.dma_semaphore, #tpu.memory_space<semaphore_mem>>)
      %dma_wait3A = arith.constant 0 : i32
      %dma_wait3A_180 = tpu.memref_slice %arg3[%mul3A_2, %dma_wait3A] : memref<262144x8xf32, #tpu.memory_space<hbm>> -> memref<8192x8xf32, #tpu.memory_space<hbm>>
      %dma_wait3A_181 = arith.constant 0 : i32
      %dma_wait3A_182 = tpu.memref_slice %arg3[%mul3A_2, %dma_wait3A_181] : memref<262144x8xf32, #tpu.memory_space<hbm>> -> memref<8192x8xf32, #tpu.memory_space<hbm>>
      tpu.wait_dma2 semaphore(%run_scoped3A : memref<!tpu.dma_semaphore, #tpu.memory_space<semaphore_mem>>) src(%arg5 : memref<8192x8xf32, #tpu.memory_space<vmem>>) dst(%dma_wait3A_182 : memref<8192x8xf32, #tpu.memory_space<hbm>>)
      tpu.yield
    }) : () -> ()
    return
  }
}

#map = affine_map<(d0, d1) -> (0)>
#map1 = affine_map<(d0, d1) -> (0, 0)>
module attributes {stable_mosaic.version = 14 : i64} {
  func.func @_body(%arg0: i32, %arg1: i32, %arg2: memref<1048576xi32, #tpu.memory_space<hbm>>, %arg3: memref<1048576xi32, #tpu.memory_space<hbm>>, %arg4: memref<262144x8xf32, #tpu.memory_space<hbm>>, %arg5: memref<1048576xf32, #tpu.memory_space<hbm>>, %arg6: memref<1048576xf32, #tpu.memory_space<hbm>>, %arg7: memref<1048576xf32, #tpu.memory_space<hbm>>, %arg8: memref<2048xi32, #tpu.memory_space<vmem>>, %arg9: memref<2048xi32, #tpu.memory_space<vmem>>, %arg10: memref<2048xi32, #tpu.memory_space<vmem>>, %arg11: memref<2048xi32, #tpu.memory_space<vmem>>, %arg12: memref<16x128xi32, #tpu.memory_space<vmem>>, %arg13: memref<16x128xi32, #tpu.memory_space<vmem>>, %arg14: memref<2048x8xf32, #tpu.memory_space<vmem>>, %arg15: memref<2048x8xf32, #tpu.memory_space<vmem>>, %arg16: memref<2048xf32, #tpu.memory_space<vmem>>, %arg17: memref<!tpu.dma_semaphore, #tpu.memory_space<semaphore_mem>>, %arg18: memref<!tpu.dma_semaphore, #tpu.memory_space<semaphore_mem>>, %arg19: memref<!tpu.dma_semaphore, #tpu.memory_space<semaphore_mem>>, %arg20: memref<!tpu.dma_semaphore, #tpu.memory_space<semaphore_mem>>, %arg21: memref<!tpu.dma_semaphore, #tpu.memory_space<semaphore_mem>>, %arg22: memref<!tpu.dma_semaphore, #tpu.memory_space<semaphore_mem>>) attributes {dimension_semantics = [#tpu.dimension_semantics<core_parallel>, #tpu.dimension_semantics<subcore_parallel>], iteration_bounds = array<i64: 2, 16>, scalar_prefetch = 0 : i64, scratch_operands = 15 : i64, tpu.core_type = #tpu.core_type<sc_vector_subcore>, window_params = [{transform_indices = #map}, {transform_indices = #map}, {transform_indices = #map1}, {transform_indices = #map}, {transform_indices = #map}, {transform_indices = #map}]} {
    %mul3A = arith.constant 2 : i32
    %mul3A_0 = arith.muli %arg1, %mul3A : i32
    %add3A = arith.addi %mul3A_0, %arg0 : i32
    %mul3A_1 = arith.constant 32768 : i32
    %mul3A_2 = arith.muli %add3A, %mul3A_1 : i32
    %iota3A = tpu.iota {dimensions = array<i32: 0>} : vector<16xi32>
    %add3A_3 = arith.constant 0 : i32
    %add3A_4 = arith.addi %mul3A_2, %add3A_3 : i32
    %add3A_5 = arith.constant 0 : i32
    %add3A_6 = arith.addi %mul3A_2, %add3A_5 : i32
    %dma_start3A = tpu.memref_slice %arg2[%add3A_4] : memref<1048576xi32, #tpu.memory_space<hbm>> -> memref<2048xi32, #tpu.memory_space<hbm>>
    %dma_start3A_7 = tpu.memref_slice %arg2[%add3A_4] : memref<1048576xi32, #tpu.memory_space<hbm>> -> memref<2048xi32, #tpu.memory_space<hbm>>
    tpu.enqueue_dma source(%dma_start3A_7 : memref<2048xi32, #tpu.memory_space<hbm>>) target(%arg8 : memref<2048xi32, #tpu.memory_space<vmem>>) target_semaphore(%arg17 : memref<!tpu.dma_semaphore, #tpu.memory_space<semaphore_mem>>)
    %dma_start3A_8 = tpu.memref_slice %arg3[%add3A_6] : memref<1048576xi32, #tpu.memory_space<hbm>> -> memref<2048xi32, #tpu.memory_space<hbm>>
    %dma_start3A_9 = tpu.memref_slice %arg3[%add3A_6] : memref<1048576xi32, #tpu.memory_space<hbm>> -> memref<2048xi32, #tpu.memory_space<hbm>>
    tpu.enqueue_dma source(%dma_start3A_9 : memref<2048xi32, #tpu.memory_space<hbm>>) target(%arg10 : memref<2048xi32, #tpu.memory_space<vmem>>) target_semaphore(%arg19 : memref<!tpu.dma_semaphore, #tpu.memory_space<semaphore_mem>>)
    %scan3A = arith.constant 0 : i32
    %scan3A_10 = arith.constant 0 : i32
    %scan3A_11 = arith.constant 8 : i32
    %scan3A_12 = arith.addi %scan3A_10, %scan3A_11 : i32
    %scan3A_13 = arith.constant 1 : i32
    scf.for %scan3A_212 = %scan3A_10 to %scan3A_12 step %scan3A_13  : i32 {
      %mul3A_213 = arith.constant 2 : i32
      %mul3A_214 = arith.muli %mul3A_213, %scan3A_212 : i32
      %add3A_215 = arith.constant 0 : i32
      %add3A_216 = arith.addi %mul3A_214, %add3A_215 : i32
      %mul3A_217 = arith.constant 2048 : i32
      %mul3A_218 = arith.muli %add3A_216, %mul3A_217 : i32
      %add3A_219 = arith.addi %mul3A_2, %mul3A_218 : i32
      %mul3A_220 = arith.constant 2048 : i32
      %mul3A_221 = arith.muli %add3A_216, %mul3A_220 : i32
      %add3A_222 = arith.addi %mul3A_2, %mul3A_221 : i32
      %dma_wait3A_223 = tpu.memref_slice %arg2[%add3A_219] : memref<1048576xi32, #tpu.memory_space<hbm>> -> memref<2048xi32, #tpu.memory_space<hbm>>
      %dma_wait3A_224 = tpu.memref_slice %arg2[%add3A_219] : memref<1048576xi32, #tpu.memory_space<hbm>> -> memref<2048xi32, #tpu.memory_space<hbm>>
      tpu.wait_dma2 semaphore(%arg17 : memref<!tpu.dma_semaphore, #tpu.memory_space<semaphore_mem>>) src(%dma_wait3A_224 : memref<2048xi32, #tpu.memory_space<hbm>>) dst(%arg8 : memref<2048xi32, #tpu.memory_space<vmem>>)
      %dma_wait3A_225 = tpu.memref_slice %arg3[%add3A_222] : memref<1048576xi32, #tpu.memory_space<hbm>> -> memref<2048xi32, #tpu.memory_space<hbm>>
      %dma_wait3A_226 = tpu.memref_slice %arg3[%add3A_222] : memref<1048576xi32, #tpu.memory_space<hbm>> -> memref<2048xi32, #tpu.memory_space<hbm>>
      tpu.wait_dma2 semaphore(%arg19 : memref<!tpu.dma_semaphore, #tpu.memory_space<semaphore_mem>>) src(%dma_wait3A_226 : memref<2048xi32, #tpu.memory_space<hbm>>) dst(%arg10 : memref<2048xi32, #tpu.memory_space<vmem>>)
      %add3A_227 = arith.constant 1 : i32
      %add3A_228 = arith.addi %add3A_216, %add3A_227 : i32
      %lt3A = arith.constant 16 : i32
      %lt3A_229 = arith.cmpi slt, %add3A_228, %lt3A : i32
      %convert_element_type3A = arith.extui %lt3A_229 : i1 to i32
      %cond3A = arith.constant 0 : i32
      %cond3A_230 = arith.cmpi ne, %convert_element_type3A, %cond3A : i32
      scf.if %cond3A_230 {
        %add3A_593 = arith.constant 1 : i32
        %add3A_594 = arith.addi %add3A_216, %add3A_593 : i32
        %mul3A_595 = arith.constant 2048 : i32
        %mul3A_596 = arith.muli %add3A_594, %mul3A_595 : i32
        %add3A_597 = arith.addi %mul3A_2, %mul3A_596 : i32
        %mul3A_598 = arith.constant 2048 : i32
        %mul3A_599 = arith.muli %add3A_594, %mul3A_598 : i32
        %add3A_600 = arith.addi %mul3A_2, %mul3A_599 : i32
        %dma_start3A_601 = tpu.memref_slice %arg2[%add3A_597] : memref<1048576xi32, #tpu.memory_space<hbm>> -> memref<2048xi32, #tpu.memory_space<hbm>>
        %dma_start3A_602 = tpu.memref_slice %arg2[%add3A_597] : memref<1048576xi32, #tpu.memory_space<hbm>> -> memref<2048xi32, #tpu.memory_space<hbm>>
        tpu.enqueue_dma source(%dma_start3A_602 : memref<2048xi32, #tpu.memory_space<hbm>>) target(%arg9 : memref<2048xi32, #tpu.memory_space<vmem>>) target_semaphore(%arg18 : memref<!tpu.dma_semaphore, #tpu.memory_space<semaphore_mem>>)
        %dma_start3A_603 = tpu.memref_slice %arg3[%add3A_600] : memref<1048576xi32, #tpu.memory_space<hbm>> -> memref<2048xi32, #tpu.memory_space<hbm>>
        %dma_start3A_604 = tpu.memref_slice %arg3[%add3A_600] : memref<1048576xi32, #tpu.memory_space<hbm>> -> memref<2048xi32, #tpu.memory_space<hbm>>
        tpu.enqueue_dma source(%dma_start3A_604 : memref<2048xi32, #tpu.memory_space<hbm>>) target(%arg11 : memref<2048xi32, #tpu.memory_space<vmem>>) target_semaphore(%arg20 : memref<!tpu.dma_semaphore, #tpu.memory_space<semaphore_mem>>)
      } else {
      }
      %scan3A_231 = arith.constant 0 : i32
      %scan3A_232 = arith.constant 0 : i32
      %scan3A_233 = arith.constant 16 : i32
      %scan3A_234 = arith.addi %scan3A_232, %scan3A_233 : i32
      %scan3A_235 = arith.constant 1 : i32
      scf.for %scan3A_593 = %scan3A_232 to %scan3A_234 step %scan3A_235  : i32 {
        %mul3A_594 = arith.constant 128 : i32
        %mul3A_595 = arith.muli %scan3A_593, %mul3A_594 : i32
        %add3A_596 = arith.constant 0 : i32
        %add3A_597 = arith.addi %mul3A_595, %add3A_596 : i32
        %get3A = arith.index_cast %add3A_597 : i32 to index
        %get3A_598 = tpu.vector_load %arg8[%get3A] {strides = array<i32>} : memref<2048xi32, #tpu.memory_space<vmem>>, vector<16xi32>,
        %get3A_599 = arith.index_cast %add3A_597 : i32 to index
        %get3A_600 = tpu.vector_load %arg10[%get3A_599] {strides = array<i32>} : memref<2048xi32, #tpu.memory_space<vmem>>, vector<16xi32>,
        %mul3A_601 = arith.constant 512 : i32
        %mul3A_602 = vector.broadcast %mul3A_601 : i32 to vector<16xi32>
        %mul3A_603 = arith.muli %get3A_598, %mul3A_602 : vector<16xi32>
        %add3A_604 = arith.addi %mul3A_603, %get3A_600 : vector<16xi32>
        %swap3A = arith.index_cast %scan3A_593 : i32 to index
        %swap3A_605 = arith.constant 0 : index
        %swap3A_606 = tpu.vector_load %arg12[%swap3A, %swap3A_605] {strides = array<i32>} : memref<16x128xi32, #tpu.memory_space<vmem>>, vector<16xi32>,
        tpu.vector_store %arg12[%swap3A, %swap3A_605], %add3A_604 {strides = array<i32>} : memref<16x128xi32, #tpu.memory_space<vmem>>, vector<16xi32>,
        %mul3A_607 = arith.constant 128 : i32
        %mul3A_608 = arith.muli %scan3A_593, %mul3A_607 : i32
        %add3A_609 = arith.constant 16 : i32
        %add3A_610 = arith.addi %mul3A_608, %add3A_609 : i32
        %get3A_611 = arith.index_cast %add3A_610 : i32 to index
        %get3A_612 = tpu.vector_load %arg8[%get3A_611] {strides = array<i32>} : memref<2048xi32, #tpu.memory_space<vmem>>, vector<16xi32>,
        %get3A_613 = arith.index_cast %add3A_610 : i32 to index
        %get3A_614 = tpu.vector_load %arg10[%get3A_613] {strides = array<i32>} : memref<2048xi32, #tpu.memory_space<vmem>>, vector<16xi32>,
        %mul3A_615 = arith.constant 512 : i32
        %mul3A_616 = vector.broadcast %mul3A_615 : i32 to vector<16xi32>
        %mul3A_617 = arith.muli %get3A_612, %mul3A_616 : vector<16xi32>
        %add3A_618 = arith.addi %mul3A_617, %get3A_614 : vector<16xi32>
        %swap3A_619 = arith.index_cast %scan3A_593 : i32 to index
        %swap3A_620 = arith.constant 16 : index
        %swap3A_621 = tpu.vector_load %arg12[%swap3A_619, %swap3A_620] {strides = array<i32>} : memref<16x128xi32, #tpu.memory_space<vmem>>, vector<16xi32>,
        tpu.vector_store %arg12[%swap3A_619, %swap3A_620], %add3A_618 {strides = array<i32>} : memref<16x128xi32, #tpu.memory_space<vmem>>, vector<16xi32>,
        %mul3A_622 = arith.constant 128 : i32
        %mul3A_623 = arith.muli %scan3A_593, %mul3A_622 : i32
        %add3A_624 = arith.constant 32 : i32
        %add3A_625 = arith.addi %mul3A_623, %add3A_624 : i32
        %get3A_626 = arith.index_cast %add3A_625 : i32 to index
        %get3A_627 = tpu.vector_load %arg8[%get3A_626] {strides = array<i32>} : memref<2048xi32, #tpu.memory_space<vmem>>, vector<16xi32>,
        %get3A_628 = arith.index_cast %add3A_625 : i32 to index
        %get3A_629 = tpu.vector_load %arg10[%get3A_628] {strides = array<i32>} : memref<2048xi32, #tpu.memory_space<vmem>>, vector<16xi32>,
        %mul3A_630 = arith.constant 512 : i32
        %mul3A_631 = vector.broadcast %mul3A_630 : i32 to vector<16xi32>
        %mul3A_632 = arith.muli %get3A_627, %mul3A_631 : vector<16xi32>
        %add3A_633 = arith.addi %mul3A_632, %get3A_629 : vector<16xi32>
        %swap3A_634 = arith.index_cast %scan3A_593 : i32 to index
        %swap3A_635 = arith.constant 32 : index
        %swap3A_636 = tpu.vector_load %arg12[%swap3A_634, %swap3A_635] {strides = array<i32>} : memref<16x128xi32, #tpu.memory_space<vmem>>, vector<16xi32>,
        tpu.vector_store %arg12[%swap3A_634, %swap3A_635], %add3A_633 {strides = array<i32>} : memref<16x128xi32, #tpu.memory_space<vmem>>, vector<16xi32>,
        %mul3A_637 = arith.constant 128 : i32
        %mul3A_638 = arith.muli %scan3A_593, %mul3A_637 : i32
        %add3A_639 = arith.constant 48 : i32
        %add3A_640 = arith.addi %mul3A_638, %add3A_639 : i32
        %get3A_641 = arith.index_cast %add3A_640 : i32 to index
        %get3A_642 = tpu.vector_load %arg8[%get3A_641] {strides = array<i32>} : memref<2048xi32, #tpu.memory_space<vmem>>, vector<16xi32>,
        %get3A_643 = arith.index_cast %add3A_640 : i32 to index
        %get3A_644 = tpu.vector_load %arg10[%get3A_643] {strides = array<i32>} : memref<2048xi32, #tpu.memory_space<vmem>>, vector<16xi32>,
        %mul3A_645 = arith.constant 512 : i32
        %mul3A_646 = vector.broadcast %mul3A_645 : i32 to vector<16xi32>
        %mul3A_647 = arith.muli %get3A_642, %mul3A_646 : vector<16xi32>
        %add3A_648 = arith.addi %mul3A_647, %get3A_644 : vector<16xi32>
        %swap3A_649 = arith.index_cast %scan3A_593 : i32 to index
        %swap3A_650 = arith.constant 48 : index
        %swap3A_651 = tpu.vector_load %arg12[%swap3A_649, %swap3A_650] {strides = array<i32>} : memref<16x128xi32, #tpu.memory_space<vmem>>, vector<16xi32>,
        tpu.vector_store %arg12[%swap3A_649, %swap3A_650], %add3A_648 {strides = array<i32>} : memref<16x128xi32, #tpu.memory_space<vmem>>, vector<16xi32>,
        %mul3A_652 = arith.constant 128 : i32
        %mul3A_653 = arith.muli %scan3A_593, %mul3A_652 : i32
        %add3A_654 = arith.constant 64 : i32
        %add3A_655 = arith.addi %mul3A_653, %add3A_654 : i32
        %get3A_656 = arith.index_cast %add3A_655 : i32 to index
        %get3A_657 = tpu.vector_load %arg8[%get3A_656] {strides = array<i32>} : memref<2048xi32, #tpu.memory_space<vmem>>, vector<16xi32>,
        %get3A_658 = arith.index_cast %add3A_655 : i32 to index
        %get3A_659 = tpu.vector_load %arg10[%get3A_658] {strides = array<i32>} : memref<2048xi32, #tpu.memory_space<vmem>>, vector<16xi32>,
        %mul3A_660 = arith.constant 512 : i32
        %mul3A_661 = vector.broadcast %mul3A_660 : i32 to vector<16xi32>
        %mul3A_662 = arith.muli %get3A_657, %mul3A_661 : vector<16xi32>
        %add3A_663 = arith.addi %mul3A_662, %get3A_659 : vector<16xi32>
        %swap3A_664 = arith.index_cast %scan3A_593 : i32 to index
        %swap3A_665 = arith.constant 64 : index
        %swap3A_666 = tpu.vector_load %arg12[%swap3A_664, %swap3A_665] {strides = array<i32>} : memref<16x128xi32, #tpu.memory_space<vmem>>, vector<16xi32>,
        tpu.vector_store %arg12[%swap3A_664, %swap3A_665], %add3A_663 {strides = array<i32>} : memref<16x128xi32, #tpu.memory_space<vmem>>, vector<16xi32>,
        %mul3A_667 = arith.constant 128 : i32
        %mul3A_668 = arith.muli %scan3A_593, %mul3A_667 : i32
        %add3A_669 = arith.constant 80 : i32
        %add3A_670 = arith.addi %mul3A_668, %add3A_669 : i32
        %get3A_671 = arith.index_cast %add3A_670 : i32 to index
        %get3A_672 = tpu.vector_load %arg8[%get3A_671] {strides = array<i32>} : memref<2048xi32, #tpu.memory_space<vmem>>, vector<16xi32>,
        %get3A_673 = arith.index_cast %add3A_670 : i32 to index
        %get3A_674 = tpu.vector_load %arg10[%get3A_673] {strides = array<i32>} : memref<2048xi32, #tpu.memory_space<vmem>>, vector<16xi32>,
        %mul3A_675 = arith.constant 512 : i32
        %mul3A_676 = vector.broadcast %mul3A_675 : i32 to vector<16xi32>
        %mul3A_677 = arith.muli %get3A_672, %mul3A_676 : vector<16xi32>
        %add3A_678 = arith.addi %mul3A_677, %get3A_674 : vector<16xi32>
        %swap3A_679 = arith.index_cast %scan3A_593 : i32 to index
        %swap3A_680 = arith.constant 80 : index
        %swap3A_681 = tpu.vector_load %arg12[%swap3A_679, %swap3A_680] {strides = array<i32>} : memref<16x128xi32, #tpu.memory_space<vmem>>, vector<16xi32>,
        tpu.vector_store %arg12[%swap3A_679, %swap3A_680], %add3A_678 {strides = array<i32>} : memref<16x128xi32, #tpu.memory_space<vmem>>, vector<16xi32>,
        %mul3A_682 = arith.constant 128 : i32
        %mul3A_683 = arith.muli %scan3A_593, %mul3A_682 : i32
        %add3A_684 = arith.constant 96 : i32
        %add3A_685 = arith.addi %mul3A_683, %add3A_684 : i32
        %get3A_686 = arith.index_cast %add3A_685 : i32 to index
        %get3A_687 = tpu.vector_load %arg8[%get3A_686] {strides = array<i32>} : memref<2048xi32, #tpu.memory_space<vmem>>, vector<16xi32>,
        %get3A_688 = arith.index_cast %add3A_685 : i32 to index
        %get3A_689 = tpu.vector_load %arg10[%get3A_688] {strides = array<i32>} : memref<2048xi32, #tpu.memory_space<vmem>>, vector<16xi32>,
        %mul3A_690 = arith.constant 512 : i32
        %mul3A_691 = vector.broadcast %mul3A_690 : i32 to vector<16xi32>
        %mul3A_692 = arith.muli %get3A_687, %mul3A_691 : vector<16xi32>
        %add3A_693 = arith.addi %mul3A_692, %get3A_689 : vector<16xi32>
        %swap3A_694 = arith.index_cast %scan3A_593 : i32 to index
        %swap3A_695 = arith.constant 96 : index
        %swap3A_696 = tpu.vector_load %arg12[%swap3A_694, %swap3A_695] {strides = array<i32>} : memref<16x128xi32, #tpu.memory_space<vmem>>, vector<16xi32>,
        tpu.vector_store %arg12[%swap3A_694, %swap3A_695], %add3A_693 {strides = array<i32>} : memref<16x128xi32, #tpu.memory_space<vmem>>, vector<16xi32>,
        %mul3A_697 = arith.constant 128 : i32
        %mul3A_698 = arith.muli %scan3A_593, %mul3A_697 : i32
        %add3A_699 = arith.constant 112 : i32
        %add3A_700 = arith.addi %mul3A_698, %add3A_699 : i32
        %get3A_701 = arith.index_cast %add3A_700 : i32 to index
        %get3A_702 = tpu.vector_load %arg8[%get3A_701] {strides = array<i32>} : memref<2048xi32, #tpu.memory_space<vmem>>, vector<16xi32>,
        %get3A_703 = arith.index_cast %add3A_700 : i32 to index
        %get3A_704 = tpu.vector_load %arg10[%get3A_703] {strides = array<i32>} : memref<2048xi32, #tpu.memory_space<vmem>>, vector<16xi32>,
        %mul3A_705 = arith.constant 512 : i32
        %mul3A_706 = vector.broadcast %mul3A_705 : i32 to vector<16xi32>
        %mul3A_707 = arith.muli %get3A_702, %mul3A_706 : vector<16xi32>
        %add3A_708 = arith.addi %mul3A_707, %get3A_704 : vector<16xi32>
        %swap3A_709 = arith.index_cast %scan3A_593 : i32 to index
        %swap3A_710 = arith.constant 112 : index
        %swap3A_711 = tpu.vector_load %arg12[%swap3A_709, %swap3A_710] {strides = array<i32>} : memref<16x128xi32, #tpu.memory_space<vmem>>, vector<16xi32>,
        tpu.vector_store %arg12[%swap3A_709, %swap3A_710], %add3A_708 {strides = array<i32>} : memref<16x128xi32, #tpu.memory_space<vmem>>, vector<16xi32>,
      }
      %scan3A_236 = arith.constant 16 : i32
      %dma_start3A_237 = arith.constant 0 : i32
      %dma_start3A_238 = arith.constant 0 : i32
      %dma_start3A_239 = arith.constant 0 : i32
      %dma_start3A_240 = tpu.memref_slice %arg14[%dma_start3A_238, %dma_start3A_239] : memref<2048x8xf32, #tpu.memory_space<vmem>> -> memref<128x8xf32, #tpu.memory_space<vmem>>
      %dma_start3A_241 = arith.constant 0 : i32
      %dma_start3A_242 = tpu.memref_slice %arg12[%dma_start3A_237, %dma_start3A_241] : memref<16x128xi32, #tpu.memory_space<vmem>> -> memref<1x128xi32, #tpu.memory_space<vmem>>
      %dma_start3A_243 = tpu.memref_squeeze %dma_start3A_242 : memref<1x128xi32, #tpu.memory_space<vmem>> -> memref<128xi32, #tpu.memory_space<vmem>>
      %dma_start3A_244 = arith.constant 0 : i32
      %dma_start3A_245 = arith.constant 0 : i32
      %dma_start3A_246 = tpu.memref_slice %arg4[%dma_start3A_244, %dma_start3A_245] : memref<262144x8xf32, #tpu.memory_space<hbm>> -> memref<262144x8xf32, #tpu.memory_space<hbm>>
      tpu.enqueue_indirect_dma source(%dma_start3A_246 : memref<262144x8xf32, #tpu.memory_space<hbm>>) target(%dma_start3A_240 : memref<128x8xf32, #tpu.memory_space<vmem>>) offsets(%dma_start3A_243 : memref<128xi32, #tpu.memory_space<vmem>>) semaphore(%arg21 : memref<!tpu.dma_semaphore, #tpu.memory_space<semaphore_mem>>)
      %dma_start3A_247 = arith.constant 1 : i32
      %dma_start3A_248 = arith.constant 128 : i32
      %dma_start3A_249 = arith.constant 0 : i32
      %dma_start3A_250 = tpu.memref_slice %arg14[%dma_start3A_248, %dma_start3A_249] : memref<2048x8xf32, #tpu.memory_space<vmem>> -> memref<128x8xf32, #tpu.memory_space<vmem>>
      %dma_start3A_251 = arith.constant 0 : i32
      %dma_start3A_252 = tpu.memref_slice %arg12[%dma_start3A_247, %dma_start3A_251] : memref<16x128xi32, #tpu.memory_space<vmem>> -> memref<1x128xi32, #tpu.memory_space<vmem>>
      %dma_start3A_253 = tpu.memref_squeeze %dma_start3A_252 : memref<1x128xi32, #tpu.memory_space<vmem>> -> memref<128xi32, #tpu.memory_space<vmem>>
      %dma_start3A_254 = arith.constant 0 : i32
      %dma_start3A_255 = arith.constant 0 : i32
      %dma_start3A_256 = tpu.memref_slice %arg4[%dma_start3A_254, %dma_start3A_255] : memref<262144x8xf32, #tpu.memory_space<hbm>> -> memref<262144x8xf32, #tpu.memory_space<hbm>>
      tpu.enqueue_indirect_dma source(%dma_start3A_256 : memref<262144x8xf32, #tpu.memory_space<hbm>>) target(%dma_start3A_250 : memref<128x8xf32, #tpu.memory_space<vmem>>) offsets(%dma_start3A_253 : memref<128xi32, #tpu.memory_space<vmem>>) semaphore(%arg21 : memref<!tpu.dma_semaphore, #tpu.memory_space<semaphore_mem>>)
      %dma_start3A_257 = arith.constant 2 : i32
      %dma_start3A_258 = arith.constant 256 : i32
      %dma_start3A_259 = arith.constant 0 : i32
      %dma_start3A_260 = tpu.memref_slice %arg14[%dma_start3A_258, %dma_start3A_259] : memref<2048x8xf32, #tpu.memory_space<vmem>> -> memref<128x8xf32, #tpu.memory_space<vmem>>
      %dma_start3A_261 = arith.constant 0 : i32
      %dma_start3A_262 = tpu.memref_slice %arg12[%dma_start3A_257, %dma_start3A_261] : memref<16x128xi32, #tpu.memory_space<vmem>> -> memref<1x128xi32, #tpu.memory_space<vmem>>
      %dma_start3A_263 = tpu.memref_squeeze %dma_start3A_262 : memref<1x128xi32, #tpu.memory_space<vmem>> -> memref<128xi32, #tpu.memory_space<vmem>>
      %dma_start3A_264 = arith.constant 0 : i32
      %dma_start3A_265 = arith.constant 0 : i32
      %dma_start3A_266 = tpu.memref_slice %arg4[%dma_start3A_264, %dma_start3A_265] : memref<262144x8xf32, #tpu.memory_space<hbm>> -> memref<262144x8xf32, #tpu.memory_space<hbm>>
      tpu.enqueue_indirect_dma source(%dma_start3A_266 : memref<262144x8xf32, #tpu.memory_space<hbm>>) target(%dma_start3A_260 : memref<128x8xf32, #tpu.memory_space<vmem>>) offsets(%dma_start3A_263 : memref<128xi32, #tpu.memory_space<vmem>>) semaphore(%arg21 : memref<!tpu.dma_semaphore, #tpu.memory_space<semaphore_mem>>)
      %dma_start3A_267 = arith.constant 3 : i32
      %dma_start3A_268 = arith.constant 384 : i32
      %dma_start3A_269 = arith.constant 0 : i32
      %dma_start3A_270 = tpu.memref_slice %arg14[%dma_start3A_268, %dma_start3A_269] : memref<2048x8xf32, #tpu.memory_space<vmem>> -> memref<128x8xf32, #tpu.memory_space<vmem>>
      %dma_start3A_271 = arith.constant 0 : i32
      %dma_start3A_272 = tpu.memref_slice %arg12[%dma_start3A_267, %dma_start3A_271] : memref<16x128xi32, #tpu.memory_space<vmem>> -> memref<1x128xi32, #tpu.memory_space<vmem>>
      %dma_start3A_273 = tpu.memref_squeeze %dma_start3A_272 : memref<1x128xi32, #tpu.memory_space<vmem>> -> memref<128xi32, #tpu.memory_space<vmem>>
      %dma_start3A_274 = arith.constant 0 : i32
      %dma_start3A_275 = arith.constant 0 : i32
      %dma_start3A_276 = tpu.memref_slice %arg4[%dma_start3A_274, %dma_start3A_275] : memref<262144x8xf32, #tpu.memory_space<hbm>> -> memref<262144x8xf32, #tpu.memory_space<hbm>>
      tpu.enqueue_indirect_dma source(%dma_start3A_276 : memref<262144x8xf32, #tpu.memory_space<hbm>>) target(%dma_start3A_270 : memref<128x8xf32, #tpu.memory_space<vmem>>) offsets(%dma_start3A_273 : memref<128xi32, #tpu.memory_space<vmem>>) semaphore(%arg21 : memref<!tpu.dma_semaphore, #tpu.memory_space<semaphore_mem>>)
      %dma_start3A_277 = arith.constant 4 : i32
      %dma_start3A_278 = arith.constant 512 : i32
      %dma_start3A_279 = arith.constant 0 : i32
      %dma_start3A_280 = tpu.memref_slice %arg14[%dma_start3A_278, %dma_start3A_279] : memref<2048x8xf32, #tpu.memory_space<vmem>> -> memref<128x8xf32, #tpu.memory_space<vmem>>
      %dma_start3A_281 = arith.constant 0 : i32
      %dma_start3A_282 = tpu.memref_slice %arg12[%dma_start3A_277, %dma_start3A_281] : memref<16x128xi32, #tpu.memory_space<vmem>> -> memref<1x128xi32, #tpu.memory_space<vmem>>
      %dma_start3A_283 = tpu.memref_squeeze %dma_start3A_282 : memref<1x128xi32, #tpu.memory_space<vmem>> -> memref<128xi32, #tpu.memory_space<vmem>>
      %dma_start3A_284 = arith.constant 0 : i32
      %dma_start3A_285 = arith.constant 0 : i32
      %dma_start3A_286 = tpu.memref_slice %arg4[%dma_start3A_284, %dma_start3A_285] : memref<262144x8xf32, #tpu.memory_space<hbm>> -> memref<262144x8xf32, #tpu.memory_space<hbm>>
      tpu.enqueue_indirect_dma source(%dma_start3A_286 : memref<262144x8xf32, #tpu.memory_space<hbm>>) target(%dma_start3A_280 : memref<128x8xf32, #tpu.memory_space<vmem>>) offsets(%dma_start3A_283 : memref<128xi32, #tpu.memory_space<vmem>>) semaphore(%arg21 : memref<!tpu.dma_semaphore, #tpu.memory_space<semaphore_mem>>)
      %dma_start3A_287 = arith.constant 5 : i32
      %dma_start3A_288 = arith.constant 640 : i32
      %dma_start3A_289 = arith.constant 0 : i32
      %dma_start3A_290 = tpu.memref_slice %arg14[%dma_start3A_288, %dma_start3A_289] : memref<2048x8xf32, #tpu.memory_space<vmem>> -> memref<128x8xf32, #tpu.memory_space<vmem>>
      %dma_start3A_291 = arith.constant 0 : i32
      %dma_start3A_292 = tpu.memref_slice %arg12[%dma_start3A_287, %dma_start3A_291] : memref<16x128xi32, #tpu.memory_space<vmem>> -> memref<1x128xi32, #tpu.memory_space<vmem>>
      %dma_start3A_293 = tpu.memref_squeeze %dma_start3A_292 : memref<1x128xi32, #tpu.memory_space<vmem>> -> memref<128xi32, #tpu.memory_space<vmem>>
      %dma_start3A_294 = arith.constant 0 : i32
      %dma_start3A_295 = arith.constant 0 : i32
      %dma_start3A_296 = tpu.memref_slice %arg4[%dma_start3A_294, %dma_start3A_295] : memref<262144x8xf32, #tpu.memory_space<hbm>> -> memref<262144x8xf32, #tpu.memory_space<hbm>>
      tpu.enqueue_indirect_dma source(%dma_start3A_296 : memref<262144x8xf32, #tpu.memory_space<hbm>>) target(%dma_start3A_290 : memref<128x8xf32, #tpu.memory_space<vmem>>) offsets(%dma_start3A_293 : memref<128xi32, #tpu.memory_space<vmem>>) semaphore(%arg21 : memref<!tpu.dma_semaphore, #tpu.memory_space<semaphore_mem>>)
      %dma_start3A_297 = arith.constant 6 : i32
      %dma_start3A_298 = arith.constant 768 : i32
      %dma_start3A_299 = arith.constant 0 : i32
      %dma_start3A_300 = tpu.memref_slice %arg14[%dma_start3A_298, %dma_start3A_299] : memref<2048x8xf32, #tpu.memory_space<vmem>> -> memref<128x8xf32, #tpu.memory_space<vmem>>
      %dma_start3A_301 = arith.constant 0 : i32
      %dma_start3A_302 = tpu.memref_slice %arg12[%dma_start3A_297, %dma_start3A_301] : memref<16x128xi32, #tpu.memory_space<vmem>> -> memref<1x128xi32, #tpu.memory_space<vmem>>
      %dma_start3A_303 = tpu.memref_squeeze %dma_start3A_302 : memref<1x128xi32, #tpu.memory_space<vmem>> -> memref<128xi32, #tpu.memory_space<vmem>>
      %dma_start3A_304 = arith.constant 0 : i32
      %dma_start3A_305 = arith.constant 0 : i32
      %dma_start3A_306 = tpu.memref_slice %arg4[%dma_start3A_304, %dma_start3A_305] : memref<262144x8xf32, #tpu.memory_space<hbm>> -> memref<262144x8xf32, #tpu.memory_space<hbm>>
      tpu.enqueue_indirect_dma source(%dma_start3A_306 : memref<262144x8xf32, #tpu.memory_space<hbm>>) target(%dma_start3A_300 : memref<128x8xf32, #tpu.memory_space<vmem>>) offsets(%dma_start3A_303 : memref<128xi32, #tpu.memory_space<vmem>>) semaphore(%arg21 : memref<!tpu.dma_semaphore, #tpu.memory_space<semaphore_mem>>)
      %dma_start3A_307 = arith.constant 7 : i32
      %dma_start3A_308 = arith.constant 896 : i32
      %dma_start3A_309 = arith.constant 0 : i32
      %dma_start3A_310 = tpu.memref_slice %arg14[%dma_start3A_308, %dma_start3A_309] : memref<2048x8xf32, #tpu.memory_space<vmem>> -> memref<128x8xf32, #tpu.memory_space<vmem>>
      %dma_start3A_311 = arith.constant 0 : i32
      %dma_start3A_312 = tpu.memref_slice %arg12[%dma_start3A_307, %dma_start3A_311] : memref<16x128xi32, #tpu.memory_space<vmem>> -> memref<1x128xi32, #tpu.memory_space<vmem>>
      %dma_start3A_313 = tpu.memref_squeeze %dma_start3A_312 : memref<1x128xi32, #tpu.memory_space<vmem>> -> memref<128xi32, #tpu.memory_space<vmem>>
      %dma_start3A_314 = arith.constant 0 : i32
      %dma_start3A_315 = arith.constant 0 : i32
      %dma_start3A_316 = tpu.memref_slice %arg4[%dma_start3A_314, %dma_start3A_315] : memref<262144x8xf32, #tpu.memory_space<hbm>> -> memref<262144x8xf32, #tpu.memory_space<hbm>>
      tpu.enqueue_indirect_dma source(%dma_start3A_316 : memref<262144x8xf32, #tpu.memory_space<hbm>>) target(%dma_start3A_310 : memref<128x8xf32, #tpu.memory_space<vmem>>) offsets(%dma_start3A_313 : memref<128xi32, #tpu.memory_space<vmem>>) semaphore(%arg21 : memref<!tpu.dma_semaphore, #tpu.memory_space<semaphore_mem>>)
      %dma_start3A_317 = arith.constant 8 : i32
      %dma_start3A_318 = arith.constant 1024 : i32
      %dma_start3A_319 = arith.constant 0 : i32
      %dma_start3A_320 = tpu.memref_slice %arg14[%dma_start3A_318, %dma_start3A_319] : memref<2048x8xf32, #tpu.memory_space<vmem>> -> memref<128x8xf32, #tpu.memory_space<vmem>>
      %dma_start3A_321 = arith.constant 0 : i32
      %dma_start3A_322 = tpu.memref_slice %arg12[%dma_start3A_317, %dma_start3A_321] : memref<16x128xi32, #tpu.memory_space<vmem>> -> memref<1x128xi32, #tpu.memory_space<vmem>>
      %dma_start3A_323 = tpu.memref_squeeze %dma_start3A_322 : memref<1x128xi32, #tpu.memory_space<vmem>> -> memref<128xi32, #tpu.memory_space<vmem>>
      %dma_start3A_324 = arith.constant 0 : i32
      %dma_start3A_325 = arith.constant 0 : i32
      %dma_start3A_326 = tpu.memref_slice %arg4[%dma_start3A_324, %dma_start3A_325] : memref<262144x8xf32, #tpu.memory_space<hbm>> -> memref<262144x8xf32, #tpu.memory_space<hbm>>
      tpu.enqueue_indirect_dma source(%dma_start3A_326 : memref<262144x8xf32, #tpu.memory_space<hbm>>) target(%dma_start3A_320 : memref<128x8xf32, #tpu.memory_space<vmem>>) offsets(%dma_start3A_323 : memref<128xi32, #tpu.memory_space<vmem>>) semaphore(%arg21 : memref<!tpu.dma_semaphore, #tpu.memory_space<semaphore_mem>>)
      %dma_start3A_327 = arith.constant 9 : i32
      %dma_start3A_328 = arith.constant 1152 : i32
      %dma_start3A_329 = arith.constant 0 : i32
      %dma_start3A_330 = tpu.memref_slice %arg14[%dma_start3A_328, %dma_start3A_329] : memref<2048x8xf32, #tpu.memory_space<vmem>> -> memref<128x8xf32, #tpu.memory_space<vmem>>
      %dma_start3A_331 = arith.constant 0 : i32
      %dma_start3A_332 = tpu.memref_slice %arg12[%dma_start3A_327, %dma_start3A_331] : memref<16x128xi32, #tpu.memory_space<vmem>> -> memref<1x128xi32, #tpu.memory_space<vmem>>
      %dma_start3A_333 = tpu.memref_squeeze %dma_start3A_332 : memref<1x128xi32, #tpu.memory_space<vmem>> -> memref<128xi32, #tpu.memory_space<vmem>>
      %dma_start3A_334 = arith.constant 0 : i32
      %dma_start3A_335 = arith.constant 0 : i32
      %dma_start3A_336 = tpu.memref_slice %arg4[%dma_start3A_334, %dma_start3A_335] : memref<262144x8xf32, #tpu.memory_space<hbm>> -> memref<262144x8xf32, #tpu.memory_space<hbm>>
      tpu.enqueue_indirect_dma source(%dma_start3A_336 : memref<262144x8xf32, #tpu.memory_space<hbm>>) target(%dma_start3A_330 : memref<128x8xf32, #tpu.memory_space<vmem>>) offsets(%dma_start3A_333 : memref<128xi32, #tpu.memory_space<vmem>>) semaphore(%arg21 : memref<!tpu.dma_semaphore, #tpu.memory_space<semaphore_mem>>)
      %dma_start3A_337 = arith.constant 10 : i32
      %dma_start3A_338 = arith.constant 1280 : i32
      %dma_start3A_339 = arith.constant 0 : i32
      %dma_start3A_340 = tpu.memref_slice %arg14[%dma_start3A_338, %dma_start3A_339] : memref<2048x8xf32, #tpu.memory_space<vmem>> -> memref<128x8xf32, #tpu.memory_space<vmem>>
      %dma_start3A_341 = arith.constant 0 : i32
      %dma_start3A_342 = tpu.memref_slice %arg12[%dma_start3A_337, %dma_start3A_341] : memref<16x128xi32, #tpu.memory_space<vmem>> -> memref<1x128xi32, #tpu.memory_space<vmem>>
      %dma_start3A_343 = tpu.memref_squeeze %dma_start3A_342 : memref<1x128xi32, #tpu.memory_space<vmem>> -> memref<128xi32, #tpu.memory_space<vmem>>
      %dma_start3A_344 = arith.constant 0 : i32
      %dma_start3A_345 = arith.constant 0 : i32
      %dma_start3A_346 = tpu.memref_slice %arg4[%dma_start3A_344, %dma_start3A_345] : memref<262144x8xf32, #tpu.memory_space<hbm>> -> memref<262144x8xf32, #tpu.memory_space<hbm>>
      tpu.enqueue_indirect_dma source(%dma_start3A_346 : memref<262144x8xf32, #tpu.memory_space<hbm>>) target(%dma_start3A_340 : memref<128x8xf32, #tpu.memory_space<vmem>>) offsets(%dma_start3A_343 : memref<128xi32, #tpu.memory_space<vmem>>) semaphore(%arg21 : memref<!tpu.dma_semaphore, #tpu.memory_space<semaphore_mem>>)
      %dma_start3A_347 = arith.constant 11 : i32
      %dma_start3A_348 = arith.constant 1408 : i32
      %dma_start3A_349 = arith.constant 0 : i32
      %dma_start3A_350 = tpu.memref_slice %arg14[%dma_start3A_348, %dma_start3A_349] : memref<2048x8xf32, #tpu.memory_space<vmem>> -> memref<128x8xf32, #tpu.memory_space<vmem>>
      %dma_start3A_351 = arith.constant 0 : i32
      %dma_start3A_352 = tpu.memref_slice %arg12[%dma_start3A_347, %dma_start3A_351] : memref<16x128xi32, #tpu.memory_space<vmem>> -> memref<1x128xi32, #tpu.memory_space<vmem>>
      %dma_start3A_353 = tpu.memref_squeeze %dma_start3A_352 : memref<1x128xi32, #tpu.memory_space<vmem>> -> memref<128xi32, #tpu.memory_space<vmem>>
      %dma_start3A_354 = arith.constant 0 : i32
      %dma_start3A_355 = arith.constant 0 : i32
      %dma_start3A_356 = tpu.memref_slice %arg4[%dma_start3A_354, %dma_start3A_355] : memref<262144x8xf32, #tpu.memory_space<hbm>> -> memref<262144x8xf32, #tpu.memory_space<hbm>>
      tpu.enqueue_indirect_dma source(%dma_start3A_356 : memref<262144x8xf32, #tpu.memory_space<hbm>>) target(%dma_start3A_350 : memref<128x8xf32, #tpu.memory_space<vmem>>) offsets(%dma_start3A_353 : memref<128xi32, #tpu.memory_space<vmem>>) semaphore(%arg21 : memref<!tpu.dma_semaphore, #tpu.memory_space<semaphore_mem>>)
      %dma_start3A_357 = arith.constant 12 : i32
      %dma_start3A_358 = arith.constant 1536 : i32
      %dma_start3A_359 = arith.constant 0 : i32
      %dma_start3A_360 = tpu.memref_slice %arg14[%dma_start3A_358, %dma_start3A_359] : memref<2048x8xf32, #tpu.memory_space<vmem>> -> memref<128x8xf32, #tpu.memory_space<vmem>>
      %dma_start3A_361 = arith.constant 0 : i32
      %dma_start3A_362 = tpu.memref_slice %arg12[%dma_start3A_357, %dma_start3A_361] : memref<16x128xi32, #tpu.memory_space<vmem>> -> memref<1x128xi32, #tpu.memory_space<vmem>>
      %dma_start3A_363 = tpu.memref_squeeze %dma_start3A_362 : memref<1x128xi32, #tpu.memory_space<vmem>> -> memref<128xi32, #tpu.memory_space<vmem>>
      %dma_start3A_364 = arith.constant 0 : i32
      %dma_start3A_365 = arith.constant 0 : i32
      %dma_start3A_366 = tpu.memref_slice %arg4[%dma_start3A_364, %dma_start3A_365] : memref<262144x8xf32, #tpu.memory_space<hbm>> -> memref<262144x8xf32, #tpu.memory_space<hbm>>
      tpu.enqueue_indirect_dma source(%dma_start3A_366 : memref<262144x8xf32, #tpu.memory_space<hbm>>) target(%dma_start3A_360 : memref<128x8xf32, #tpu.memory_space<vmem>>) offsets(%dma_start3A_363 : memref<128xi32, #tpu.memory_space<vmem>>) semaphore(%arg21 : memref<!tpu.dma_semaphore, #tpu.memory_space<semaphore_mem>>)
      %dma_start3A_367 = arith.constant 13 : i32
      %dma_start3A_368 = arith.constant 1664 : i32
      %dma_start3A_369 = arith.constant 0 : i32
      %dma_start3A_370 = tpu.memref_slice %arg14[%dma_start3A_368, %dma_start3A_369] : memref<2048x8xf32, #tpu.memory_space<vmem>> -> memref<128x8xf32, #tpu.memory_space<vmem>>
      %dma_start3A_371 = arith.constant 0 : i32
      %dma_start3A_372 = tpu.memref_slice %arg12[%dma_start3A_367, %dma_start3A_371] : memref<16x128xi32, #tpu.memory_space<vmem>> -> memref<1x128xi32, #tpu.memory_space<vmem>>
      %dma_start3A_373 = tpu.memref_squeeze %dma_start3A_372 : memref<1x128xi32, #tpu.memory_space<vmem>> -> memref<128xi32, #tpu.memory_space<vmem>>
      %dma_start3A_374 = arith.constant 0 : i32
      %dma_start3A_375 = arith.constant 0 : i32
      %dma_start3A_376 = tpu.memref_slice %arg4[%dma_start3A_374, %dma_start3A_375] : memref<262144x8xf32, #tpu.memory_space<hbm>> -> memref<262144x8xf32, #tpu.memory_space<hbm>>
      tpu.enqueue_indirect_dma source(%dma_start3A_376 : memref<262144x8xf32, #tpu.memory_space<hbm>>) target(%dma_start3A_370 : memref<128x8xf32, #tpu.memory_space<vmem>>) offsets(%dma_start3A_373 : memref<128xi32, #tpu.memory_space<vmem>>) semaphore(%arg21 : memref<!tpu.dma_semaphore, #tpu.memory_space<semaphore_mem>>)
      %dma_start3A_377 = arith.constant 14 : i32
      %dma_start3A_378 = arith.constant 1792 : i32
      %dma_start3A_379 = arith.constant 0 : i32
      %dma_start3A_380 = tpu.memref_slice %arg14[%dma_start3A_378, %dma_start3A_379] : memref<2048x8xf32, #tpu.memory_space<vmem>> -> memref<128x8xf32, #tpu.memory_space<vmem>>
      %dma_start3A_381 = arith.constant 0 : i32
      %dma_start3A_382 = tpu.memref_slice %arg12[%dma_start3A_377, %dma_start3A_381] : memref<16x128xi32, #tpu.memory_space<vmem>> -> memref<1x128xi32, #tpu.memory_space<vmem>>
      %dma_start3A_383 = tpu.memref_squeeze %dma_start3A_382 : memref<1x128xi32, #tpu.memory_space<vmem>> -> memref<128xi32, #tpu.memory_space<vmem>>
      %dma_start3A_384 = arith.constant 0 : i32
      %dma_start3A_385 = arith.constant 0 : i32
      %dma_start3A_386 = tpu.memref_slice %arg4[%dma_start3A_384, %dma_start3A_385] : memref<262144x8xf32, #tpu.memory_space<hbm>> -> memref<262144x8xf32, #tpu.memory_space<hbm>>
      tpu.enqueue_indirect_dma source(%dma_start3A_386 : memref<262144x8xf32, #tpu.memory_space<hbm>>) target(%dma_start3A_380 : memref<128x8xf32, #tpu.memory_space<vmem>>) offsets(%dma_start3A_383 : memref<128xi32, #tpu.memory_space<vmem>>) semaphore(%arg21 : memref<!tpu.dma_semaphore, #tpu.memory_space<semaphore_mem>>)
      %dma_start3A_387 = arith.constant 15 : i32
      %dma_start3A_388 = arith.constant 1920 : i32
      %dma_start3A_389 = arith.constant 0 : i32
      %dma_start3A_390 = tpu.memref_slice %arg14[%dma_start3A_388, %dma_start3A_389] : memref<2048x8xf32, #tpu.memory_space<vmem>> -> memref<128x8xf32, #tpu.memory_space<vmem>>
      %dma_start3A_391 = arith.constant 0 : i32
      %dma_start3A_392 = tpu.memref_slice %arg12[%dma_start3A_387, %dma_start3A_391] : memref<16x128xi32, #tpu.memory_space<vmem>> -> memref<1x128xi32, #tpu.memory_space<vmem>>
      %dma_start3A_393 = tpu.memref_squeeze %dma_start3A_392 : memref<1x128xi32, #tpu.memory_space<vmem>> -> memref<128xi32, #tpu.memory_space<vmem>>
      %dma_start3A_394 = arith.constant 0 : i32
      %dma_start3A_395 = arith.constant 0 : i32
      %dma_start3A_396 = tpu.memref_slice %arg4[%dma_start3A_394, %dma_start3A_395] : memref<262144x8xf32, #tpu.memory_space<hbm>> -> memref<262144x8xf32, #tpu.memory_space<hbm>>
      tpu.enqueue_indirect_dma source(%dma_start3A_396 : memref<262144x8xf32, #tpu.memory_space<hbm>>) target(%dma_start3A_390 : memref<128x8xf32, #tpu.memory_space<vmem>>) offsets(%dma_start3A_393 : memref<128xi32, #tpu.memory_space<vmem>>) semaphore(%arg21 : memref<!tpu.dma_semaphore, #tpu.memory_space<semaphore_mem>>)
      %gt3A = arith.constant 0 : i32
      %gt3A_397 = arith.cmpi sgt, %add3A_216, %gt3A : i32
      %convert_element_type3A_398 = arith.extui %gt3A_397 : i1 to i32
      %cond3A_399 = arith.constant 0 : i32
      %cond3A_400 = arith.cmpi ne, %convert_element_type3A_398, %cond3A_399 : i32
      scf.if %cond3A_400 {
        %dma_wait3A_593 = arith.constant 0 : i32
        %dma_wait3A_594 = arith.constant 0 : i32
        %dma_wait3A_595 = arith.constant 0 : i32
        %dma_wait3A_596 = tpu.memref_slice %arg15[%dma_wait3A_594, %dma_wait3A_595] : memref<2048x8xf32, #tpu.memory_space<vmem>> -> memref<128x8xf32, #tpu.memory_space<vmem>>
        %dma_wait3A_597 = arith.constant 0 : i32
        %dma_wait3A_598 = tpu.memref_slice %arg13[%dma_wait3A_593, %dma_wait3A_597] : memref<16x128xi32, #tpu.memory_space<vmem>> -> memref<1x128xi32, #tpu.memory_space<vmem>>
        %dma_wait3A_599 = tpu.memref_squeeze %dma_wait3A_598 : memref<1x128xi32, #tpu.memory_space<vmem>> -> memref<128xi32, #tpu.memory_space<vmem>>
        %dma_wait3A_600 = arith.constant 0 : i32
        %dma_wait3A_601 = arith.constant 0 : i32
        %dma_wait3A_602 = tpu.memref_slice %arg4[%dma_wait3A_600, %dma_wait3A_601] : memref<262144x8xf32, #tpu.memory_space<hbm>> -> memref<262144x8xf32, #tpu.memory_space<hbm>>
        tpu.wait_indirect_dma semaphore(%arg22 : memref<!tpu.dma_semaphore, #tpu.memory_space<semaphore_mem>>) src(%dma_wait3A_602 : memref<262144x8xf32, #tpu.memory_space<hbm>>) dst(%dma_wait3A_596 : memref<128x8xf32, #tpu.memory_space<vmem>>)
        %dma_wait3A_603 = arith.constant 1 : i32
        %dma_wait3A_604 = arith.constant 128 : i32
        %dma_wait3A_605 = arith.constant 0 : i32
        %dma_wait3A_606 = tpu.memref_slice %arg15[%dma_wait3A_604, %dma_wait3A_605] : memref<2048x8xf32, #tpu.memory_space<vmem>> -> memref<128x8xf32, #tpu.memory_space<vmem>>
        %dma_wait3A_607 = arith.constant 0 : i32
        %dma_wait3A_608 = tpu.memref_slice %arg13[%dma_wait3A_603, %dma_wait3A_607] : memref<16x128xi32, #tpu.memory_space<vmem>> -> memref<1x128xi32, #tpu.memory_space<vmem>>
        %dma_wait3A_609 = tpu.memref_squeeze %dma_wait3A_608 : memref<1x128xi32, #tpu.memory_space<vmem>> -> memref<128xi32, #tpu.memory_space<vmem>>
        %dma_wait3A_610 = arith.constant 0 : i32
        %dma_wait3A_611 = arith.constant 0 : i32
        %dma_wait3A_612 = tpu.memref_slice %arg4[%dma_wait3A_610, %dma_wait3A_611] : memref<262144x8xf32, #tpu.memory_space<hbm>> -> memref<262144x8xf32, #tpu.memory_space<hbm>>
        tpu.wait_indirect_dma semaphore(%arg22 : memref<!tpu.dma_semaphore, #tpu.memory_space<semaphore_mem>>) src(%dma_wait3A_612 : memref<262144x8xf32, #tpu.memory_space<hbm>>) dst(%dma_wait3A_606 : memref<128x8xf32, #tpu.memory_space<vmem>>)
        %dma_wait3A_613 = arith.constant 2 : i32
        %dma_wait3A_614 = arith.constant 256 : i32
        %dma_wait3A_615 = arith.constant 0 : i32
        %dma_wait3A_616 = tpu.memref_slice %arg15[%dma_wait3A_614, %dma_wait3A_615] : memref<2048x8xf32, #tpu.memory_space<vmem>> -> memref<128x8xf32, #tpu.memory_space<vmem>>
        %dma_wait3A_617 = arith.constant 0 : i32
        %dma_wait3A_618 = tpu.memref_slice %arg13[%dma_wait3A_613, %dma_wait3A_617] : memref<16x128xi32, #tpu.memory_space<vmem>> -> memref<1x128xi32, #tpu.memory_space<vmem>>
        %dma_wait3A_619 = tpu.memref_squeeze %dma_wait3A_618 : memref<1x128xi32, #tpu.memory_space<vmem>> -> memref<128xi32, #tpu.memory_space<vmem>>
        %dma_wait3A_620 = arith.constant 0 : i32
        %dma_wait3A_621 = arith.constant 0 : i32
        %dma_wait3A_622 = tpu.memref_slice %arg4[%dma_wait3A_620, %dma_wait3A_621] : memref<262144x8xf32, #tpu.memory_space<hbm>> -> memref<262144x8xf32, #tpu.memory_space<hbm>>
        tpu.wait_indirect_dma semaphore(%arg22 : memref<!tpu.dma_semaphore, #tpu.memory_space<semaphore_mem>>) src(%dma_wait3A_622 : memref<262144x8xf32, #tpu.memory_space<hbm>>) dst(%dma_wait3A_616 : memref<128x8xf32, #tpu.memory_space<vmem>>)
        %dma_wait3A_623 = arith.constant 3 : i32
        %dma_wait3A_624 = arith.constant 384 : i32
        %dma_wait3A_625 = arith.constant 0 : i32
        %dma_wait3A_626 = tpu.memref_slice %arg15[%dma_wait3A_624, %dma_wait3A_625] : memref<2048x8xf32, #tpu.memory_space<vmem>> -> memref<128x8xf32, #tpu.memory_space<vmem>>
        %dma_wait3A_627 = arith.constant 0 : i32
        %dma_wait3A_628 = tpu.memref_slice %arg13[%dma_wait3A_623, %dma_wait3A_627] : memref<16x128xi32, #tpu.memory_space<vmem>> -> memref<1x128xi32, #tpu.memory_space<vmem>>
        %dma_wait3A_629 = tpu.memref_squeeze %dma_wait3A_628 : memref<1x128xi32, #tpu.memory_space<vmem>> -> memref<128xi32, #tpu.memory_space<vmem>>
        %dma_wait3A_630 = arith.constant 0 : i32
        %dma_wait3A_631 = arith.constant 0 : i32
        %dma_wait3A_632 = tpu.memref_slice %arg4[%dma_wait3A_630, %dma_wait3A_631] : memref<262144x8xf32, #tpu.memory_space<hbm>> -> memref<262144x8xf32, #tpu.memory_space<hbm>>
        tpu.wait_indirect_dma semaphore(%arg22 : memref<!tpu.dma_semaphore, #tpu.memory_space<semaphore_mem>>) src(%dma_wait3A_632 : memref<262144x8xf32, #tpu.memory_space<hbm>>) dst(%dma_wait3A_626 : memref<128x8xf32, #tpu.memory_space<vmem>>)
        %dma_wait3A_633 = arith.constant 4 : i32
        %dma_wait3A_634 = arith.constant 512 : i32
        %dma_wait3A_635 = arith.constant 0 : i32
        %dma_wait3A_636 = tpu.memref_slice %arg15[%dma_wait3A_634, %dma_wait3A_635] : memref<2048x8xf32, #tpu.memory_space<vmem>> -> memref<128x8xf32, #tpu.memory_space<vmem>>
        %dma_wait3A_637 = arith.constant 0 : i32
        %dma_wait3A_638 = tpu.memref_slice %arg13[%dma_wait3A_633, %dma_wait3A_637] : memref<16x128xi32, #tpu.memory_space<vmem>> -> memref<1x128xi32, #tpu.memory_space<vmem>>
        %dma_wait3A_639 = tpu.memref_squeeze %dma_wait3A_638 : memref<1x128xi32, #tpu.memory_space<vmem>> -> memref<128xi32, #tpu.memory_space<vmem>>
        %dma_wait3A_640 = arith.constant 0 : i32
        %dma_wait3A_641 = arith.constant 0 : i32
        %dma_wait3A_642 = tpu.memref_slice %arg4[%dma_wait3A_640, %dma_wait3A_641] : memref<262144x8xf32, #tpu.memory_space<hbm>> -> memref<262144x8xf32, #tpu.memory_space<hbm>>
        tpu.wait_indirect_dma semaphore(%arg22 : memref<!tpu.dma_semaphore, #tpu.memory_space<semaphore_mem>>) src(%dma_wait3A_642 : memref<262144x8xf32, #tpu.memory_space<hbm>>) dst(%dma_wait3A_636 : memref<128x8xf32, #tpu.memory_space<vmem>>)
        %dma_wait3A_643 = arith.constant 5 : i32
        %dma_wait3A_644 = arith.constant 640 : i32
        %dma_wait3A_645 = arith.constant 0 : i32
        %dma_wait3A_646 = tpu.memref_slice %arg15[%dma_wait3A_644, %dma_wait3A_645] : memref<2048x8xf32, #tpu.memory_space<vmem>> -> memref<128x8xf32, #tpu.memory_space<vmem>>
        %dma_wait3A_647 = arith.constant 0 : i32
        %dma_wait3A_648 = tpu.memref_slice %arg13[%dma_wait3A_643, %dma_wait3A_647] : memref<16x128xi32, #tpu.memory_space<vmem>> -> memref<1x128xi32, #tpu.memory_space<vmem>>
        %dma_wait3A_649 = tpu.memref_squeeze %dma_wait3A_648 : memref<1x128xi32, #tpu.memory_space<vmem>> -> memref<128xi32, #tpu.memory_space<vmem>>
        %dma_wait3A_650 = arith.constant 0 : i32
        %dma_wait3A_651 = arith.constant 0 : i32
        %dma_wait3A_652 = tpu.memref_slice %arg4[%dma_wait3A_650, %dma_wait3A_651] : memref<262144x8xf32, #tpu.memory_space<hbm>> -> memref<262144x8xf32, #tpu.memory_space<hbm>>
        tpu.wait_indirect_dma semaphore(%arg22 : memref<!tpu.dma_semaphore, #tpu.memory_space<semaphore_mem>>) src(%dma_wait3A_652 : memref<262144x8xf32, #tpu.memory_space<hbm>>) dst(%dma_wait3A_646 : memref<128x8xf32, #tpu.memory_space<vmem>>)
        %dma_wait3A_653 = arith.constant 6 : i32
        %dma_wait3A_654 = arith.constant 768 : i32
        %dma_wait3A_655 = arith.constant 0 : i32
        %dma_wait3A_656 = tpu.memref_slice %arg15[%dma_wait3A_654, %dma_wait3A_655] : memref<2048x8xf32, #tpu.memory_space<vmem>> -> memref<128x8xf32, #tpu.memory_space<vmem>>
        %dma_wait3A_657 = arith.constant 0 : i32
        %dma_wait3A_658 = tpu.memref_slice %arg13[%dma_wait3A_653, %dma_wait3A_657] : memref<16x128xi32, #tpu.memory_space<vmem>> -> memref<1x128xi32, #tpu.memory_space<vmem>>
        %dma_wait3A_659 = tpu.memref_squeeze %dma_wait3A_658 : memref<1x128xi32, #tpu.memory_space<vmem>> -> memref<128xi32, #tpu.memory_space<vmem>>
        %dma_wait3A_660 = arith.constant 0 : i32
        %dma_wait3A_661 = arith.constant 0 : i32
        %dma_wait3A_662 = tpu.memref_slice %arg4[%dma_wait3A_660, %dma_wait3A_661] : memref<262144x8xf32, #tpu.memory_space<hbm>> -> memref<262144x8xf32, #tpu.memory_space<hbm>>
        tpu.wait_indirect_dma semaphore(%arg22 : memref<!tpu.dma_semaphore, #tpu.memory_space<semaphore_mem>>) src(%dma_wait3A_662 : memref<262144x8xf32, #tpu.memory_space<hbm>>) dst(%dma_wait3A_656 : memref<128x8xf32, #tpu.memory_space<vmem>>)
        %dma_wait3A_663 = arith.constant 7 : i32
        %dma_wait3A_664 = arith.constant 896 : i32
        %dma_wait3A_665 = arith.constant 0 : i32
        %dma_wait3A_666 = tpu.memref_slice %arg15[%dma_wait3A_664, %dma_wait3A_665] : memref<2048x8xf32, #tpu.memory_space<vmem>> -> memref<128x8xf32, #tpu.memory_space<vmem>>
        %dma_wait3A_667 = arith.constant 0 : i32
        %dma_wait3A_668 = tpu.memref_slice %arg13[%dma_wait3A_663, %dma_wait3A_667] : memref<16x128xi32, #tpu.memory_space<vmem>> -> memref<1x128xi32, #tpu.memory_space<vmem>>
        %dma_wait3A_669 = tpu.memref_squeeze %dma_wait3A_668 : memref<1x128xi32, #tpu.memory_space<vmem>> -> memref<128xi32, #tpu.memory_space<vmem>>
        %dma_wait3A_670 = arith.constant 0 : i32
        %dma_wait3A_671 = arith.constant 0 : i32
        %dma_wait3A_672 = tpu.memref_slice %arg4[%dma_wait3A_670, %dma_wait3A_671] : memref<262144x8xf32, #tpu.memory_space<hbm>> -> memref<262144x8xf32, #tpu.memory_space<hbm>>
        tpu.wait_indirect_dma semaphore(%arg22 : memref<!tpu.dma_semaphore, #tpu.memory_space<semaphore_mem>>) src(%dma_wait3A_672 : memref<262144x8xf32, #tpu.memory_space<hbm>>) dst(%dma_wait3A_666 : memref<128x8xf32, #tpu.memory_space<vmem>>)
        %dma_wait3A_673 = arith.constant 8 : i32
        %dma_wait3A_674 = arith.constant 1024 : i32
        %dma_wait3A_675 = arith.constant 0 : i32
        %dma_wait3A_676 = tpu.memref_slice %arg15[%dma_wait3A_674, %dma_wait3A_675] : memref<2048x8xf32, #tpu.memory_space<vmem>> -> memref<128x8xf32, #tpu.memory_space<vmem>>
        %dma_wait3A_677 = arith.constant 0 : i32
        %dma_wait3A_678 = tpu.memref_slice %arg13[%dma_wait3A_673, %dma_wait3A_677] : memref<16x128xi32, #tpu.memory_space<vmem>> -> memref<1x128xi32, #tpu.memory_space<vmem>>
        %dma_wait3A_679 = tpu.memref_squeeze %dma_wait3A_678 : memref<1x128xi32, #tpu.memory_space<vmem>> -> memref<128xi32, #tpu.memory_space<vmem>>
        %dma_wait3A_680 = arith.constant 0 : i32
        %dma_wait3A_681 = arith.constant 0 : i32
        %dma_wait3A_682 = tpu.memref_slice %arg4[%dma_wait3A_680, %dma_wait3A_681] : memref<262144x8xf32, #tpu.memory_space<hbm>> -> memref<262144x8xf32, #tpu.memory_space<hbm>>
        tpu.wait_indirect_dma semaphore(%arg22 : memref<!tpu.dma_semaphore, #tpu.memory_space<semaphore_mem>>) src(%dma_wait3A_682 : memref<262144x8xf32, #tpu.memory_space<hbm>>) dst(%dma_wait3A_676 : memref<128x8xf32, #tpu.memory_space<vmem>>)
        %dma_wait3A_683 = arith.constant 9 : i32
        %dma_wait3A_684 = arith.constant 1152 : i32
        %dma_wait3A_685 = arith.constant 0 : i32
        %dma_wait3A_686 = tpu.memref_slice %arg15[%dma_wait3A_684, %dma_wait3A_685] : memref<2048x8xf32, #tpu.memory_space<vmem>> -> memref<128x8xf32, #tpu.memory_space<vmem>>
        %dma_wait3A_687 = arith.constant 0 : i32
        %dma_wait3A_688 = tpu.memref_slice %arg13[%dma_wait3A_683, %dma_wait3A_687] : memref<16x128xi32, #tpu.memory_space<vmem>> -> memref<1x128xi32, #tpu.memory_space<vmem>>
        %dma_wait3A_689 = tpu.memref_squeeze %dma_wait3A_688 : memref<1x128xi32, #tpu.memory_space<vmem>> -> memref<128xi32, #tpu.memory_space<vmem>>
        %dma_wait3A_690 = arith.constant 0 : i32
        %dma_wait3A_691 = arith.constant 0 : i32
        %dma_wait3A_692 = tpu.memref_slice %arg4[%dma_wait3A_690, %dma_wait3A_691] : memref<262144x8xf32, #tpu.memory_space<hbm>> -> memref<262144x8xf32, #tpu.memory_space<hbm>>
        tpu.wait_indirect_dma semaphore(%arg22 : memref<!tpu.dma_semaphore, #tpu.memory_space<semaphore_mem>>) src(%dma_wait3A_692 : memref<262144x8xf32, #tpu.memory_space<hbm>>) dst(%dma_wait3A_686 : memref<128x8xf32, #tpu.memory_space<vmem>>)
        %dma_wait3A_693 = arith.constant 10 : i32
        %dma_wait3A_694 = arith.constant 1280 : i32
        %dma_wait3A_695 = arith.constant 0 : i32
        %dma_wait3A_696 = tpu.memref_slice %arg15[%dma_wait3A_694, %dma_wait3A_695] : memref<2048x8xf32, #tpu.memory_space<vmem>> -> memref<128x8xf32, #tpu.memory_space<vmem>>
        %dma_wait3A_697 = arith.constant 0 : i32
        %dma_wait3A_698 = tpu.memref_slice %arg13[%dma_wait3A_693, %dma_wait3A_697] : memref<16x128xi32, #tpu.memory_space<vmem>> -> memref<1x128xi32, #tpu.memory_space<vmem>>
        %dma_wait3A_699 = tpu.memref_squeeze %dma_wait3A_698 : memref<1x128xi32, #tpu.memory_space<vmem>> -> memref<128xi32, #tpu.memory_space<vmem>>
        %dma_wait3A_700 = arith.constant 0 : i32
        %dma_wait3A_701 = arith.constant 0 : i32
        %dma_wait3A_702 = tpu.memref_slice %arg4[%dma_wait3A_700, %dma_wait3A_701] : memref<262144x8xf32, #tpu.memory_space<hbm>> -> memref<262144x8xf32, #tpu.memory_space<hbm>>
        tpu.wait_indirect_dma semaphore(%arg22 : memref<!tpu.dma_semaphore, #tpu.memory_space<semaphore_mem>>) src(%dma_wait3A_702 : memref<262144x8xf32, #tpu.memory_space<hbm>>) dst(%dma_wait3A_696 : memref<128x8xf32, #tpu.memory_space<vmem>>)
        %dma_wait3A_703 = arith.constant 11 : i32
        %dma_wait3A_704 = arith.constant 1408 : i32
        %dma_wait3A_705 = arith.constant 0 : i32
        %dma_wait3A_706 = tpu.memref_slice %arg15[%dma_wait3A_704, %dma_wait3A_705] : memref<2048x8xf32, #tpu.memory_space<vmem>> -> memref<128x8xf32, #tpu.memory_space<vmem>>
        %dma_wait3A_707 = arith.constant 0 : i32
        %dma_wait3A_708 = tpu.memref_slice %arg13[%dma_wait3A_703, %dma_wait3A_707] : memref<16x128xi32, #tpu.memory_space<vmem>> -> memref<1x128xi32, #tpu.memory_space<vmem>>
        %dma_wait3A_709 = tpu.memref_squeeze %dma_wait3A_708 : memref<1x128xi32, #tpu.memory_space<vmem>> -> memref<128xi32, #tpu.memory_space<vmem>>
        %dma_wait3A_710 = arith.constant 0 : i32
        %dma_wait3A_711 = arith.constant 0 : i32
        %dma_wait3A_712 = tpu.memref_slice %arg4[%dma_wait3A_710, %dma_wait3A_711] : memref<262144x8xf32, #tpu.memory_space<hbm>> -> memref<262144x8xf32, #tpu.memory_space<hbm>>
        tpu.wait_indirect_dma semaphore(%arg22 : memref<!tpu.dma_semaphore, #tpu.memory_space<semaphore_mem>>) src(%dma_wait3A_712 : memref<262144x8xf32, #tpu.memory_space<hbm>>) dst(%dma_wait3A_706 : memref<128x8xf32, #tpu.memory_space<vmem>>)
        %dma_wait3A_713 = arith.constant 12 : i32
        %dma_wait3A_714 = arith.constant 1536 : i32
        %dma_wait3A_715 = arith.constant 0 : i32
        %dma_wait3A_716 = tpu.memref_slice %arg15[%dma_wait3A_714, %dma_wait3A_715] : memref<2048x8xf32, #tpu.memory_space<vmem>> -> memref<128x8xf32, #tpu.memory_space<vmem>>
        %dma_wait3A_717 = arith.constant 0 : i32
        %dma_wait3A_718 = tpu.memref_slice %arg13[%dma_wait3A_713, %dma_wait3A_717] : memref<16x128xi32, #tpu.memory_space<vmem>> -> memref<1x128xi32, #tpu.memory_space<vmem>>
        %dma_wait3A_719 = tpu.memref_squeeze %dma_wait3A_718 : memref<1x128xi32, #tpu.memory_space<vmem>> -> memref<128xi32, #tpu.memory_space<vmem>>
        %dma_wait3A_720 = arith.constant 0 : i32
        %dma_wait3A_721 = arith.constant 0 : i32
        %dma_wait3A_722 = tpu.memref_slice %arg4[%dma_wait3A_720, %dma_wait3A_721] : memref<262144x8xf32, #tpu.memory_space<hbm>> -> memref<262144x8xf32, #tpu.memory_space<hbm>>
        tpu.wait_indirect_dma semaphore(%arg22 : memref<!tpu.dma_semaphore, #tpu.memory_space<semaphore_mem>>) src(%dma_wait3A_722 : memref<262144x8xf32, #tpu.memory_space<hbm>>) dst(%dma_wait3A_716 : memref<128x8xf32, #tpu.memory_space<vmem>>)
        %dma_wait3A_723 = arith.constant 13 : i32
        %dma_wait3A_724 = arith.constant 1664 : i32
        %dma_wait3A_725 = arith.constant 0 : i32
        %dma_wait3A_726 = tpu.memref_slice %arg15[%dma_wait3A_724, %dma_wait3A_725] : memref<2048x8xf32, #tpu.memory_space<vmem>> -> memref<128x8xf32, #tpu.memory_space<vmem>>
        %dma_wait3A_727 = arith.constant 0 : i32
        %dma_wait3A_728 = tpu.memref_slice %arg13[%dma_wait3A_723, %dma_wait3A_727] : memref<16x128xi32, #tpu.memory_space<vmem>> -> memref<1x128xi32, #tpu.memory_space<vmem>>
        %dma_wait3A_729 = tpu.memref_squeeze %dma_wait3A_728 : memref<1x128xi32, #tpu.memory_space<vmem>> -> memref<128xi32, #tpu.memory_space<vmem>>
        %dma_wait3A_730 = arith.constant 0 : i32
        %dma_wait3A_731 = arith.constant 0 : i32
        %dma_wait3A_732 = tpu.memref_slice %arg4[%dma_wait3A_730, %dma_wait3A_731] : memref<262144x8xf32, #tpu.memory_space<hbm>> -> memref<262144x8xf32, #tpu.memory_space<hbm>>
        tpu.wait_indirect_dma semaphore(%arg22 : memref<!tpu.dma_semaphore, #tpu.memory_space<semaphore_mem>>) src(%dma_wait3A_732 : memref<262144x8xf32, #tpu.memory_space<hbm>>) dst(%dma_wait3A_726 : memref<128x8xf32, #tpu.memory_space<vmem>>)
        %dma_wait3A_733 = arith.constant 14 : i32
        %dma_wait3A_734 = arith.constant 1792 : i32
        %dma_wait3A_735 = arith.constant 0 : i32
        %dma_wait3A_736 = tpu.memref_slice %arg15[%dma_wait3A_734, %dma_wait3A_735] : memref<2048x8xf32, #tpu.memory_space<vmem>> -> memref<128x8xf32, #tpu.memory_space<vmem>>
        %dma_wait3A_737 = arith.constant 0 : i32
        %dma_wait3A_738 = tpu.memref_slice %arg13[%dma_wait3A_733, %dma_wait3A_737] : memref<16x128xi32, #tpu.memory_space<vmem>> -> memref<1x128xi32, #tpu.memory_space<vmem>>
        %dma_wait3A_739 = tpu.memref_squeeze %dma_wait3A_738 : memref<1x128xi32, #tpu.memory_space<vmem>> -> memref<128xi32, #tpu.memory_space<vmem>>
        %dma_wait3A_740 = arith.constant 0 : i32
        %dma_wait3A_741 = arith.constant 0 : i32
        %dma_wait3A_742 = tpu.memref_slice %arg4[%dma_wait3A_740, %dma_wait3A_741] : memref<262144x8xf32, #tpu.memory_space<hbm>> -> memref<262144x8xf32, #tpu.memory_space<hbm>>
        tpu.wait_indirect_dma semaphore(%arg22 : memref<!tpu.dma_semaphore, #tpu.memory_space<semaphore_mem>>) src(%dma_wait3A_742 : memref<262144x8xf32, #tpu.memory_space<hbm>>) dst(%dma_wait3A_736 : memref<128x8xf32, #tpu.memory_space<vmem>>)
        %dma_wait3A_743 = arith.constant 15 : i32
        %dma_wait3A_744 = arith.constant 1920 : i32
        %dma_wait3A_745 = arith.constant 0 : i32
        %dma_wait3A_746 = tpu.memref_slice %arg15[%dma_wait3A_744, %dma_wait3A_745] : memref<2048x8xf32, #tpu.memory_space<vmem>> -> memref<128x8xf32, #tpu.memory_space<vmem>>
        %dma_wait3A_747 = arith.constant 0 : i32
        %dma_wait3A_748 = tpu.memref_slice %arg13[%dma_wait3A_743, %dma_wait3A_747] : memref<16x128xi32, #tpu.memory_space<vmem>> -> memref<1x128xi32, #tpu.memory_space<vmem>>
        %dma_wait3A_749 = tpu.memref_squeeze %dma_wait3A_748 : memref<1x128xi32, #tpu.memory_space<vmem>> -> memref<128xi32, #tpu.memory_space<vmem>>
        %dma_wait3A_750 = arith.constant 0 : i32
        %dma_wait3A_751 = arith.constant 0 : i32
        %dma_wait3A_752 = tpu.memref_slice %arg4[%dma_wait3A_750, %dma_wait3A_751] : memref<262144x8xf32, #tpu.memory_space<hbm>> -> memref<262144x8xf32, #tpu.memory_space<hbm>>
        tpu.wait_indirect_dma semaphore(%arg22 : memref<!tpu.dma_semaphore, #tpu.memory_space<semaphore_mem>>) src(%dma_wait3A_752 : memref<262144x8xf32, #tpu.memory_space<hbm>>) dst(%dma_wait3A_746 : memref<128x8xf32, #tpu.memory_space<vmem>>)
        %sub3A = arith.constant 1 : i32
        %sub3A_753 = arith.subi %add3A_216, %sub3A : i32
        %mul3A_754 = arith.constant 2048 : i32
        %mul3A_755 = arith.muli %sub3A_753, %mul3A_754 : i32
        %add3A_756 = arith.addi %mul3A_2, %mul3A_755 : i32
        %mul3A_757 = arith.constant 0 : i32
        %mul3A_758 = vector.broadcast %mul3A_757 : i32 to vector<16xi32>
        %mul3A_759 = arith.muli %iota3A, %mul3A_758 : vector<16xi32>
        %add3A_760 = arith.constant 0 : i32
        %add3A_761 = vector.broadcast %add3A_760 : i32 to vector<16xi32>
        %add3A_762 = arith.addi %mul3A_759, %add3A_761 : vector<16xi32>
        %scan3A_763 = arith.constant 0 : i32
        %scan3A_764 = arith.constant 0 : i32
        %scan3A_765 = arith.constant 128 : i32
        %scan3A_766 = arith.addi %scan3A_764, %scan3A_765 : i32
        %scan3A_767 = arith.constant 1 : i32
        scf.for %scan3A_793 = %scan3A_764 to %scan3A_766 step %scan3A_767  : i32 {
          %mul3A_794 = arith.constant 16 : i32
          %mul3A_795 = arith.muli %mul3A_794, %scan3A_793 : i32
          %add3A_796 = vector.broadcast %mul3A_795 : i32 to vector<16xi32>
          %add3A_797 = arith.addi %iota3A, %add3A_796 : vector<16xi32>
          %gather3A = tpu.vector_load_idx %arg15[%add3A_797, %add3A_762] : memref<2048x8xf32, #tpu.memory_space<vmem>>[vector<16xi32>, vector<16xi32>], vector<16xf32>,
          %mul3A_798 = arith.constant 16 : i32
          %mul3A_799 = arith.muli %mul3A_798, %scan3A_793 : i32
          %swap3A = arith.index_cast %mul3A_799 : i32 to index
          %swap3A_800 = tpu.vector_load %arg16[%swap3A] {strides = array<i32>} : memref<2048xf32, #tpu.memory_space<vmem>>, vector<16xf32>,
          tpu.vector_store %arg16[%swap3A], %gather3A {strides = array<i32>} : memref<2048xf32, #tpu.memory_space<vmem>>, vector<16xf32>,
        }
        %scan3A_768 = arith.constant 128 : i32
        "tpu.region"() ({
          %run_scoped3A = tpu.sem_alloc : memref<!tpu.dma_semaphore, #tpu.memory_space<semaphore_mem>>
          %dma_start3A_793 = tpu.memref_slice %arg5[%add3A_756] : memref<1048576xf32, #tpu.memory_space<hbm>> -> memref<2048xf32, #tpu.memory_space<hbm>>
          %dma_start3A_794 = tpu.memref_slice %arg5[%add3A_756] : memref<1048576xf32, #tpu.memory_space<hbm>> -> memref<2048xf32, #tpu.memory_space<hbm>>
          tpu.enqueue_dma source(%arg16 : memref<2048xf32, #tpu.memory_space<vmem>>) target(%dma_start3A_794 : memref<2048xf32, #tpu.memory_space<hbm>>) target_semaphore(%run_scoped3A : memref<!tpu.dma_semaphore, #tpu.memory_space<semaphore_mem>>)
          %dma_wait3A_795 = tpu.memref_slice %arg5[%add3A_756] : memref<1048576xf32, #tpu.memory_space<hbm>> -> memref<2048xf32, #tpu.memory_space<hbm>>
          %dma_wait3A_796 = tpu.memref_slice %arg5[%add3A_756] : memref<1048576xf32, #tpu.memory_space<hbm>> -> memref<2048xf32, #tpu.memory_space<hbm>>
          tpu.wait_dma2 semaphore(%run_scoped3A : memref<!tpu.dma_semaphore, #tpu.memory_space<semaphore_mem>>) src(%arg16 : memref<2048xf32, #tpu.memory_space<vmem>>) dst(%dma_wait3A_796 : memref<2048xf32, #tpu.memory_space<hbm>>)
          tpu.yield
        }) : () -> ()
        %mul3A_769 = arith.constant 0 : i32
        %mul3A_770 = vector.broadcast %mul3A_769 : i32 to vector<16xi32>
        %mul3A_771 = arith.muli %iota3A, %mul3A_770 : vector<16xi32>
        %add3A_772 = arith.constant 1 : i32
        %add3A_773 = vector.broadcast %add3A_772 : i32 to vector<16xi32>
        %add3A_774 = arith.addi %mul3A_771, %add3A_773 : vector<16xi32>
        %scan3A_775 = arith.constant 0 : i32
        %scan3A_776 = arith.constant 0 : i32
        %scan3A_777 = arith.constant 128 : i32
        %scan3A_778 = arith.addi %scan3A_776, %scan3A_777 : i32
        %scan3A_779 = arith.constant 1 : i32
        scf.for %scan3A_793 = %scan3A_776 to %scan3A_778 step %scan3A_779  : i32 {
          %mul3A_794 = arith.constant 16 : i32
          %mul3A_795 = arith.muli %mul3A_794, %scan3A_793 : i32
          %add3A_796 = vector.broadcast %mul3A_795 : i32 to vector<16xi32>
          %add3A_797 = arith.addi %iota3A, %add3A_796 : vector<16xi32>
          %gather3A = tpu.vector_load_idx %arg15[%add3A_797, %add3A_774] : memref<2048x8xf32, #tpu.memory_space<vmem>>[vector<16xi32>, vector<16xi32>], vector<16xf32>,
          %mul3A_798 = arith.constant 16 : i32
          %mul3A_799 = arith.muli %mul3A_798, %scan3A_793 : i32
          %swap3A = arith.index_cast %mul3A_799 : i32 to index
          %swap3A_800 = tpu.vector_load %arg16[%swap3A] {strides = array<i32>} : memref<2048xf32, #tpu.memory_space<vmem>>, vector<16xf32>,
          tpu.vector_store %arg16[%swap3A], %gather3A {strides = array<i32>} : memref<2048xf32, #tpu.memory_space<vmem>>, vector<16xf32>,
        }
        %scan3A_780 = arith.constant 128 : i32
        "tpu.region"() ({
          %run_scoped3A = tpu.sem_alloc : memref<!tpu.dma_semaphore, #tpu.memory_space<semaphore_mem>>
          %dma_start3A_793 = tpu.memref_slice %arg6[%add3A_756] : memref<1048576xf32, #tpu.memory_space<hbm>> -> memref<2048xf32, #tpu.memory_space<hbm>>
          %dma_start3A_794 = tpu.memref_slice %arg6[%add3A_756] : memref<1048576xf32, #tpu.memory_space<hbm>> -> memref<2048xf32, #tpu.memory_space<hbm>>
          tpu.enqueue_dma source(%arg16 : memref<2048xf32, #tpu.memory_space<vmem>>) target(%dma_start3A_794 : memref<2048xf32, #tpu.memory_space<hbm>>) target_semaphore(%run_scoped3A : memref<!tpu.dma_semaphore, #tpu.memory_space<semaphore_mem>>)
          %dma_wait3A_795 = tpu.memref_slice %arg6[%add3A_756] : memref<1048576xf32, #tpu.memory_space<hbm>> -> memref<2048xf32, #tpu.memory_space<hbm>>
          %dma_wait3A_796 = tpu.memref_slice %arg6[%add3A_756] : memref<1048576xf32, #tpu.memory_space<hbm>> -> memref<2048xf32, #tpu.memory_space<hbm>>
          tpu.wait_dma2 semaphore(%run_scoped3A : memref<!tpu.dma_semaphore, #tpu.memory_space<semaphore_mem>>) src(%arg16 : memref<2048xf32, #tpu.memory_space<vmem>>) dst(%dma_wait3A_796 : memref<2048xf32, #tpu.memory_space<hbm>>)
          tpu.yield
        }) : () -> ()
        %mul3A_781 = arith.constant 0 : i32
        %mul3A_782 = vector.broadcast %mul3A_781 : i32 to vector<16xi32>
        %mul3A_783 = arith.muli %iota3A, %mul3A_782 : vector<16xi32>
        %add3A_784 = arith.constant 2 : i32
        %add3A_785 = vector.broadcast %add3A_784 : i32 to vector<16xi32>
        %add3A_786 = arith.addi %mul3A_783, %add3A_785 : vector<16xi32>
        %scan3A_787 = arith.constant 0 : i32
        %scan3A_788 = arith.constant 0 : i32
        %scan3A_789 = arith.constant 128 : i32
        %scan3A_790 = arith.addi %scan3A_788, %scan3A_789 : i32
        %scan3A_791 = arith.constant 1 : i32
        scf.for %scan3A_793 = %scan3A_788 to %scan3A_790 step %scan3A_791  : i32 {
          %mul3A_794 = arith.constant 16 : i32
          %mul3A_795 = arith.muli %mul3A_794, %scan3A_793 : i32
          %add3A_796 = vector.broadcast %mul3A_795 : i32 to vector<16xi32>
          %add3A_797 = arith.addi %iota3A, %add3A_796 : vector<16xi32>
          %gather3A = tpu.vector_load_idx %arg15[%add3A_797, %add3A_786] : memref<2048x8xf32, #tpu.memory_space<vmem>>[vector<16xi32>, vector<16xi32>], vector<16xf32>,
          %mul3A_798 = arith.constant 16 : i32
          %mul3A_799 = arith.muli %mul3A_798, %scan3A_793 : i32
          %swap3A = arith.index_cast %mul3A_799 : i32 to index
          %swap3A_800 = tpu.vector_load %arg16[%swap3A] {strides = array<i32>} : memref<2048xf32, #tpu.memory_space<vmem>>, vector<16xf32>,
          tpu.vector_store %arg16[%swap3A], %gather3A {strides = array<i32>} : memref<2048xf32, #tpu.memory_space<vmem>>, vector<16xf32>,
        }
        %scan3A_792 = arith.constant 128 : i32
        "tpu.region"() ({
          %run_scoped3A = tpu.sem_alloc : memref<!tpu.dma_semaphore, #tpu.memory_space<semaphore_mem>>
          %dma_start3A_793 = tpu.memref_slice %arg7[%add3A_756] : memref<1048576xf32, #tpu.memory_space<hbm>> -> memref<2048xf32, #tpu.memory_space<hbm>>
          %dma_start3A_794 = tpu.memref_slice %arg7[%add3A_756] : memref<1048576xf32, #tpu.memory_space<hbm>> -> memref<2048xf32, #tpu.memory_space<hbm>>
          tpu.enqueue_dma source(%arg16 : memref<2048xf32, #tpu.memory_space<vmem>>) target(%dma_start3A_794 : memref<2048xf32, #tpu.memory_space<hbm>>) target_semaphore(%run_scoped3A : memref<!tpu.dma_semaphore, #tpu.memory_space<semaphore_mem>>)
          %dma_wait3A_795 = tpu.memref_slice %arg7[%add3A_756] : memref<1048576xf32, #tpu.memory_space<hbm>> -> memref<2048xf32, #tpu.memory_space<hbm>>
          %dma_wait3A_796 = tpu.memref_slice %arg7[%add3A_756] : memref<1048576xf32, #tpu.memory_space<hbm>> -> memref<2048xf32, #tpu.memory_space<hbm>>
          tpu.wait_dma2 semaphore(%run_scoped3A : memref<!tpu.dma_semaphore, #tpu.memory_space<semaphore_mem>>) src(%arg16 : memref<2048xf32, #tpu.memory_space<vmem>>) dst(%dma_wait3A_796 : memref<2048xf32, #tpu.memory_space<hbm>>)
          tpu.yield
        }) : () -> ()
      } else {
      }
      %mul3A_401 = arith.constant 2 : i32
      %mul3A_402 = arith.muli %mul3A_401, %scan3A_212 : i32
      %add3A_403 = arith.constant 1 : i32
      %add3A_404 = arith.addi %mul3A_402, %add3A_403 : i32
      %mul3A_405 = arith.constant 2048 : i32
      %mul3A_406 = arith.muli %add3A_404, %mul3A_405 : i32
      %add3A_407 = arith.addi %mul3A_2, %mul3A_406 : i32
      %mul3A_408 = arith.constant 2048 : i32
      %mul3A_409 = arith.muli %add3A_404, %mul3A_408 : i32
      %add3A_410 = arith.addi %mul3A_2, %mul3A_409 : i32
      %dma_wait3A_411 = tpu.memref_slice %arg2[%add3A_407] : memref<1048576xi32, #tpu.memory_space<hbm>> -> memref<2048xi32, #tpu.memory_space<hbm>>
      %dma_wait3A_412 = tpu.memref_slice %arg2[%add3A_407] : memref<1048576xi32, #tpu.memory_space<hbm>> -> memref<2048xi32, #tpu.memory_space<hbm>>
      tpu.wait_dma2 semaphore(%arg18 : memref<!tpu.dma_semaphore, #tpu.memory_space<semaphore_mem>>) src(%dma_wait3A_412 : memref<2048xi32, #tpu.memory_space<hbm>>) dst(%arg9 : memref<2048xi32, #tpu.memory_space<vmem>>)
      %dma_wait3A_413 = tpu.memref_slice %arg3[%add3A_410] : memref<1048576xi32, #tpu.memory_space<hbm>> -> memref<2048xi32, #tpu.memory_space<hbm>>
      %dma_wait3A_414 = tpu.memref_slice %arg3[%add3A_410] : memref<1048576xi32, #tpu.memory_space<hbm>> -> memref<2048xi32, #tpu.memory_space<hbm>>
      tpu.wait_dma2 semaphore(%arg20 : memref<!tpu.dma_semaphore, #tpu.memory_space<semaphore_mem>>) src(%dma_wait3A_414 : memref<2048xi32, #tpu.memory_space<hbm>>) dst(%arg11 : memref<2048xi32, #tpu.memory_space<vmem>>)
      %add3A_415 = arith.constant 1 : i32
      %add3A_416 = arith.addi %add3A_404, %add3A_415 : i32
      %lt3A_417 = arith.constant 16 : i32
      %lt3A_418 = arith.cmpi slt, %add3A_416, %lt3A_417 : i32
      %convert_element_type3A_419 = arith.extui %lt3A_418 : i1 to i32
      %cond3A_420 = arith.constant 0 : i32
      %cond3A_421 = arith.cmpi ne, %convert_element_type3A_419, %cond3A_420 : i32
      scf.if %cond3A_421 {
        %add3A_593 = arith.constant 1 : i32
        %add3A_594 = arith.addi %add3A_404, %add3A_593 : i32
        %mul3A_595 = arith.constant 2048 : i32
        %mul3A_596 = arith.muli %add3A_594, %mul3A_595 : i32
        %add3A_597 = arith.addi %mul3A_2, %mul3A_596 : i32
        %mul3A_598 = arith.constant 2048 : i32
        %mul3A_599 = arith.muli %add3A_594, %mul3A_598 : i32
        %add3A_600 = arith.addi %mul3A_2, %mul3A_599 : i32
        %dma_start3A_601 = tpu.memref_slice %arg2[%add3A_597] : memref<1048576xi32, #tpu.memory_space<hbm>> -> memref<2048xi32, #tpu.memory_space<hbm>>
        %dma_start3A_602 = tpu.memref_slice %arg2[%add3A_597] : memref<1048576xi32, #tpu.memory_space<hbm>> -> memref<2048xi32, #tpu.memory_space<hbm>>
        tpu.enqueue_dma source(%dma_start3A_602 : memref<2048xi32, #tpu.memory_space<hbm>>) target(%arg8 : memref<2048xi32, #tpu.memory_space<vmem>>) target_semaphore(%arg17 : memref<!tpu.dma_semaphore, #tpu.memory_space<semaphore_mem>>)
        %dma_start3A_603 = tpu.memref_slice %arg3[%add3A_600] : memref<1048576xi32, #tpu.memory_space<hbm>> -> memref<2048xi32, #tpu.memory_space<hbm>>
        %dma_start3A_604 = tpu.memref_slice %arg3[%add3A_600] : memref<1048576xi32, #tpu.memory_space<hbm>> -> memref<2048xi32, #tpu.memory_space<hbm>>
        tpu.enqueue_dma source(%dma_start3A_604 : memref<2048xi32, #tpu.memory_space<hbm>>) target(%arg10 : memref<2048xi32, #tpu.memory_space<vmem>>) target_semaphore(%arg19 : memref<!tpu.dma_semaphore, #tpu.memory_space<semaphore_mem>>)
      } else {
      }
      %scan3A_422 = arith.constant 0 : i32
      %scan3A_423 = arith.constant 0 : i32
      %scan3A_424 = arith.constant 16 : i32
      %scan3A_425 = arith.addi %scan3A_423, %scan3A_424 : i32
      %scan3A_426 = arith.constant 1 : i32
      scf.for %scan3A_593 = %scan3A_423 to %scan3A_425 step %scan3A_426  : i32 {
        %mul3A_594 = arith.constant 128 : i32
        %mul3A_595 = arith.muli %scan3A_593, %mul3A_594 : i32
        %add3A_596 = arith.constant 0 : i32
        %add3A_597 = arith.addi %mul3A_595, %add3A_596 : i32
        %get3A = arith.index_cast %add3A_597 : i32 to index
        %get3A_598 = tpu.vector_load %arg9[%get3A] {strides = array<i32>} : memref<2048xi32, #tpu.memory_space<vmem>>, vector<16xi32>,
        %get3A_599 = arith.index_cast %add3A_597 : i32 to index
        %get3A_600 = tpu.vector_load %arg11[%get3A_599] {strides = array<i32>} : memref<2048xi32, #tpu.memory_space<vmem>>, vector<16xi32>,
        %mul3A_601 = arith.constant 512 : i32
        %mul3A_602 = vector.broadcast %mul3A_601 : i32 to vector<16xi32>
        %mul3A_603 = arith.muli %get3A_598, %mul3A_602 : vector<16xi32>
        %add3A_604 = arith.addi %mul3A_603, %get3A_600 : vector<16xi32>
        %swap3A = arith.index_cast %scan3A_593 : i32 to index
        %swap3A_605 = arith.constant 0 : index
        %swap3A_606 = tpu.vector_load %arg13[%swap3A, %swap3A_605] {strides = array<i32>} : memref<16x128xi32, #tpu.memory_space<vmem>>, vector<16xi32>,
        tpu.vector_store %arg13[%swap3A, %swap3A_605], %add3A_604 {strides = array<i32>} : memref<16x128xi32, #tpu.memory_space<vmem>>, vector<16xi32>,
        %mul3A_607 = arith.constant 128 : i32
        %mul3A_608 = arith.muli %scan3A_593, %mul3A_607 : i32
        %add3A_609 = arith.constant 16 : i32
        %add3A_610 = arith.addi %mul3A_608, %add3A_609 : i32
        %get3A_611 = arith.index_cast %add3A_610 : i32 to index
        %get3A_612 = tpu.vector_load %arg9[%get3A_611] {strides = array<i32>} : memref<2048xi32, #tpu.memory_space<vmem>>, vector<16xi32>,
        %get3A_613 = arith.index_cast %add3A_610 : i32 to index
        %get3A_614 = tpu.vector_load %arg11[%get3A_613] {strides = array<i32>} : memref<2048xi32, #tpu.memory_space<vmem>>, vector<16xi32>,
        %mul3A_615 = arith.constant 512 : i32
        %mul3A_616 = vector.broadcast %mul3A_615 : i32 to vector<16xi32>
        %mul3A_617 = arith.muli %get3A_612, %mul3A_616 : vector<16xi32>
        %add3A_618 = arith.addi %mul3A_617, %get3A_614 : vector<16xi32>
        %swap3A_619 = arith.index_cast %scan3A_593 : i32 to index
        %swap3A_620 = arith.constant 16 : index
        %swap3A_621 = tpu.vector_load %arg13[%swap3A_619, %swap3A_620] {strides = array<i32>} : memref<16x128xi32, #tpu.memory_space<vmem>>, vector<16xi32>,
        tpu.vector_store %arg13[%swap3A_619, %swap3A_620], %add3A_618 {strides = array<i32>} : memref<16x128xi32, #tpu.memory_space<vmem>>, vector<16xi32>,
        %mul3A_622 = arith.constant 128 : i32
        %mul3A_623 = arith.muli %scan3A_593, %mul3A_622 : i32
        %add3A_624 = arith.constant 32 : i32
        %add3A_625 = arith.addi %mul3A_623, %add3A_624 : i32
        %get3A_626 = arith.index_cast %add3A_625 : i32 to index
        %get3A_627 = tpu.vector_load %arg9[%get3A_626] {strides = array<i32>} : memref<2048xi32, #tpu.memory_space<vmem>>, vector<16xi32>,
        %get3A_628 = arith.index_cast %add3A_625 : i32 to index
        %get3A_629 = tpu.vector_load %arg11[%get3A_628] {strides = array<i32>} : memref<2048xi32, #tpu.memory_space<vmem>>, vector<16xi32>,
        %mul3A_630 = arith.constant 512 : i32
        %mul3A_631 = vector.broadcast %mul3A_630 : i32 to vector<16xi32>
        %mul3A_632 = arith.muli %get3A_627, %mul3A_631 : vector<16xi32>
        %add3A_633 = arith.addi %mul3A_632, %get3A_629 : vector<16xi32>
        %swap3A_634 = arith.index_cast %scan3A_593 : i32 to index
        %swap3A_635 = arith.constant 32 : index
        %swap3A_636 = tpu.vector_load %arg13[%swap3A_634, %swap3A_635] {strides = array<i32>} : memref<16x128xi32, #tpu.memory_space<vmem>>, vector<16xi32>,
        tpu.vector_store %arg13[%swap3A_634, %swap3A_635], %add3A_633 {strides = array<i32>} : memref<16x128xi32, #tpu.memory_space<vmem>>, vector<16xi32>,
        %mul3A_637 = arith.constant 128 : i32
        %mul3A_638 = arith.muli %scan3A_593, %mul3A_637 : i32
        %add3A_639 = arith.constant 48 : i32
        %add3A_640 = arith.addi %mul3A_638, %add3A_639 : i32
        %get3A_641 = arith.index_cast %add3A_640 : i32 to index
        %get3A_642 = tpu.vector_load %arg9[%get3A_641] {strides = array<i32>} : memref<2048xi32, #tpu.memory_space<vmem>>, vector<16xi32>,
        %get3A_643 = arith.index_cast %add3A_640 : i32 to index
        %get3A_644 = tpu.vector_load %arg11[%get3A_643] {strides = array<i32>} : memref<2048xi32, #tpu.memory_space<vmem>>, vector<16xi32>,
        %mul3A_645 = arith.constant 512 : i32
        %mul3A_646 = vector.broadcast %mul3A_645 : i32 to vector<16xi32>
        %mul3A_647 = arith.muli %get3A_642, %mul3A_646 : vector<16xi32>
        %add3A_648 = arith.addi %mul3A_647, %get3A_644 : vector<16xi32>
        %swap3A_649 = arith.index_cast %scan3A_593 : i32 to index
        %swap3A_650 = arith.constant 48 : index
        %swap3A_651 = tpu.vector_load %arg13[%swap3A_649, %swap3A_650] {strides = array<i32>} : memref<16x128xi32, #tpu.memory_space<vmem>>, vector<16xi32>,
        tpu.vector_store %arg13[%swap3A_649, %swap3A_650], %add3A_648 {strides = array<i32>} : memref<16x128xi32, #tpu.memory_space<vmem>>, vector<16xi32>,
        %mul3A_652 = arith.constant 128 : i32
        %mul3A_653 = arith.muli %scan3A_593, %mul3A_652 : i32
        %add3A_654 = arith.constant 64 : i32
        %add3A_655 = arith.addi %mul3A_653, %add3A_654 : i32
        %get3A_656 = arith.index_cast %add3A_655 : i32 to index
        %get3A_657 = tpu.vector_load %arg9[%get3A_656] {strides = array<i32>} : memref<2048xi32, #tpu.memory_space<vmem>>, vector<16xi32>,
        %get3A_658 = arith.index_cast %add3A_655 : i32 to index
        %get3A_659 = tpu.vector_load %arg11[%get3A_658] {strides = array<i32>} : memref<2048xi32, #tpu.memory_space<vmem>>, vector<16xi32>,
        %mul3A_660 = arith.constant 512 : i32
        %mul3A_661 = vector.broadcast %mul3A_660 : i32 to vector<16xi32>
        %mul3A_662 = arith.muli %get3A_657, %mul3A_661 : vector<16xi32>
        %add3A_663 = arith.addi %mul3A_662, %get3A_659 : vector<16xi32>
        %swap3A_664 = arith.index_cast %scan3A_593 : i32 to index
        %swap3A_665 = arith.constant 64 : index
        %swap3A_666 = tpu.vector_load %arg13[%swap3A_664, %swap3A_665] {strides = array<i32>} : memref<16x128xi32, #tpu.memory_space<vmem>>, vector<16xi32>,
        tpu.vector_store %arg13[%swap3A_664, %swap3A_665], %add3A_663 {strides = array<i32>} : memref<16x128xi32, #tpu.memory_space<vmem>>, vector<16xi32>,
        %mul3A_667 = arith.constant 128 : i32
        %mul3A_668 = arith.muli %scan3A_593, %mul3A_667 : i32
        %add3A_669 = arith.constant 80 : i32
        %add3A_670 = arith.addi %mul3A_668, %add3A_669 : i32
        %get3A_671 = arith.index_cast %add3A_670 : i32 to index
        %get3A_672 = tpu.vector_load %arg9[%get3A_671] {strides = array<i32>} : memref<2048xi32, #tpu.memory_space<vmem>>, vector<16xi32>,
        %get3A_673 = arith.index_cast %add3A_670 : i32 to index
        %get3A_674 = tpu.vector_load %arg11[%get3A_673] {strides = array<i32>} : memref<2048xi32, #tpu.memory_space<vmem>>, vector<16xi32>,
        %mul3A_675 = arith.constant 512 : i32
        %mul3A_676 = vector.broadcast %mul3A_675 : i32 to vector<16xi32>
        %mul3A_677 = arith.muli %get3A_672, %mul3A_676 : vector<16xi32>
        %add3A_678 = arith.addi %mul3A_677, %get3A_674 : vector<16xi32>
        %swap3A_679 = arith.index_cast %scan3A_593 : i32 to index
        %swap3A_680 = arith.constant 80 : index
        %swap3A_681 = tpu.vector_load %arg13[%swap3A_679, %swap3A_680] {strides = array<i32>} : memref<16x128xi32, #tpu.memory_space<vmem>>, vector<16xi32>,
        tpu.vector_store %arg13[%swap3A_679, %swap3A_680], %add3A_678 {strides = array<i32>} : memref<16x128xi32, #tpu.memory_space<vmem>>, vector<16xi32>,
        %mul3A_682 = arith.constant 128 : i32
        %mul3A_683 = arith.muli %scan3A_593, %mul3A_682 : i32
        %add3A_684 = arith.constant 96 : i32
        %add3A_685 = arith.addi %mul3A_683, %add3A_684 : i32
        %get3A_686 = arith.index_cast %add3A_685 : i32 to index
        %get3A_687 = tpu.vector_load %arg9[%get3A_686] {strides = array<i32>} : memref<2048xi32, #tpu.memory_space<vmem>>, vector<16xi32>,
        %get3A_688 = arith.index_cast %add3A_685 : i32 to index
        %get3A_689 = tpu.vector_load %arg11[%get3A_688] {strides = array<i32>} : memref<2048xi32, #tpu.memory_space<vmem>>, vector<16xi32>,
        %mul3A_690 = arith.constant 512 : i32
        %mul3A_691 = vector.broadcast %mul3A_690 : i32 to vector<16xi32>
        %mul3A_692 = arith.muli %get3A_687, %mul3A_691 : vector<16xi32>
        %add3A_693 = arith.addi %mul3A_692, %get3A_689 : vector<16xi32>
        %swap3A_694 = arith.index_cast %scan3A_593 : i32 to index
        %swap3A_695 = arith.constant 96 : index
        %swap3A_696 = tpu.vector_load %arg13[%swap3A_694, %swap3A_695] {strides = array<i32>} : memref<16x128xi32, #tpu.memory_space<vmem>>, vector<16xi32>,
        tpu.vector_store %arg13[%swap3A_694, %swap3A_695], %add3A_693 {strides = array<i32>} : memref<16x128xi32, #tpu.memory_space<vmem>>, vector<16xi32>,
        %mul3A_697 = arith.constant 128 : i32
        %mul3A_698 = arith.muli %scan3A_593, %mul3A_697 : i32
        %add3A_699 = arith.constant 112 : i32
        %add3A_700 = arith.addi %mul3A_698, %add3A_699 : i32
        %get3A_701 = arith.index_cast %add3A_700 : i32 to index
        %get3A_702 = tpu.vector_load %arg9[%get3A_701] {strides = array<i32>} : memref<2048xi32, #tpu.memory_space<vmem>>, vector<16xi32>,
        %get3A_703 = arith.index_cast %add3A_700 : i32 to index
        %get3A_704 = tpu.vector_load %arg11[%get3A_703] {strides = array<i32>} : memref<2048xi32, #tpu.memory_space<vmem>>, vector<16xi32>,
        %mul3A_705 = arith.constant 512 : i32
        %mul3A_706 = vector.broadcast %mul3A_705 : i32 to vector<16xi32>
        %mul3A_707 = arith.muli %get3A_702, %mul3A_706 : vector<16xi32>
        %add3A_708 = arith.addi %mul3A_707, %get3A_704 : vector<16xi32>
        %swap3A_709 = arith.index_cast %scan3A_593 : i32 to index
        %swap3A_710 = arith.constant 112 : index
        %swap3A_711 = tpu.vector_load %arg13[%swap3A_709, %swap3A_710] {strides = array<i32>} : memref<16x128xi32, #tpu.memory_space<vmem>>, vector<16xi32>,
        tpu.vector_store %arg13[%swap3A_709, %swap3A_710], %add3A_708 {strides = array<i32>} : memref<16x128xi32, #tpu.memory_space<vmem>>, vector<16xi32>,
      }
      %scan3A_427 = arith.constant 16 : i32
      %dma_start3A_428 = arith.constant 0 : i32
      %dma_start3A_429 = arith.constant 0 : i32
      %dma_start3A_430 = arith.constant 0 : i32
      %dma_start3A_431 = tpu.memref_slice %arg15[%dma_start3A_429, %dma_start3A_430] : memref<2048x8xf32, #tpu.memory_space<vmem>> -> memref<128x8xf32, #tpu.memory_space<vmem>>
      %dma_start3A_432 = arith.constant 0 : i32
      %dma_start3A_433 = tpu.memref_slice %arg13[%dma_start3A_428, %dma_start3A_432] : memref<16x128xi32, #tpu.memory_space<vmem>> -> memref<1x128xi32, #tpu.memory_space<vmem>>
      %dma_start3A_434 = tpu.memref_squeeze %dma_start3A_433 : memref<1x128xi32, #tpu.memory_space<vmem>> -> memref<128xi32, #tpu.memory_space<vmem>>
      %dma_start3A_435 = arith.constant 0 : i32
      %dma_start3A_436 = arith.constant 0 : i32
      %dma_start3A_437 = tpu.memref_slice %arg4[%dma_start3A_435, %dma_start3A_436] : memref<262144x8xf32, #tpu.memory_space<hbm>> -> memref<262144x8xf32, #tpu.memory_space<hbm>>
      tpu.enqueue_indirect_dma source(%dma_start3A_437 : memref<262144x8xf32, #tpu.memory_space<hbm>>) target(%dma_start3A_431 : memref<128x8xf32, #tpu.memory_space<vmem>>) offsets(%dma_start3A_434 : memref<128xi32, #tpu.memory_space<vmem>>) semaphore(%arg22 : memref<!tpu.dma_semaphore, #tpu.memory_space<semaphore_mem>>)
      %dma_start3A_438 = arith.constant 1 : i32
      %dma_start3A_439 = arith.constant 128 : i32
      %dma_start3A_440 = arith.constant 0 : i32
      %dma_start3A_441 = tpu.memref_slice %arg15[%dma_start3A_439, %dma_start3A_440] : memref<2048x8xf32, #tpu.memory_space<vmem>> -> memref<128x8xf32, #tpu.memory_space<vmem>>
      %dma_start3A_442 = arith.constant 0 : i32
      %dma_start3A_443 = tpu.memref_slice %arg13[%dma_start3A_438, %dma_start3A_442] : memref<16x128xi32, #tpu.memory_space<vmem>> -> memref<1x128xi32, #tpu.memory_space<vmem>>
      %dma_start3A_444 = tpu.memref_squeeze %dma_start3A_443 : memref<1x128xi32, #tpu.memory_space<vmem>> -> memref<128xi32, #tpu.memory_space<vmem>>
      %dma_start3A_445 = arith.constant 0 : i32
      %dma_start3A_446 = arith.constant 0 : i32
      %dma_start3A_447 = tpu.memref_slice %arg4[%dma_start3A_445, %dma_start3A_446] : memref<262144x8xf32, #tpu.memory_space<hbm>> -> memref<262144x8xf32, #tpu.memory_space<hbm>>
      tpu.enqueue_indirect_dma source(%dma_start3A_447 : memref<262144x8xf32, #tpu.memory_space<hbm>>) target(%dma_start3A_441 : memref<128x8xf32, #tpu.memory_space<vmem>>) offsets(%dma_start3A_444 : memref<128xi32, #tpu.memory_space<vmem>>) semaphore(%arg22 : memref<!tpu.dma_semaphore, #tpu.memory_space<semaphore_mem>>)
      %dma_start3A_448 = arith.constant 2 : i32
      %dma_start3A_449 = arith.constant 256 : i32
      %dma_start3A_450 = arith.constant 0 : i32
      %dma_start3A_451 = tpu.memref_slice %arg15[%dma_start3A_449, %dma_start3A_450] : memref<2048x8xf32, #tpu.memory_space<vmem>> -> memref<128x8xf32, #tpu.memory_space<vmem>>
      %dma_start3A_452 = arith.constant 0 : i32
      %dma_start3A_453 = tpu.memref_slice %arg13[%dma_start3A_448, %dma_start3A_452] : memref<16x128xi32, #tpu.memory_space<vmem>> -> memref<1x128xi32, #tpu.memory_space<vmem>>
      %dma_start3A_454 = tpu.memref_squeeze %dma_start3A_453 : memref<1x128xi32, #tpu.memory_space<vmem>> -> memref<128xi32, #tpu.memory_space<vmem>>
      %dma_start3A_455 = arith.constant 0 : i32
      %dma_start3A_456 = arith.constant 0 : i32
      %dma_start3A_457 = tpu.memref_slice %arg4[%dma_start3A_455, %dma_start3A_456] : memref<262144x8xf32, #tpu.memory_space<hbm>> -> memref<262144x8xf32, #tpu.memory_space<hbm>>
      tpu.enqueue_indirect_dma source(%dma_start3A_457 : memref<262144x8xf32, #tpu.memory_space<hbm>>) target(%dma_start3A_451 : memref<128x8xf32, #tpu.memory_space<vmem>>) offsets(%dma_start3A_454 : memref<128xi32, #tpu.memory_space<vmem>>) semaphore(%arg22 : memref<!tpu.dma_semaphore, #tpu.memory_space<semaphore_mem>>)
      %dma_start3A_458 = arith.constant 3 : i32
      %dma_start3A_459 = arith.constant 384 : i32
      %dma_start3A_460 = arith.constant 0 : i32
      %dma_start3A_461 = tpu.memref_slice %arg15[%dma_start3A_459, %dma_start3A_460] : memref<2048x8xf32, #tpu.memory_space<vmem>> -> memref<128x8xf32, #tpu.memory_space<vmem>>
      %dma_start3A_462 = arith.constant 0 : i32
      %dma_start3A_463 = tpu.memref_slice %arg13[%dma_start3A_458, %dma_start3A_462] : memref<16x128xi32, #tpu.memory_space<vmem>> -> memref<1x128xi32, #tpu.memory_space<vmem>>
      %dma_start3A_464 = tpu.memref_squeeze %dma_start3A_463 : memref<1x128xi32, #tpu.memory_space<vmem>> -> memref<128xi32, #tpu.memory_space<vmem>>
      %dma_start3A_465 = arith.constant 0 : i32
      %dma_start3A_466 = arith.constant 0 : i32
      %dma_start3A_467 = tpu.memref_slice %arg4[%dma_start3A_465, %dma_start3A_466] : memref<262144x8xf32, #tpu.memory_space<hbm>> -> memref<262144x8xf32, #tpu.memory_space<hbm>>
      tpu.enqueue_indirect_dma source(%dma_start3A_467 : memref<262144x8xf32, #tpu.memory_space<hbm>>) target(%dma_start3A_461 : memref<128x8xf32, #tpu.memory_space<vmem>>) offsets(%dma_start3A_464 : memref<128xi32, #tpu.memory_space<vmem>>) semaphore(%arg22 : memref<!tpu.dma_semaphore, #tpu.memory_space<semaphore_mem>>)
      %dma_start3A_468 = arith.constant 4 : i32
      %dma_start3A_469 = arith.constant 512 : i32
      %dma_start3A_470 = arith.constant 0 : i32
      %dma_start3A_471 = tpu.memref_slice %arg15[%dma_start3A_469, %dma_start3A_470] : memref<2048x8xf32, #tpu.memory_space<vmem>> -> memref<128x8xf32, #tpu.memory_space<vmem>>
      %dma_start3A_472 = arith.constant 0 : i32
      %dma_start3A_473 = tpu.memref_slice %arg13[%dma_start3A_468, %dma_start3A_472] : memref<16x128xi32, #tpu.memory_space<vmem>> -> memref<1x128xi32, #tpu.memory_space<vmem>>
      %dma_start3A_474 = tpu.memref_squeeze %dma_start3A_473 : memref<1x128xi32, #tpu.memory_space<vmem>> -> memref<128xi32, #tpu.memory_space<vmem>>
      %dma_start3A_475 = arith.constant 0 : i32
      %dma_start3A_476 = arith.constant 0 : i32
      %dma_start3A_477 = tpu.memref_slice %arg4[%dma_start3A_475, %dma_start3A_476] : memref<262144x8xf32, #tpu.memory_space<hbm>> -> memref<262144x8xf32, #tpu.memory_space<hbm>>
      tpu.enqueue_indirect_dma source(%dma_start3A_477 : memref<262144x8xf32, #tpu.memory_space<hbm>>) target(%dma_start3A_471 : memref<128x8xf32, #tpu.memory_space<vmem>>) offsets(%dma_start3A_474 : memref<128xi32, #tpu.memory_space<vmem>>) semaphore(%arg22 : memref<!tpu.dma_semaphore, #tpu.memory_space<semaphore_mem>>)
      %dma_start3A_478 = arith.constant 5 : i32
      %dma_start3A_479 = arith.constant 640 : i32
      %dma_start3A_480 = arith.constant 0 : i32
      %dma_start3A_481 = tpu.memref_slice %arg15[%dma_start3A_479, %dma_start3A_480] : memref<2048x8xf32, #tpu.memory_space<vmem>> -> memref<128x8xf32, #tpu.memory_space<vmem>>
      %dma_start3A_482 = arith.constant 0 : i32
      %dma_start3A_483 = tpu.memref_slice %arg13[%dma_start3A_478, %dma_start3A_482] : memref<16x128xi32, #tpu.memory_space<vmem>> -> memref<1x128xi32, #tpu.memory_space<vmem>>
      %dma_start3A_484 = tpu.memref_squeeze %dma_start3A_483 : memref<1x128xi32, #tpu.memory_space<vmem>> -> memref<128xi32, #tpu.memory_space<vmem>>
      %dma_start3A_485 = arith.constant 0 : i32
      %dma_start3A_486 = arith.constant 0 : i32
      %dma_start3A_487 = tpu.memref_slice %arg4[%dma_start3A_485, %dma_start3A_486] : memref<262144x8xf32, #tpu.memory_space<hbm>> -> memref<262144x8xf32, #tpu.memory_space<hbm>>
      tpu.enqueue_indirect_dma source(%dma_start3A_487 : memref<262144x8xf32, #tpu.memory_space<hbm>>) target(%dma_start3A_481 : memref<128x8xf32, #tpu.memory_space<vmem>>) offsets(%dma_start3A_484 : memref<128xi32, #tpu.memory_space<vmem>>) semaphore(%arg22 : memref<!tpu.dma_semaphore, #tpu.memory_space<semaphore_mem>>)
      %dma_start3A_488 = arith.constant 6 : i32
      %dma_start3A_489 = arith.constant 768 : i32
      %dma_start3A_490 = arith.constant 0 : i32
      %dma_start3A_491 = tpu.memref_slice %arg15[%dma_start3A_489, %dma_start3A_490] : memref<2048x8xf32, #tpu.memory_space<vmem>> -> memref<128x8xf32, #tpu.memory_space<vmem>>
      %dma_start3A_492 = arith.constant 0 : i32
      %dma_start3A_493 = tpu.memref_slice %arg13[%dma_start3A_488, %dma_start3A_492] : memref<16x128xi32, #tpu.memory_space<vmem>> -> memref<1x128xi32, #tpu.memory_space<vmem>>
      %dma_start3A_494 = tpu.memref_squeeze %dma_start3A_493 : memref<1x128xi32, #tpu.memory_space<vmem>> -> memref<128xi32, #tpu.memory_space<vmem>>
      %dma_start3A_495 = arith.constant 0 : i32
      %dma_start3A_496 = arith.constant 0 : i32
      %dma_start3A_497 = tpu.memref_slice %arg4[%dma_start3A_495, %dma_start3A_496] : memref<262144x8xf32, #tpu.memory_space<hbm>> -> memref<262144x8xf32, #tpu.memory_space<hbm>>
      tpu.enqueue_indirect_dma source(%dma_start3A_497 : memref<262144x8xf32, #tpu.memory_space<hbm>>) target(%dma_start3A_491 : memref<128x8xf32, #tpu.memory_space<vmem>>) offsets(%dma_start3A_494 : memref<128xi32, #tpu.memory_space<vmem>>) semaphore(%arg22 : memref<!tpu.dma_semaphore, #tpu.memory_space<semaphore_mem>>)
      %dma_start3A_498 = arith.constant 7 : i32
      %dma_start3A_499 = arith.constant 896 : i32
      %dma_start3A_500 = arith.constant 0 : i32
      %dma_start3A_501 = tpu.memref_slice %arg15[%dma_start3A_499, %dma_start3A_500] : memref<2048x8xf32, #tpu.memory_space<vmem>> -> memref<128x8xf32, #tpu.memory_space<vmem>>
      %dma_start3A_502 = arith.constant 0 : i32
      %dma_start3A_503 = tpu.memref_slice %arg13[%dma_start3A_498, %dma_start3A_502] : memref<16x128xi32, #tpu.memory_space<vmem>> -> memref<1x128xi32, #tpu.memory_space<vmem>>
      %dma_start3A_504 = tpu.memref_squeeze %dma_start3A_503 : memref<1x128xi32, #tpu.memory_space<vmem>> -> memref<128xi32, #tpu.memory_space<vmem>>
      %dma_start3A_505 = arith.constant 0 : i32
      %dma_start3A_506 = arith.constant 0 : i32
      %dma_start3A_507 = tpu.memref_slice %arg4[%dma_start3A_505, %dma_start3A_506] : memref<262144x8xf32, #tpu.memory_space<hbm>> -> memref<262144x8xf32, #tpu.memory_space<hbm>>
      tpu.enqueue_indirect_dma source(%dma_start3A_507 : memref<262144x8xf32, #tpu.memory_space<hbm>>) target(%dma_start3A_501 : memref<128x8xf32, #tpu.memory_space<vmem>>) offsets(%dma_start3A_504 : memref<128xi32, #tpu.memory_space<vmem>>) semaphore(%arg22 : memref<!tpu.dma_semaphore, #tpu.memory_space<semaphore_mem>>)
      %dma_start3A_508 = arith.constant 8 : i32
      %dma_start3A_509 = arith.constant 1024 : i32
      %dma_start3A_510 = arith.constant 0 : i32
      %dma_start3A_511 = tpu.memref_slice %arg15[%dma_start3A_509, %dma_start3A_510] : memref<2048x8xf32, #tpu.memory_space<vmem>> -> memref<128x8xf32, #tpu.memory_space<vmem>>
      %dma_start3A_512 = arith.constant 0 : i32
      %dma_start3A_513 = tpu.memref_slice %arg13[%dma_start3A_508, %dma_start3A_512] : memref<16x128xi32, #tpu.memory_space<vmem>> -> memref<1x128xi32, #tpu.memory_space<vmem>>
      %dma_start3A_514 = tpu.memref_squeeze %dma_start3A_513 : memref<1x128xi32, #tpu.memory_space<vmem>> -> memref<128xi32, #tpu.memory_space<vmem>>
      %dma_start3A_515 = arith.constant 0 : i32
      %dma_start3A_516 = arith.constant 0 : i32
      %dma_start3A_517 = tpu.memref_slice %arg4[%dma_start3A_515, %dma_start3A_516] : memref<262144x8xf32, #tpu.memory_space<hbm>> -> memref<262144x8xf32, #tpu.memory_space<hbm>>
      tpu.enqueue_indirect_dma source(%dma_start3A_517 : memref<262144x8xf32, #tpu.memory_space<hbm>>) target(%dma_start3A_511 : memref<128x8xf32, #tpu.memory_space<vmem>>) offsets(%dma_start3A_514 : memref<128xi32, #tpu.memory_space<vmem>>) semaphore(%arg22 : memref<!tpu.dma_semaphore, #tpu.memory_space<semaphore_mem>>)
      %dma_start3A_518 = arith.constant 9 : i32
      %dma_start3A_519 = arith.constant 1152 : i32
      %dma_start3A_520 = arith.constant 0 : i32
      %dma_start3A_521 = tpu.memref_slice %arg15[%dma_start3A_519, %dma_start3A_520] : memref<2048x8xf32, #tpu.memory_space<vmem>> -> memref<128x8xf32, #tpu.memory_space<vmem>>
      %dma_start3A_522 = arith.constant 0 : i32
      %dma_start3A_523 = tpu.memref_slice %arg13[%dma_start3A_518, %dma_start3A_522] : memref<16x128xi32, #tpu.memory_space<vmem>> -> memref<1x128xi32, #tpu.memory_space<vmem>>
      %dma_start3A_524 = tpu.memref_squeeze %dma_start3A_523 : memref<1x128xi32, #tpu.memory_space<vmem>> -> memref<128xi32, #tpu.memory_space<vmem>>
      %dma_start3A_525 = arith.constant 0 : i32
      %dma_start3A_526 = arith.constant 0 : i32
      %dma_start3A_527 = tpu.memref_slice %arg4[%dma_start3A_525, %dma_start3A_526] : memref<262144x8xf32, #tpu.memory_space<hbm>> -> memref<262144x8xf32, #tpu.memory_space<hbm>>
      tpu.enqueue_indirect_dma source(%dma_start3A_527 : memref<262144x8xf32, #tpu.memory_space<hbm>>) target(%dma_start3A_521 : memref<128x8xf32, #tpu.memory_space<vmem>>) offsets(%dma_start3A_524 : memref<128xi32, #tpu.memory_space<vmem>>) semaphore(%arg22 : memref<!tpu.dma_semaphore, #tpu.memory_space<semaphore_mem>>)
      %dma_start3A_528 = arith.constant 10 : i32
      %dma_start3A_529 = arith.constant 1280 : i32
      %dma_start3A_530 = arith.constant 0 : i32
      %dma_start3A_531 = tpu.memref_slice %arg15[%dma_start3A_529, %dma_start3A_530] : memref<2048x8xf32, #tpu.memory_space<vmem>> -> memref<128x8xf32, #tpu.memory_space<vmem>>
      %dma_start3A_532 = arith.constant 0 : i32
      %dma_start3A_533 = tpu.memref_slice %arg13[%dma_start3A_528, %dma_start3A_532] : memref<16x128xi32, #tpu.memory_space<vmem>> -> memref<1x128xi32, #tpu.memory_space<vmem>>
      %dma_start3A_534 = tpu.memref_squeeze %dma_start3A_533 : memref<1x128xi32, #tpu.memory_space<vmem>> -> memref<128xi32, #tpu.memory_space<vmem>>
      %dma_start3A_535 = arith.constant 0 : i32
      %dma_start3A_536 = arith.constant 0 : i32
      %dma_start3A_537 = tpu.memref_slice %arg4[%dma_start3A_535, %dma_start3A_536] : memref<262144x8xf32, #tpu.memory_space<hbm>> -> memref<262144x8xf32, #tpu.memory_space<hbm>>
      tpu.enqueue_indirect_dma source(%dma_start3A_537 : memref<262144x8xf32, #tpu.memory_space<hbm>>) target(%dma_start3A_531 : memref<128x8xf32, #tpu.memory_space<vmem>>) offsets(%dma_start3A_534 : memref<128xi32, #tpu.memory_space<vmem>>) semaphore(%arg22 : memref<!tpu.dma_semaphore, #tpu.memory_space<semaphore_mem>>)
      %dma_start3A_538 = arith.constant 11 : i32
      %dma_start3A_539 = arith.constant 1408 : i32
      %dma_start3A_540 = arith.constant 0 : i32
      %dma_start3A_541 = tpu.memref_slice %arg15[%dma_start3A_539, %dma_start3A_540] : memref<2048x8xf32, #tpu.memory_space<vmem>> -> memref<128x8xf32, #tpu.memory_space<vmem>>
      %dma_start3A_542 = arith.constant 0 : i32
      %dma_start3A_543 = tpu.memref_slice %arg13[%dma_start3A_538, %dma_start3A_542] : memref<16x128xi32, #tpu.memory_space<vmem>> -> memref<1x128xi32, #tpu.memory_space<vmem>>
      %dma_start3A_544 = tpu.memref_squeeze %dma_start3A_543 : memref<1x128xi32, #tpu.memory_space<vmem>> -> memref<128xi32, #tpu.memory_space<vmem>>
      %dma_start3A_545 = arith.constant 0 : i32
      %dma_start3A_546 = arith.constant 0 : i32
      %dma_start3A_547 = tpu.memref_slice %arg4[%dma_start3A_545, %dma_start3A_546] : memref<262144x8xf32, #tpu.memory_space<hbm>> -> memref<262144x8xf32, #tpu.memory_space<hbm>>
      tpu.enqueue_indirect_dma source(%dma_start3A_547 : memref<262144x8xf32, #tpu.memory_space<hbm>>) target(%dma_start3A_541 : memref<128x8xf32, #tpu.memory_space<vmem>>) offsets(%dma_start3A_544 : memref<128xi32, #tpu.memory_space<vmem>>) semaphore(%arg22 : memref<!tpu.dma_semaphore, #tpu.memory_space<semaphore_mem>>)
      %dma_start3A_548 = arith.constant 12 : i32
      %dma_start3A_549 = arith.constant 1536 : i32
      %dma_start3A_550 = arith.constant 0 : i32
      %dma_start3A_551 = tpu.memref_slice %arg15[%dma_start3A_549, %dma_start3A_550] : memref<2048x8xf32, #tpu.memory_space<vmem>> -> memref<128x8xf32, #tpu.memory_space<vmem>>
      %dma_start3A_552 = arith.constant 0 : i32
      %dma_start3A_553 = tpu.memref_slice %arg13[%dma_start3A_548, %dma_start3A_552] : memref<16x128xi32, #tpu.memory_space<vmem>> -> memref<1x128xi32, #tpu.memory_space<vmem>>
      %dma_start3A_554 = tpu.memref_squeeze %dma_start3A_553 : memref<1x128xi32, #tpu.memory_space<vmem>> -> memref<128xi32, #tpu.memory_space<vmem>>
      %dma_start3A_555 = arith.constant 0 : i32
      %dma_start3A_556 = arith.constant 0 : i32
      %dma_start3A_557 = tpu.memref_slice %arg4[%dma_start3A_555, %dma_start3A_556] : memref<262144x8xf32, #tpu.memory_space<hbm>> -> memref<262144x8xf32, #tpu.memory_space<hbm>>
      tpu.enqueue_indirect_dma source(%dma_start3A_557 : memref<262144x8xf32, #tpu.memory_space<hbm>>) target(%dma_start3A_551 : memref<128x8xf32, #tpu.memory_space<vmem>>) offsets(%dma_start3A_554 : memref<128xi32, #tpu.memory_space<vmem>>) semaphore(%arg22 : memref<!tpu.dma_semaphore, #tpu.memory_space<semaphore_mem>>)
      %dma_start3A_558 = arith.constant 13 : i32
      %dma_start3A_559 = arith.constant 1664 : i32
      %dma_start3A_560 = arith.constant 0 : i32
      %dma_start3A_561 = tpu.memref_slice %arg15[%dma_start3A_559, %dma_start3A_560] : memref<2048x8xf32, #tpu.memory_space<vmem>> -> memref<128x8xf32, #tpu.memory_space<vmem>>
      %dma_start3A_562 = arith.constant 0 : i32
      %dma_start3A_563 = tpu.memref_slice %arg13[%dma_start3A_558, %dma_start3A_562] : memref<16x128xi32, #tpu.memory_space<vmem>> -> memref<1x128xi32, #tpu.memory_space<vmem>>
      %dma_start3A_564 = tpu.memref_squeeze %dma_start3A_563 : memref<1x128xi32, #tpu.memory_space<vmem>> -> memref<128xi32, #tpu.memory_space<vmem>>
      %dma_start3A_565 = arith.constant 0 : i32
      %dma_start3A_566 = arith.constant 0 : i32
      %dma_start3A_567 = tpu.memref_slice %arg4[%dma_start3A_565, %dma_start3A_566] : memref<262144x8xf32, #tpu.memory_space<hbm>> -> memref<262144x8xf32, #tpu.memory_space<hbm>>
      tpu.enqueue_indirect_dma source(%dma_start3A_567 : memref<262144x8xf32, #tpu.memory_space<hbm>>) target(%dma_start3A_561 : memref<128x8xf32, #tpu.memory_space<vmem>>) offsets(%dma_start3A_564 : memref<128xi32, #tpu.memory_space<vmem>>) semaphore(%arg22 : memref<!tpu.dma_semaphore, #tpu.memory_space<semaphore_mem>>)
      %dma_start3A_568 = arith.constant 14 : i32
      %dma_start3A_569 = arith.constant 1792 : i32
      %dma_start3A_570 = arith.constant 0 : i32
      %dma_start3A_571 = tpu.memref_slice %arg15[%dma_start3A_569, %dma_start3A_570] : memref<2048x8xf32, #tpu.memory_space<vmem>> -> memref<128x8xf32, #tpu.memory_space<vmem>>
      %dma_start3A_572 = arith.constant 0 : i32
      %dma_start3A_573 = tpu.memref_slice %arg13[%dma_start3A_568, %dma_start3A_572] : memref<16x128xi32, #tpu.memory_space<vmem>> -> memref<1x128xi32, #tpu.memory_space<vmem>>
      %dma_start3A_574 = tpu.memref_squeeze %dma_start3A_573 : memref<1x128xi32, #tpu.memory_space<vmem>> -> memref<128xi32, #tpu.memory_space<vmem>>
      %dma_start3A_575 = arith.constant 0 : i32
      %dma_start3A_576 = arith.constant 0 : i32
      %dma_start3A_577 = tpu.memref_slice %arg4[%dma_start3A_575, %dma_start3A_576] : memref<262144x8xf32, #tpu.memory_space<hbm>> -> memref<262144x8xf32, #tpu.memory_space<hbm>>
      tpu.enqueue_indirect_dma source(%dma_start3A_577 : memref<262144x8xf32, #tpu.memory_space<hbm>>) target(%dma_start3A_571 : memref<128x8xf32, #tpu.memory_space<vmem>>) offsets(%dma_start3A_574 : memref<128xi32, #tpu.memory_space<vmem>>) semaphore(%arg22 : memref<!tpu.dma_semaphore, #tpu.memory_space<semaphore_mem>>)
      %dma_start3A_578 = arith.constant 15 : i32
      %dma_start3A_579 = arith.constant 1920 : i32
      %dma_start3A_580 = arith.constant 0 : i32
      %dma_start3A_581 = tpu.memref_slice %arg15[%dma_start3A_579, %dma_start3A_580] : memref<2048x8xf32, #tpu.memory_space<vmem>> -> memref<128x8xf32, #tpu.memory_space<vmem>>
      %dma_start3A_582 = arith.constant 0 : i32
      %dma_start3A_583 = tpu.memref_slice %arg13[%dma_start3A_578, %dma_start3A_582] : memref<16x128xi32, #tpu.memory_space<vmem>> -> memref<1x128xi32, #tpu.memory_space<vmem>>
      %dma_start3A_584 = tpu.memref_squeeze %dma_start3A_583 : memref<1x128xi32, #tpu.memory_space<vmem>> -> memref<128xi32, #tpu.memory_space<vmem>>
      %dma_start3A_585 = arith.constant 0 : i32
      %dma_start3A_586 = arith.constant 0 : i32
      %dma_start3A_587 = tpu.memref_slice %arg4[%dma_start3A_585, %dma_start3A_586] : memref<262144x8xf32, #tpu.memory_space<hbm>> -> memref<262144x8xf32, #tpu.memory_space<hbm>>
      tpu.enqueue_indirect_dma source(%dma_start3A_587 : memref<262144x8xf32, #tpu.memory_space<hbm>>) target(%dma_start3A_581 : memref<128x8xf32, #tpu.memory_space<vmem>>) offsets(%dma_start3A_584 : memref<128xi32, #tpu.memory_space<vmem>>) semaphore(%arg22 : memref<!tpu.dma_semaphore, #tpu.memory_space<semaphore_mem>>)
      %gt3A_588 = arith.constant 0 : i32
      %gt3A_589 = arith.cmpi sgt, %add3A_404, %gt3A_588 : i32
      %convert_element_type3A_590 = arith.extui %gt3A_589 : i1 to i32
      %cond3A_591 = arith.constant 0 : i32
      %cond3A_592 = arith.cmpi ne, %convert_element_type3A_590, %cond3A_591 : i32
      scf.if %cond3A_592 {
        %dma_wait3A_593 = arith.constant 0 : i32
        %dma_wait3A_594 = arith.constant 0 : i32
        %dma_wait3A_595 = arith.constant 0 : i32
        %dma_wait3A_596 = tpu.memref_slice %arg14[%dma_wait3A_594, %dma_wait3A_595] : memref<2048x8xf32, #tpu.memory_space<vmem>> -> memref<128x8xf32, #tpu.memory_space<vmem>>
        %dma_wait3A_597 = arith.constant 0 : i32
        %dma_wait3A_598 = tpu.memref_slice %arg12[%dma_wait3A_593, %dma_wait3A_597] : memref<16x128xi32, #tpu.memory_space<vmem>> -> memref<1x128xi32, #tpu.memory_space<vmem>>
        %dma_wait3A_599 = tpu.memref_squeeze %dma_wait3A_598 : memref<1x128xi32, #tpu.memory_space<vmem>> -> memref<128xi32, #tpu.memory_space<vmem>>
        %dma_wait3A_600 = arith.constant 0 : i32
        %dma_wait3A_601 = arith.constant 0 : i32
        %dma_wait3A_602 = tpu.memref_slice %arg4[%dma_wait3A_600, %dma_wait3A_601] : memref<262144x8xf32, #tpu.memory_space<hbm>> -> memref<262144x8xf32, #tpu.memory_space<hbm>>
        tpu.wait_indirect_dma semaphore(%arg21 : memref<!tpu.dma_semaphore, #tpu.memory_space<semaphore_mem>>) src(%dma_wait3A_602 : memref<262144x8xf32, #tpu.memory_space<hbm>>) dst(%dma_wait3A_596 : memref<128x8xf32, #tpu.memory_space<vmem>>)
        %dma_wait3A_603 = arith.constant 1 : i32
        %dma_wait3A_604 = arith.constant 128 : i32
        %dma_wait3A_605 = arith.constant 0 : i32
        %dma_wait3A_606 = tpu.memref_slice %arg14[%dma_wait3A_604, %dma_wait3A_605] : memref<2048x8xf32, #tpu.memory_space<vmem>> -> memref<128x8xf32, #tpu.memory_space<vmem>>
        %dma_wait3A_607 = arith.constant 0 : i32
        %dma_wait3A_608 = tpu.memref_slice %arg12[%dma_wait3A_603, %dma_wait3A_607] : memref<16x128xi32, #tpu.memory_space<vmem>> -> memref<1x128xi32, #tpu.memory_space<vmem>>
        %dma_wait3A_609 = tpu.memref_squeeze %dma_wait3A_608 : memref<1x128xi32, #tpu.memory_space<vmem>> -> memref<128xi32, #tpu.memory_space<vmem>>
        %dma_wait3A_610 = arith.constant 0 : i32
        %dma_wait3A_611 = arith.constant 0 : i32
        %dma_wait3A_612 = tpu.memref_slice %arg4[%dma_wait3A_610, %dma_wait3A_611] : memref<262144x8xf32, #tpu.memory_space<hbm>> -> memref<262144x8xf32, #tpu.memory_space<hbm>>
        tpu.wait_indirect_dma semaphore(%arg21 : memref<!tpu.dma_semaphore, #tpu.memory_space<semaphore_mem>>) src(%dma_wait3A_612 : memref<262144x8xf32, #tpu.memory_space<hbm>>) dst(%dma_wait3A_606 : memref<128x8xf32, #tpu.memory_space<vmem>>)
        %dma_wait3A_613 = arith.constant 2 : i32
        %dma_wait3A_614 = arith.constant 256 : i32
        %dma_wait3A_615 = arith.constant 0 : i32
        %dma_wait3A_616 = tpu.memref_slice %arg14[%dma_wait3A_614, %dma_wait3A_615] : memref<2048x8xf32, #tpu.memory_space<vmem>> -> memref<128x8xf32, #tpu.memory_space<vmem>>
        %dma_wait3A_617 = arith.constant 0 : i32
        %dma_wait3A_618 = tpu.memref_slice %arg12[%dma_wait3A_613, %dma_wait3A_617] : memref<16x128xi32, #tpu.memory_space<vmem>> -> memref<1x128xi32, #tpu.memory_space<vmem>>
        %dma_wait3A_619 = tpu.memref_squeeze %dma_wait3A_618 : memref<1x128xi32, #tpu.memory_space<vmem>> -> memref<128xi32, #tpu.memory_space<vmem>>
        %dma_wait3A_620 = arith.constant 0 : i32
        %dma_wait3A_621 = arith.constant 0 : i32
        %dma_wait3A_622 = tpu.memref_slice %arg4[%dma_wait3A_620, %dma_wait3A_621] : memref<262144x8xf32, #tpu.memory_space<hbm>> -> memref<262144x8xf32, #tpu.memory_space<hbm>>
        tpu.wait_indirect_dma semaphore(%arg21 : memref<!tpu.dma_semaphore, #tpu.memory_space<semaphore_mem>>) src(%dma_wait3A_622 : memref<262144x8xf32, #tpu.memory_space<hbm>>) dst(%dma_wait3A_616 : memref<128x8xf32, #tpu.memory_space<vmem>>)
        %dma_wait3A_623 = arith.constant 3 : i32
        %dma_wait3A_624 = arith.constant 384 : i32
        %dma_wait3A_625 = arith.constant 0 : i32
        %dma_wait3A_626 = tpu.memref_slice %arg14[%dma_wait3A_624, %dma_wait3A_625] : memref<2048x8xf32, #tpu.memory_space<vmem>> -> memref<128x8xf32, #tpu.memory_space<vmem>>
        %dma_wait3A_627 = arith.constant 0 : i32
        %dma_wait3A_628 = tpu.memref_slice %arg12[%dma_wait3A_623, %dma_wait3A_627] : memref<16x128xi32, #tpu.memory_space<vmem>> -> memref<1x128xi32, #tpu.memory_space<vmem>>
        %dma_wait3A_629 = tpu.memref_squeeze %dma_wait3A_628 : memref<1x128xi32, #tpu.memory_space<vmem>> -> memref<128xi32, #tpu.memory_space<vmem>>
        %dma_wait3A_630 = arith.constant 0 : i32
        %dma_wait3A_631 = arith.constant 0 : i32
        %dma_wait3A_632 = tpu.memref_slice %arg4[%dma_wait3A_630, %dma_wait3A_631] : memref<262144x8xf32, #tpu.memory_space<hbm>> -> memref<262144x8xf32, #tpu.memory_space<hbm>>
        tpu.wait_indirect_dma semaphore(%arg21 : memref<!tpu.dma_semaphore, #tpu.memory_space<semaphore_mem>>) src(%dma_wait3A_632 : memref<262144x8xf32, #tpu.memory_space<hbm>>) dst(%dma_wait3A_626 : memref<128x8xf32, #tpu.memory_space<vmem>>)
        %dma_wait3A_633 = arith.constant 4 : i32
        %dma_wait3A_634 = arith.constant 512 : i32
        %dma_wait3A_635 = arith.constant 0 : i32
        %dma_wait3A_636 = tpu.memref_slice %arg14[%dma_wait3A_634, %dma_wait3A_635] : memref<2048x8xf32, #tpu.memory_space<vmem>> -> memref<128x8xf32, #tpu.memory_space<vmem>>
        %dma_wait3A_637 = arith.constant 0 : i32
        %dma_wait3A_638 = tpu.memref_slice %arg12[%dma_wait3A_633, %dma_wait3A_637] : memref<16x128xi32, #tpu.memory_space<vmem>> -> memref<1x128xi32, #tpu.memory_space<vmem>>
        %dma_wait3A_639 = tpu.memref_squeeze %dma_wait3A_638 : memref<1x128xi32, #tpu.memory_space<vmem>> -> memref<128xi32, #tpu.memory_space<vmem>>
        %dma_wait3A_640 = arith.constant 0 : i32
        %dma_wait3A_641 = arith.constant 0 : i32
        %dma_wait3A_642 = tpu.memref_slice %arg4[%dma_wait3A_640, %dma_wait3A_641] : memref<262144x8xf32, #tpu.memory_space<hbm>> -> memref<262144x8xf32, #tpu.memory_space<hbm>>
        tpu.wait_indirect_dma semaphore(%arg21 : memref<!tpu.dma_semaphore, #tpu.memory_space<semaphore_mem>>) src(%dma_wait3A_642 : memref<262144x8xf32, #tpu.memory_space<hbm>>) dst(%dma_wait3A_636 : memref<128x8xf32, #tpu.memory_space<vmem>>)
        %dma_wait3A_643 = arith.constant 5 : i32
        %dma_wait3A_644 = arith.constant 640 : i32
        %dma_wait3A_645 = arith.constant 0 : i32
        %dma_wait3A_646 = tpu.memref_slice %arg14[%dma_wait3A_644, %dma_wait3A_645] : memref<2048x8xf32, #tpu.memory_space<vmem>> -> memref<128x8xf32, #tpu.memory_space<vmem>>
        %dma_wait3A_647 = arith.constant 0 : i32
        %dma_wait3A_648 = tpu.memref_slice %arg12[%dma_wait3A_643, %dma_wait3A_647] : memref<16x128xi32, #tpu.memory_space<vmem>> -> memref<1x128xi32, #tpu.memory_space<vmem>>
        %dma_wait3A_649 = tpu.memref_squeeze %dma_wait3A_648 : memref<1x128xi32, #tpu.memory_space<vmem>> -> memref<128xi32, #tpu.memory_space<vmem>>
        %dma_wait3A_650 = arith.constant 0 : i32
        %dma_wait3A_651 = arith.constant 0 : i32
        %dma_wait3A_652 = tpu.memref_slice %arg4[%dma_wait3A_650, %dma_wait3A_651] : memref<262144x8xf32, #tpu.memory_space<hbm>> -> memref<262144x8xf32, #tpu.memory_space<hbm>>
        tpu.wait_indirect_dma semaphore(%arg21 : memref<!tpu.dma_semaphore, #tpu.memory_space<semaphore_mem>>) src(%dma_wait3A_652 : memref<262144x8xf32, #tpu.memory_space<hbm>>) dst(%dma_wait3A_646 : memref<128x8xf32, #tpu.memory_space<vmem>>)
        %dma_wait3A_653 = arith.constant 6 : i32
        %dma_wait3A_654 = arith.constant 768 : i32
        %dma_wait3A_655 = arith.constant 0 : i32
        %dma_wait3A_656 = tpu.memref_slice %arg14[%dma_wait3A_654, %dma_wait3A_655] : memref<2048x8xf32, #tpu.memory_space<vmem>> -> memref<128x8xf32, #tpu.memory_space<vmem>>
        %dma_wait3A_657 = arith.constant 0 : i32
        %dma_wait3A_658 = tpu.memref_slice %arg12[%dma_wait3A_653, %dma_wait3A_657] : memref<16x128xi32, #tpu.memory_space<vmem>> -> memref<1x128xi32, #tpu.memory_space<vmem>>
        %dma_wait3A_659 = tpu.memref_squeeze %dma_wait3A_658 : memref<1x128xi32, #tpu.memory_space<vmem>> -> memref<128xi32, #tpu.memory_space<vmem>>
        %dma_wait3A_660 = arith.constant 0 : i32
        %dma_wait3A_661 = arith.constant 0 : i32
        %dma_wait3A_662 = tpu.memref_slice %arg4[%dma_wait3A_660, %dma_wait3A_661] : memref<262144x8xf32, #tpu.memory_space<hbm>> -> memref<262144x8xf32, #tpu.memory_space<hbm>>
        tpu.wait_indirect_dma semaphore(%arg21 : memref<!tpu.dma_semaphore, #tpu.memory_space<semaphore_mem>>) src(%dma_wait3A_662 : memref<262144x8xf32, #tpu.memory_space<hbm>>) dst(%dma_wait3A_656 : memref<128x8xf32, #tpu.memory_space<vmem>>)
        %dma_wait3A_663 = arith.constant 7 : i32
        %dma_wait3A_664 = arith.constant 896 : i32
        %dma_wait3A_665 = arith.constant 0 : i32
        %dma_wait3A_666 = tpu.memref_slice %arg14[%dma_wait3A_664, %dma_wait3A_665] : memref<2048x8xf32, #tpu.memory_space<vmem>> -> memref<128x8xf32, #tpu.memory_space<vmem>>
        %dma_wait3A_667 = arith.constant 0 : i32
        %dma_wait3A_668 = tpu.memref_slice %arg12[%dma_wait3A_663, %dma_wait3A_667] : memref<16x128xi32, #tpu.memory_space<vmem>> -> memref<1x128xi32, #tpu.memory_space<vmem>>
        %dma_wait3A_669 = tpu.memref_squeeze %dma_wait3A_668 : memref<1x128xi32, #tpu.memory_space<vmem>> -> memref<128xi32, #tpu.memory_space<vmem>>
        %dma_wait3A_670 = arith.constant 0 : i32
        %dma_wait3A_671 = arith.constant 0 : i32
        %dma_wait3A_672 = tpu.memref_slice %arg4[%dma_wait3A_670, %dma_wait3A_671] : memref<262144x8xf32, #tpu.memory_space<hbm>> -> memref<262144x8xf32, #tpu.memory_space<hbm>>
        tpu.wait_indirect_dma semaphore(%arg21 : memref<!tpu.dma_semaphore, #tpu.memory_space<semaphore_mem>>) src(%dma_wait3A_672 : memref<262144x8xf32, #tpu.memory_space<hbm>>) dst(%dma_wait3A_666 : memref<128x8xf32, #tpu.memory_space<vmem>>)
        %dma_wait3A_673 = arith.constant 8 : i32
        %dma_wait3A_674 = arith.constant 1024 : i32
        %dma_wait3A_675 = arith.constant 0 : i32
        %dma_wait3A_676 = tpu.memref_slice %arg14[%dma_wait3A_674, %dma_wait3A_675] : memref<2048x8xf32, #tpu.memory_space<vmem>> -> memref<128x8xf32, #tpu.memory_space<vmem>>
        %dma_wait3A_677 = arith.constant 0 : i32
        %dma_wait3A_678 = tpu.memref_slice %arg12[%dma_wait3A_673, %dma_wait3A_677] : memref<16x128xi32, #tpu.memory_space<vmem>> -> memref<1x128xi32, #tpu.memory_space<vmem>>
        %dma_wait3A_679 = tpu.memref_squeeze %dma_wait3A_678 : memref<1x128xi32, #tpu.memory_space<vmem>> -> memref<128xi32, #tpu.memory_space<vmem>>
        %dma_wait3A_680 = arith.constant 0 : i32
        %dma_wait3A_681 = arith.constant 0 : i32
        %dma_wait3A_682 = tpu.memref_slice %arg4[%dma_wait3A_680, %dma_wait3A_681] : memref<262144x8xf32, #tpu.memory_space<hbm>> -> memref<262144x8xf32, #tpu.memory_space<hbm>>
        tpu.wait_indirect_dma semaphore(%arg21 : memref<!tpu.dma_semaphore, #tpu.memory_space<semaphore_mem>>) src(%dma_wait3A_682 : memref<262144x8xf32, #tpu.memory_space<hbm>>) dst(%dma_wait3A_676 : memref<128x8xf32, #tpu.memory_space<vmem>>)
        %dma_wait3A_683 = arith.constant 9 : i32
        %dma_wait3A_684 = arith.constant 1152 : i32
        %dma_wait3A_685 = arith.constant 0 : i32
        %dma_wait3A_686 = tpu.memref_slice %arg14[%dma_wait3A_684, %dma_wait3A_685] : memref<2048x8xf32, #tpu.memory_space<vmem>> -> memref<128x8xf32, #tpu.memory_space<vmem>>
        %dma_wait3A_687 = arith.constant 0 : i32
        %dma_wait3A_688 = tpu.memref_slice %arg12[%dma_wait3A_683, %dma_wait3A_687] : memref<16x128xi32, #tpu.memory_space<vmem>> -> memref<1x128xi32, #tpu.memory_space<vmem>>
        %dma_wait3A_689 = tpu.memref_squeeze %dma_wait3A_688 : memref<1x128xi32, #tpu.memory_space<vmem>> -> memref<128xi32, #tpu.memory_space<vmem>>
        %dma_wait3A_690 = arith.constant 0 : i32
        %dma_wait3A_691 = arith.constant 0 : i32
        %dma_wait3A_692 = tpu.memref_slice %arg4[%dma_wait3A_690, %dma_wait3A_691] : memref<262144x8xf32, #tpu.memory_space<hbm>> -> memref<262144x8xf32, #tpu.memory_space<hbm>>
        tpu.wait_indirect_dma semaphore(%arg21 : memref<!tpu.dma_semaphore, #tpu.memory_space<semaphore_mem>>) src(%dma_wait3A_692 : memref<262144x8xf32, #tpu.memory_space<hbm>>) dst(%dma_wait3A_686 : memref<128x8xf32, #tpu.memory_space<vmem>>)
        %dma_wait3A_693 = arith.constant 10 : i32
        %dma_wait3A_694 = arith.constant 1280 : i32
        %dma_wait3A_695 = arith.constant 0 : i32
        %dma_wait3A_696 = tpu.memref_slice %arg14[%dma_wait3A_694, %dma_wait3A_695] : memref<2048x8xf32, #tpu.memory_space<vmem>> -> memref<128x8xf32, #tpu.memory_space<vmem>>
        %dma_wait3A_697 = arith.constant 0 : i32
        %dma_wait3A_698 = tpu.memref_slice %arg12[%dma_wait3A_693, %dma_wait3A_697] : memref<16x128xi32, #tpu.memory_space<vmem>> -> memref<1x128xi32, #tpu.memory_space<vmem>>
        %dma_wait3A_699 = tpu.memref_squeeze %dma_wait3A_698 : memref<1x128xi32, #tpu.memory_space<vmem>> -> memref<128xi32, #tpu.memory_space<vmem>>
        %dma_wait3A_700 = arith.constant 0 : i32
        %dma_wait3A_701 = arith.constant 0 : i32
        %dma_wait3A_702 = tpu.memref_slice %arg4[%dma_wait3A_700, %dma_wait3A_701] : memref<262144x8xf32, #tpu.memory_space<hbm>> -> memref<262144x8xf32, #tpu.memory_space<hbm>>
        tpu.wait_indirect_dma semaphore(%arg21 : memref<!tpu.dma_semaphore, #tpu.memory_space<semaphore_mem>>) src(%dma_wait3A_702 : memref<262144x8xf32, #tpu.memory_space<hbm>>) dst(%dma_wait3A_696 : memref<128x8xf32, #tpu.memory_space<vmem>>)
        %dma_wait3A_703 = arith.constant 11 : i32
        %dma_wait3A_704 = arith.constant 1408 : i32
        %dma_wait3A_705 = arith.constant 0 : i32
        %dma_wait3A_706 = tpu.memref_slice %arg14[%dma_wait3A_704, %dma_wait3A_705] : memref<2048x8xf32, #tpu.memory_space<vmem>> -> memref<128x8xf32, #tpu.memory_space<vmem>>
        %dma_wait3A_707 = arith.constant 0 : i32
        %dma_wait3A_708 = tpu.memref_slice %arg12[%dma_wait3A_703, %dma_wait3A_707] : memref<16x128xi32, #tpu.memory_space<vmem>> -> memref<1x128xi32, #tpu.memory_space<vmem>>
        %dma_wait3A_709 = tpu.memref_squeeze %dma_wait3A_708 : memref<1x128xi32, #tpu.memory_space<vmem>> -> memref<128xi32, #tpu.memory_space<vmem>>
        %dma_wait3A_710 = arith.constant 0 : i32
        %dma_wait3A_711 = arith.constant 0 : i32
        %dma_wait3A_712 = tpu.memref_slice %arg4[%dma_wait3A_710, %dma_wait3A_711] : memref<262144x8xf32, #tpu.memory_space<hbm>> -> memref<262144x8xf32, #tpu.memory_space<hbm>>
        tpu.wait_indirect_dma semaphore(%arg21 : memref<!tpu.dma_semaphore, #tpu.memory_space<semaphore_mem>>) src(%dma_wait3A_712 : memref<262144x8xf32, #tpu.memory_space<hbm>>) dst(%dma_wait3A_706 : memref<128x8xf32, #tpu.memory_space<vmem>>)
        %dma_wait3A_713 = arith.constant 12 : i32
        %dma_wait3A_714 = arith.constant 1536 : i32
        %dma_wait3A_715 = arith.constant 0 : i32
        %dma_wait3A_716 = tpu.memref_slice %arg14[%dma_wait3A_714, %dma_wait3A_715] : memref<2048x8xf32, #tpu.memory_space<vmem>> -> memref<128x8xf32, #tpu.memory_space<vmem>>
        %dma_wait3A_717 = arith.constant 0 : i32
        %dma_wait3A_718 = tpu.memref_slice %arg12[%dma_wait3A_713, %dma_wait3A_717] : memref<16x128xi32, #tpu.memory_space<vmem>> -> memref<1x128xi32, #tpu.memory_space<vmem>>
        %dma_wait3A_719 = tpu.memref_squeeze %dma_wait3A_718 : memref<1x128xi32, #tpu.memory_space<vmem>> -> memref<128xi32, #tpu.memory_space<vmem>>
        %dma_wait3A_720 = arith.constant 0 : i32
        %dma_wait3A_721 = arith.constant 0 : i32
        %dma_wait3A_722 = tpu.memref_slice %arg4[%dma_wait3A_720, %dma_wait3A_721] : memref<262144x8xf32, #tpu.memory_space<hbm>> -> memref<262144x8xf32, #tpu.memory_space<hbm>>
        tpu.wait_indirect_dma semaphore(%arg21 : memref<!tpu.dma_semaphore, #tpu.memory_space<semaphore_mem>>) src(%dma_wait3A_722 : memref<262144x8xf32, #tpu.memory_space<hbm>>) dst(%dma_wait3A_716 : memref<128x8xf32, #tpu.memory_space<vmem>>)
        %dma_wait3A_723 = arith.constant 13 : i32
        %dma_wait3A_724 = arith.constant 1664 : i32
        %dma_wait3A_725 = arith.constant 0 : i32
        %dma_wait3A_726 = tpu.memref_slice %arg14[%dma_wait3A_724, %dma_wait3A_725] : memref<2048x8xf32, #tpu.memory_space<vmem>> -> memref<128x8xf32, #tpu.memory_space<vmem>>
        %dma_wait3A_727 = arith.constant 0 : i32
        %dma_wait3A_728 = tpu.memref_slice %arg12[%dma_wait3A_723, %dma_wait3A_727] : memref<16x128xi32, #tpu.memory_space<vmem>> -> memref<1x128xi32, #tpu.memory_space<vmem>>
        %dma_wait3A_729 = tpu.memref_squeeze %dma_wait3A_728 : memref<1x128xi32, #tpu.memory_space<vmem>> -> memref<128xi32, #tpu.memory_space<vmem>>
        %dma_wait3A_730 = arith.constant 0 : i32
        %dma_wait3A_731 = arith.constant 0 : i32
        %dma_wait3A_732 = tpu.memref_slice %arg4[%dma_wait3A_730, %dma_wait3A_731] : memref<262144x8xf32, #tpu.memory_space<hbm>> -> memref<262144x8xf32, #tpu.memory_space<hbm>>
        tpu.wait_indirect_dma semaphore(%arg21 : memref<!tpu.dma_semaphore, #tpu.memory_space<semaphore_mem>>) src(%dma_wait3A_732 : memref<262144x8xf32, #tpu.memory_space<hbm>>) dst(%dma_wait3A_726 : memref<128x8xf32, #tpu.memory_space<vmem>>)
        %dma_wait3A_733 = arith.constant 14 : i32
        %dma_wait3A_734 = arith.constant 1792 : i32
        %dma_wait3A_735 = arith.constant 0 : i32
        %dma_wait3A_736 = tpu.memref_slice %arg14[%dma_wait3A_734, %dma_wait3A_735] : memref<2048x8xf32, #tpu.memory_space<vmem>> -> memref<128x8xf32, #tpu.memory_space<vmem>>
        %dma_wait3A_737 = arith.constant 0 : i32
        %dma_wait3A_738 = tpu.memref_slice %arg12[%dma_wait3A_733, %dma_wait3A_737] : memref<16x128xi32, #tpu.memory_space<vmem>> -> memref<1x128xi32, #tpu.memory_space<vmem>>
        %dma_wait3A_739 = tpu.memref_squeeze %dma_wait3A_738 : memref<1x128xi32, #tpu.memory_space<vmem>> -> memref<128xi32, #tpu.memory_space<vmem>>
        %dma_wait3A_740 = arith.constant 0 : i32
        %dma_wait3A_741 = arith.constant 0 : i32
        %dma_wait3A_742 = tpu.memref_slice %arg4[%dma_wait3A_740, %dma_wait3A_741] : memref<262144x8xf32, #tpu.memory_space<hbm>> -> memref<262144x8xf32, #tpu.memory_space<hbm>>
        tpu.wait_indirect_dma semaphore(%arg21 : memref<!tpu.dma_semaphore, #tpu.memory_space<semaphore_mem>>) src(%dma_wait3A_742 : memref<262144x8xf32, #tpu.memory_space<hbm>>) dst(%dma_wait3A_736 : memref<128x8xf32, #tpu.memory_space<vmem>>)
        %dma_wait3A_743 = arith.constant 15 : i32
        %dma_wait3A_744 = arith.constant 1920 : i32
        %dma_wait3A_745 = arith.constant 0 : i32
        %dma_wait3A_746 = tpu.memref_slice %arg14[%dma_wait3A_744, %dma_wait3A_745] : memref<2048x8xf32, #tpu.memory_space<vmem>> -> memref<128x8xf32, #tpu.memory_space<vmem>>
        %dma_wait3A_747 = arith.constant 0 : i32
        %dma_wait3A_748 = tpu.memref_slice %arg12[%dma_wait3A_743, %dma_wait3A_747] : memref<16x128xi32, #tpu.memory_space<vmem>> -> memref<1x128xi32, #tpu.memory_space<vmem>>
        %dma_wait3A_749 = tpu.memref_squeeze %dma_wait3A_748 : memref<1x128xi32, #tpu.memory_space<vmem>> -> memref<128xi32, #tpu.memory_space<vmem>>
        %dma_wait3A_750 = arith.constant 0 : i32
        %dma_wait3A_751 = arith.constant 0 : i32
        %dma_wait3A_752 = tpu.memref_slice %arg4[%dma_wait3A_750, %dma_wait3A_751] : memref<262144x8xf32, #tpu.memory_space<hbm>> -> memref<262144x8xf32, #tpu.memory_space<hbm>>
        tpu.wait_indirect_dma semaphore(%arg21 : memref<!tpu.dma_semaphore, #tpu.memory_space<semaphore_mem>>) src(%dma_wait3A_752 : memref<262144x8xf32, #tpu.memory_space<hbm>>) dst(%dma_wait3A_746 : memref<128x8xf32, #tpu.memory_space<vmem>>)
        %sub3A = arith.constant 1 : i32
        %sub3A_753 = arith.subi %add3A_404, %sub3A : i32
        %mul3A_754 = arith.constant 2048 : i32
        %mul3A_755 = arith.muli %sub3A_753, %mul3A_754 : i32
        %add3A_756 = arith.addi %mul3A_2, %mul3A_755 : i32
        %mul3A_757 = arith.constant 0 : i32
        %mul3A_758 = vector.broadcast %mul3A_757 : i32 to vector<16xi32>
        %mul3A_759 = arith.muli %iota3A, %mul3A_758 : vector<16xi32>
        %add3A_760 = arith.constant 0 : i32
        %add3A_761 = vector.broadcast %add3A_760 : i32 to vector<16xi32>
        %add3A_762 = arith.addi %mul3A_759, %add3A_761 : vector<16xi32>
        %scan3A_763 = arith.constant 0 : i32
        %scan3A_764 = arith.constant 0 : i32
        %scan3A_765 = arith.constant 128 : i32
        %scan3A_766 = arith.addi %scan3A_764, %scan3A_765 : i32
        %scan3A_767 = arith.constant 1 : i32
        scf.for %scan3A_793 = %scan3A_764 to %scan3A_766 step %scan3A_767  : i32 {
          %mul3A_794 = arith.constant 16 : i32
          %mul3A_795 = arith.muli %mul3A_794, %scan3A_793 : i32
          %add3A_796 = vector.broadcast %mul3A_795 : i32 to vector<16xi32>
          %add3A_797 = arith.addi %iota3A, %add3A_796 : vector<16xi32>
          %gather3A = tpu.vector_load_idx %arg14[%add3A_797, %add3A_762] : memref<2048x8xf32, #tpu.memory_space<vmem>>[vector<16xi32>, vector<16xi32>], vector<16xf32>,
          %mul3A_798 = arith.constant 16 : i32
          %mul3A_799 = arith.muli %mul3A_798, %scan3A_793 : i32
          %swap3A = arith.index_cast %mul3A_799 : i32 to index
          %swap3A_800 = tpu.vector_load %arg16[%swap3A] {strides = array<i32>} : memref<2048xf32, #tpu.memory_space<vmem>>, vector<16xf32>,
          tpu.vector_store %arg16[%swap3A], %gather3A {strides = array<i32>} : memref<2048xf32, #tpu.memory_space<vmem>>, vector<16xf32>,
        }
        %scan3A_768 = arith.constant 128 : i32
        "tpu.region"() ({
          %run_scoped3A = tpu.sem_alloc : memref<!tpu.dma_semaphore, #tpu.memory_space<semaphore_mem>>
          %dma_start3A_793 = tpu.memref_slice %arg5[%add3A_756] : memref<1048576xf32, #tpu.memory_space<hbm>> -> memref<2048xf32, #tpu.memory_space<hbm>>
          %dma_start3A_794 = tpu.memref_slice %arg5[%add3A_756] : memref<1048576xf32, #tpu.memory_space<hbm>> -> memref<2048xf32, #tpu.memory_space<hbm>>
          tpu.enqueue_dma source(%arg16 : memref<2048xf32, #tpu.memory_space<vmem>>) target(%dma_start3A_794 : memref<2048xf32, #tpu.memory_space<hbm>>) target_semaphore(%run_scoped3A : memref<!tpu.dma_semaphore, #tpu.memory_space<semaphore_mem>>)
          %dma_wait3A_795 = tpu.memref_slice %arg5[%add3A_756] : memref<1048576xf32, #tpu.memory_space<hbm>> -> memref<2048xf32, #tpu.memory_space<hbm>>
          %dma_wait3A_796 = tpu.memref_slice %arg5[%add3A_756] : memref<1048576xf32, #tpu.memory_space<hbm>> -> memref<2048xf32, #tpu.memory_space<hbm>>
          tpu.wait_dma2 semaphore(%run_scoped3A : memref<!tpu.dma_semaphore, #tpu.memory_space<semaphore_mem>>) src(%arg16 : memref<2048xf32, #tpu.memory_space<vmem>>) dst(%dma_wait3A_796 : memref<2048xf32, #tpu.memory_space<hbm>>)
          tpu.yield
        }) : () -> ()
        %mul3A_769 = arith.constant 0 : i32
        %mul3A_770 = vector.broadcast %mul3A_769 : i32 to vector<16xi32>
        %mul3A_771 = arith.muli %iota3A, %mul3A_770 : vector<16xi32>
        %add3A_772 = arith.constant 1 : i32
        %add3A_773 = vector.broadcast %add3A_772 : i32 to vector<16xi32>
        %add3A_774 = arith.addi %mul3A_771, %add3A_773 : vector<16xi32>
        %scan3A_775 = arith.constant 0 : i32
        %scan3A_776 = arith.constant 0 : i32
        %scan3A_777 = arith.constant 128 : i32
        %scan3A_778 = arith.addi %scan3A_776, %scan3A_777 : i32
        %scan3A_779 = arith.constant 1 : i32
        scf.for %scan3A_793 = %scan3A_776 to %scan3A_778 step %scan3A_779  : i32 {
          %mul3A_794 = arith.constant 16 : i32
          %mul3A_795 = arith.muli %mul3A_794, %scan3A_793 : i32
          %add3A_796 = vector.broadcast %mul3A_795 : i32 to vector<16xi32>
          %add3A_797 = arith.addi %iota3A, %add3A_796 : vector<16xi32>
          %gather3A = tpu.vector_load_idx %arg14[%add3A_797, %add3A_774] : memref<2048x8xf32, #tpu.memory_space<vmem>>[vector<16xi32>, vector<16xi32>], vector<16xf32>,
          %mul3A_798 = arith.constant 16 : i32
          %mul3A_799 = arith.muli %mul3A_798, %scan3A_793 : i32
          %swap3A = arith.index_cast %mul3A_799 : i32 to index
          %swap3A_800 = tpu.vector_load %arg16[%swap3A] {strides = array<i32>} : memref<2048xf32, #tpu.memory_space<vmem>>, vector<16xf32>,
          tpu.vector_store %arg16[%swap3A], %gather3A {strides = array<i32>} : memref<2048xf32, #tpu.memory_space<vmem>>, vector<16xf32>,
        }
        %scan3A_780 = arith.constant 128 : i32
        "tpu.region"() ({
          %run_scoped3A = tpu.sem_alloc : memref<!tpu.dma_semaphore, #tpu.memory_space<semaphore_mem>>
          %dma_start3A_793 = tpu.memref_slice %arg6[%add3A_756] : memref<1048576xf32, #tpu.memory_space<hbm>> -> memref<2048xf32, #tpu.memory_space<hbm>>
          %dma_start3A_794 = tpu.memref_slice %arg6[%add3A_756] : memref<1048576xf32, #tpu.memory_space<hbm>> -> memref<2048xf32, #tpu.memory_space<hbm>>
          tpu.enqueue_dma source(%arg16 : memref<2048xf32, #tpu.memory_space<vmem>>) target(%dma_start3A_794 : memref<2048xf32, #tpu.memory_space<hbm>>) target_semaphore(%run_scoped3A : memref<!tpu.dma_semaphore, #tpu.memory_space<semaphore_mem>>)
          %dma_wait3A_795 = tpu.memref_slice %arg6[%add3A_756] : memref<1048576xf32, #tpu.memory_space<hbm>> -> memref<2048xf32, #tpu.memory_space<hbm>>
          %dma_wait3A_796 = tpu.memref_slice %arg6[%add3A_756] : memref<1048576xf32, #tpu.memory_space<hbm>> -> memref<2048xf32, #tpu.memory_space<hbm>>
          tpu.wait_dma2 semaphore(%run_scoped3A : memref<!tpu.dma_semaphore, #tpu.memory_space<semaphore_mem>>) src(%arg16 : memref<2048xf32, #tpu.memory_space<vmem>>) dst(%dma_wait3A_796 : memref<2048xf32, #tpu.memory_space<hbm>>)
          tpu.yield
        }) : () -> ()
        %mul3A_781 = arith.constant 0 : i32
        %mul3A_782 = vector.broadcast %mul3A_781 : i32 to vector<16xi32>
        %mul3A_783 = arith.muli %iota3A, %mul3A_782 : vector<16xi32>
        %add3A_784 = arith.constant 2 : i32
        %add3A_785 = vector.broadcast %add3A_784 : i32 to vector<16xi32>
        %add3A_786 = arith.addi %mul3A_783, %add3A_785 : vector<16xi32>
        %scan3A_787 = arith.constant 0 : i32
        %scan3A_788 = arith.constant 0 : i32
        %scan3A_789 = arith.constant 128 : i32
        %scan3A_790 = arith.addi %scan3A_788, %scan3A_789 : i32
        %scan3A_791 = arith.constant 1 : i32
        scf.for %scan3A_793 = %scan3A_788 to %scan3A_790 step %scan3A_791  : i32 {
          %mul3A_794 = arith.constant 16 : i32
          %mul3A_795 = arith.muli %mul3A_794, %scan3A_793 : i32
          %add3A_796 = vector.broadcast %mul3A_795 : i32 to vector<16xi32>
          %add3A_797 = arith.addi %iota3A, %add3A_796 : vector<16xi32>
          %gather3A = tpu.vector_load_idx %arg14[%add3A_797, %add3A_786] : memref<2048x8xf32, #tpu.memory_space<vmem>>[vector<16xi32>, vector<16xi32>], vector<16xf32>,
          %mul3A_798 = arith.constant 16 : i32
          %mul3A_799 = arith.muli %mul3A_798, %scan3A_793 : i32
          %swap3A = arith.index_cast %mul3A_799 : i32 to index
          %swap3A_800 = tpu.vector_load %arg16[%swap3A] {strides = array<i32>} : memref<2048xf32, #tpu.memory_space<vmem>>, vector<16xf32>,
          tpu.vector_store %arg16[%swap3A], %gather3A {strides = array<i32>} : memref<2048xf32, #tpu.memory_space<vmem>>, vector<16xf32>,
        }
        %scan3A_792 = arith.constant 128 : i32
        "tpu.region"() ({
          %run_scoped3A = tpu.sem_alloc : memref<!tpu.dma_semaphore, #tpu.memory_space<semaphore_mem>>
          %dma_start3A_793 = tpu.memref_slice %arg7[%add3A_756] : memref<1048576xf32, #tpu.memory_space<hbm>> -> memref<2048xf32, #tpu.memory_space<hbm>>
          %dma_start3A_794 = tpu.memref_slice %arg7[%add3A_756] : memref<1048576xf32, #tpu.memory_space<hbm>> -> memref<2048xf32, #tpu.memory_space<hbm>>
          tpu.enqueue_dma source(%arg16 : memref<2048xf32, #tpu.memory_space<vmem>>) target(%dma_start3A_794 : memref<2048xf32, #tpu.memory_space<hbm>>) target_semaphore(%run_scoped3A : memref<!tpu.dma_semaphore, #tpu.memory_space<semaphore_mem>>)
          %dma_wait3A_795 = tpu.memref_slice %arg7[%add3A_756] : memref<1048576xf32, #tpu.memory_space<hbm>> -> memref<2048xf32, #tpu.memory_space<hbm>>
          %dma_wait3A_796 = tpu.memref_slice %arg7[%add3A_756] : memref<1048576xf32, #tpu.memory_space<hbm>> -> memref<2048xf32, #tpu.memory_space<hbm>>
          tpu.wait_dma2 semaphore(%run_scoped3A : memref<!tpu.dma_semaphore, #tpu.memory_space<semaphore_mem>>) src(%arg16 : memref<2048xf32, #tpu.memory_space<vmem>>) dst(%dma_wait3A_796 : memref<2048xf32, #tpu.memory_space<hbm>>)
          tpu.yield
        }) : () -> ()
      } else {
      }
    }
    %scan3A_14 = arith.constant 8 : i32
    %dma_wait3A = arith.constant 0 : i32
    %dma_wait3A_15 = arith.constant 0 : i32
    %dma_wait3A_16 = arith.constant 0 : i32
    %dma_wait3A_17 = tpu.memref_slice %arg15[%dma_wait3A_15, %dma_wait3A_16] : memref<2048x8xf32, #tpu.memory_space<vmem>> -> memref<128x8xf32, #tpu.memory_space<vmem>>
    %dma_wait3A_18 = arith.constant 0 : i32
    %dma_wait3A_19 = tpu.memref_slice %arg13[%dma_wait3A, %dma_wait3A_18] : memref<16x128xi32, #tpu.memory_space<vmem>> -> memref<1x128xi32, #tpu.memory_space<vmem>>
    %dma_wait3A_20 = tpu.memref_squeeze %dma_wait3A_19 : memref<1x128xi32, #tpu.memory_space<vmem>> -> memref<128xi32, #tpu.memory_space<vmem>>
    %dma_wait3A_21 = arith.constant 0 : i32
    %dma_wait3A_22 = arith.constant 0 : i32
    %dma_wait3A_23 = tpu.memref_slice %arg4[%dma_wait3A_21, %dma_wait3A_22] : memref<262144x8xf32, #tpu.memory_space<hbm>> -> memref<262144x8xf32, #tpu.memory_space<hbm>>
    tpu.wait_indirect_dma semaphore(%arg22 : memref<!tpu.dma_semaphore, #tpu.memory_space<semaphore_mem>>) src(%dma_wait3A_23 : memref<262144x8xf32, #tpu.memory_space<hbm>>) dst(%dma_wait3A_17 : memref<128x8xf32, #tpu.memory_space<vmem>>)
    %dma_wait3A_24 = arith.constant 1 : i32
    %dma_wait3A_25 = arith.constant 128 : i32
    %dma_wait3A_26 = arith.constant 0 : i32
    %dma_wait3A_27 = tpu.memref_slice %arg15[%dma_wait3A_25, %dma_wait3A_26] : memref<2048x8xf32, #tpu.memory_space<vmem>> -> memref<128x8xf32, #tpu.memory_space<vmem>>
    %dma_wait3A_28 = arith.constant 0 : i32
    %dma_wait3A_29 = tpu.memref_slice %arg13[%dma_wait3A_24, %dma_wait3A_28] : memref<16x128xi32, #tpu.memory_space<vmem>> -> memref<1x128xi32, #tpu.memory_space<vmem>>
    %dma_wait3A_30 = tpu.memref_squeeze %dma_wait3A_29 : memref<1x128xi32, #tpu.memory_space<vmem>> -> memref<128xi32, #tpu.memory_space<vmem>>
    %dma_wait3A_31 = arith.constant 0 : i32
    %dma_wait3A_32 = arith.constant 0 : i32
    %dma_wait3A_33 = tpu.memref_slice %arg4[%dma_wait3A_31, %dma_wait3A_32] : memref<262144x8xf32, #tpu.memory_space<hbm>> -> memref<262144x8xf32, #tpu.memory_space<hbm>>
    tpu.wait_indirect_dma semaphore(%arg22 : memref<!tpu.dma_semaphore, #tpu.memory_space<semaphore_mem>>) src(%dma_wait3A_33 : memref<262144x8xf32, #tpu.memory_space<hbm>>) dst(%dma_wait3A_27 : memref<128x8xf32, #tpu.memory_space<vmem>>)
    %dma_wait3A_34 = arith.constant 2 : i32
    %dma_wait3A_35 = arith.constant 256 : i32
    %dma_wait3A_36 = arith.constant 0 : i32
    %dma_wait3A_37 = tpu.memref_slice %arg15[%dma_wait3A_35, %dma_wait3A_36] : memref<2048x8xf32, #tpu.memory_space<vmem>> -> memref<128x8xf32, #tpu.memory_space<vmem>>
    %dma_wait3A_38 = arith.constant 0 : i32
    %dma_wait3A_39 = tpu.memref_slice %arg13[%dma_wait3A_34, %dma_wait3A_38] : memref<16x128xi32, #tpu.memory_space<vmem>> -> memref<1x128xi32, #tpu.memory_space<vmem>>
    %dma_wait3A_40 = tpu.memref_squeeze %dma_wait3A_39 : memref<1x128xi32, #tpu.memory_space<vmem>> -> memref<128xi32, #tpu.memory_space<vmem>>
    %dma_wait3A_41 = arith.constant 0 : i32
    %dma_wait3A_42 = arith.constant 0 : i32
    %dma_wait3A_43 = tpu.memref_slice %arg4[%dma_wait3A_41, %dma_wait3A_42] : memref<262144x8xf32, #tpu.memory_space<hbm>> -> memref<262144x8xf32, #tpu.memory_space<hbm>>
    tpu.wait_indirect_dma semaphore(%arg22 : memref<!tpu.dma_semaphore, #tpu.memory_space<semaphore_mem>>) src(%dma_wait3A_43 : memref<262144x8xf32, #tpu.memory_space<hbm>>) dst(%dma_wait3A_37 : memref<128x8xf32, #tpu.memory_space<vmem>>)
    %dma_wait3A_44 = arith.constant 3 : i32
    %dma_wait3A_45 = arith.constant 384 : i32
    %dma_wait3A_46 = arith.constant 0 : i32
    %dma_wait3A_47 = tpu.memref_slice %arg15[%dma_wait3A_45, %dma_wait3A_46] : memref<2048x8xf32, #tpu.memory_space<vmem>> -> memref<128x8xf32, #tpu.memory_space<vmem>>
    %dma_wait3A_48 = arith.constant 0 : i32
    %dma_wait3A_49 = tpu.memref_slice %arg13[%dma_wait3A_44, %dma_wait3A_48] : memref<16x128xi32, #tpu.memory_space<vmem>> -> memref<1x128xi32, #tpu.memory_space<vmem>>
    %dma_wait3A_50 = tpu.memref_squeeze %dma_wait3A_49 : memref<1x128xi32, #tpu.memory_space<vmem>> -> memref<128xi32, #tpu.memory_space<vmem>>
    %dma_wait3A_51 = arith.constant 0 : i32
    %dma_wait3A_52 = arith.constant 0 : i32
    %dma_wait3A_53 = tpu.memref_slice %arg4[%dma_wait3A_51, %dma_wait3A_52] : memref<262144x8xf32, #tpu.memory_space<hbm>> -> memref<262144x8xf32, #tpu.memory_space<hbm>>
    tpu.wait_indirect_dma semaphore(%arg22 : memref<!tpu.dma_semaphore, #tpu.memory_space<semaphore_mem>>) src(%dma_wait3A_53 : memref<262144x8xf32, #tpu.memory_space<hbm>>) dst(%dma_wait3A_47 : memref<128x8xf32, #tpu.memory_space<vmem>>)
    %dma_wait3A_54 = arith.constant 4 : i32
    %dma_wait3A_55 = arith.constant 512 : i32
    %dma_wait3A_56 = arith.constant 0 : i32
    %dma_wait3A_57 = tpu.memref_slice %arg15[%dma_wait3A_55, %dma_wait3A_56] : memref<2048x8xf32, #tpu.memory_space<vmem>> -> memref<128x8xf32, #tpu.memory_space<vmem>>
    %dma_wait3A_58 = arith.constant 0 : i32
    %dma_wait3A_59 = tpu.memref_slice %arg13[%dma_wait3A_54, %dma_wait3A_58] : memref<16x128xi32, #tpu.memory_space<vmem>> -> memref<1x128xi32, #tpu.memory_space<vmem>>
    %dma_wait3A_60 = tpu.memref_squeeze %dma_wait3A_59 : memref<1x128xi32, #tpu.memory_space<vmem>> -> memref<128xi32, #tpu.memory_space<vmem>>
    %dma_wait3A_61 = arith.constant 0 : i32
    %dma_wait3A_62 = arith.constant 0 : i32
    %dma_wait3A_63 = tpu.memref_slice %arg4[%dma_wait3A_61, %dma_wait3A_62] : memref<262144x8xf32, #tpu.memory_space<hbm>> -> memref<262144x8xf32, #tpu.memory_space<hbm>>
    tpu.wait_indirect_dma semaphore(%arg22 : memref<!tpu.dma_semaphore, #tpu.memory_space<semaphore_mem>>) src(%dma_wait3A_63 : memref<262144x8xf32, #tpu.memory_space<hbm>>) dst(%dma_wait3A_57 : memref<128x8xf32, #tpu.memory_space<vmem>>)
    %dma_wait3A_64 = arith.constant 5 : i32
    %dma_wait3A_65 = arith.constant 640 : i32
    %dma_wait3A_66 = arith.constant 0 : i32
    %dma_wait3A_67 = tpu.memref_slice %arg15[%dma_wait3A_65, %dma_wait3A_66] : memref<2048x8xf32, #tpu.memory_space<vmem>> -> memref<128x8xf32, #tpu.memory_space<vmem>>
    %dma_wait3A_68 = arith.constant 0 : i32
    %dma_wait3A_69 = tpu.memref_slice %arg13[%dma_wait3A_64, %dma_wait3A_68] : memref<16x128xi32, #tpu.memory_space<vmem>> -> memref<1x128xi32, #tpu.memory_space<vmem>>
    %dma_wait3A_70 = tpu.memref_squeeze %dma_wait3A_69 : memref<1x128xi32, #tpu.memory_space<vmem>> -> memref<128xi32, #tpu.memory_space<vmem>>
    %dma_wait3A_71 = arith.constant 0 : i32
    %dma_wait3A_72 = arith.constant 0 : i32
    %dma_wait3A_73 = tpu.memref_slice %arg4[%dma_wait3A_71, %dma_wait3A_72] : memref<262144x8xf32, #tpu.memory_space<hbm>> -> memref<262144x8xf32, #tpu.memory_space<hbm>>
    tpu.wait_indirect_dma semaphore(%arg22 : memref<!tpu.dma_semaphore, #tpu.memory_space<semaphore_mem>>) src(%dma_wait3A_73 : memref<262144x8xf32, #tpu.memory_space<hbm>>) dst(%dma_wait3A_67 : memref<128x8xf32, #tpu.memory_space<vmem>>)
    %dma_wait3A_74 = arith.constant 6 : i32
    %dma_wait3A_75 = arith.constant 768 : i32
    %dma_wait3A_76 = arith.constant 0 : i32
    %dma_wait3A_77 = tpu.memref_slice %arg15[%dma_wait3A_75, %dma_wait3A_76] : memref<2048x8xf32, #tpu.memory_space<vmem>> -> memref<128x8xf32, #tpu.memory_space<vmem>>
    %dma_wait3A_78 = arith.constant 0 : i32
    %dma_wait3A_79 = tpu.memref_slice %arg13[%dma_wait3A_74, %dma_wait3A_78] : memref<16x128xi32, #tpu.memory_space<vmem>> -> memref<1x128xi32, #tpu.memory_space<vmem>>
    %dma_wait3A_80 = tpu.memref_squeeze %dma_wait3A_79 : memref<1x128xi32, #tpu.memory_space<vmem>> -> memref<128xi32, #tpu.memory_space<vmem>>
    %dma_wait3A_81 = arith.constant 0 : i32
    %dma_wait3A_82 = arith.constant 0 : i32
    %dma_wait3A_83 = tpu.memref_slice %arg4[%dma_wait3A_81, %dma_wait3A_82] : memref<262144x8xf32, #tpu.memory_space<hbm>> -> memref<262144x8xf32, #tpu.memory_space<hbm>>
    tpu.wait_indirect_dma semaphore(%arg22 : memref<!tpu.dma_semaphore, #tpu.memory_space<semaphore_mem>>) src(%dma_wait3A_83 : memref<262144x8xf32, #tpu.memory_space<hbm>>) dst(%dma_wait3A_77 : memref<128x8xf32, #tpu.memory_space<vmem>>)
    %dma_wait3A_84 = arith.constant 7 : i32
    %dma_wait3A_85 = arith.constant 896 : i32
    %dma_wait3A_86 = arith.constant 0 : i32
    %dma_wait3A_87 = tpu.memref_slice %arg15[%dma_wait3A_85, %dma_wait3A_86] : memref<2048x8xf32, #tpu.memory_space<vmem>> -> memref<128x8xf32, #tpu.memory_space<vmem>>
    %dma_wait3A_88 = arith.constant 0 : i32
    %dma_wait3A_89 = tpu.memref_slice %arg13[%dma_wait3A_84, %dma_wait3A_88] : memref<16x128xi32, #tpu.memory_space<vmem>> -> memref<1x128xi32, #tpu.memory_space<vmem>>
    %dma_wait3A_90 = tpu.memref_squeeze %dma_wait3A_89 : memref<1x128xi32, #tpu.memory_space<vmem>> -> memref<128xi32, #tpu.memory_space<vmem>>
    %dma_wait3A_91 = arith.constant 0 : i32
    %dma_wait3A_92 = arith.constant 0 : i32
    %dma_wait3A_93 = tpu.memref_slice %arg4[%dma_wait3A_91, %dma_wait3A_92] : memref<262144x8xf32, #tpu.memory_space<hbm>> -> memref<262144x8xf32, #tpu.memory_space<hbm>>
    tpu.wait_indirect_dma semaphore(%arg22 : memref<!tpu.dma_semaphore, #tpu.memory_space<semaphore_mem>>) src(%dma_wait3A_93 : memref<262144x8xf32, #tpu.memory_space<hbm>>) dst(%dma_wait3A_87 : memref<128x8xf32, #tpu.memory_space<vmem>>)
    %dma_wait3A_94 = arith.constant 8 : i32
    %dma_wait3A_95 = arith.constant 1024 : i32
    %dma_wait3A_96 = arith.constant 0 : i32
    %dma_wait3A_97 = tpu.memref_slice %arg15[%dma_wait3A_95, %dma_wait3A_96] : memref<2048x8xf32, #tpu.memory_space<vmem>> -> memref<128x8xf32, #tpu.memory_space<vmem>>
    %dma_wait3A_98 = arith.constant 0 : i32
    %dma_wait3A_99 = tpu.memref_slice %arg13[%dma_wait3A_94, %dma_wait3A_98] : memref<16x128xi32, #tpu.memory_space<vmem>> -> memref<1x128xi32, #tpu.memory_space<vmem>>
    %dma_wait3A_100 = tpu.memref_squeeze %dma_wait3A_99 : memref<1x128xi32, #tpu.memory_space<vmem>> -> memref<128xi32, #tpu.memory_space<vmem>>
    %dma_wait3A_101 = arith.constant 0 : i32
    %dma_wait3A_102 = arith.constant 0 : i32
    %dma_wait3A_103 = tpu.memref_slice %arg4[%dma_wait3A_101, %dma_wait3A_102] : memref<262144x8xf32, #tpu.memory_space<hbm>> -> memref<262144x8xf32, #tpu.memory_space<hbm>>
    tpu.wait_indirect_dma semaphore(%arg22 : memref<!tpu.dma_semaphore, #tpu.memory_space<semaphore_mem>>) src(%dma_wait3A_103 : memref<262144x8xf32, #tpu.memory_space<hbm>>) dst(%dma_wait3A_97 : memref<128x8xf32, #tpu.memory_space<vmem>>)
    %dma_wait3A_104 = arith.constant 9 : i32
    %dma_wait3A_105 = arith.constant 1152 : i32
    %dma_wait3A_106 = arith.constant 0 : i32
    %dma_wait3A_107 = tpu.memref_slice %arg15[%dma_wait3A_105, %dma_wait3A_106] : memref<2048x8xf32, #tpu.memory_space<vmem>> -> memref<128x8xf32, #tpu.memory_space<vmem>>
    %dma_wait3A_108 = arith.constant 0 : i32
    %dma_wait3A_109 = tpu.memref_slice %arg13[%dma_wait3A_104, %dma_wait3A_108] : memref<16x128xi32, #tpu.memory_space<vmem>> -> memref<1x128xi32, #tpu.memory_space<vmem>>
    %dma_wait3A_110 = tpu.memref_squeeze %dma_wait3A_109 : memref<1x128xi32, #tpu.memory_space<vmem>> -> memref<128xi32, #tpu.memory_space<vmem>>
    %dma_wait3A_111 = arith.constant 0 : i32
    %dma_wait3A_112 = arith.constant 0 : i32
    %dma_wait3A_113 = tpu.memref_slice %arg4[%dma_wait3A_111, %dma_wait3A_112] : memref<262144x8xf32, #tpu.memory_space<hbm>> -> memref<262144x8xf32, #tpu.memory_space<hbm>>
    tpu.wait_indirect_dma semaphore(%arg22 : memref<!tpu.dma_semaphore, #tpu.memory_space<semaphore_mem>>) src(%dma_wait3A_113 : memref<262144x8xf32, #tpu.memory_space<hbm>>) dst(%dma_wait3A_107 : memref<128x8xf32, #tpu.memory_space<vmem>>)
    %dma_wait3A_114 = arith.constant 10 : i32
    %dma_wait3A_115 = arith.constant 1280 : i32
    %dma_wait3A_116 = arith.constant 0 : i32
    %dma_wait3A_117 = tpu.memref_slice %arg15[%dma_wait3A_115, %dma_wait3A_116] : memref<2048x8xf32, #tpu.memory_space<vmem>> -> memref<128x8xf32, #tpu.memory_space<vmem>>
    %dma_wait3A_118 = arith.constant 0 : i32
    %dma_wait3A_119 = tpu.memref_slice %arg13[%dma_wait3A_114, %dma_wait3A_118] : memref<16x128xi32, #tpu.memory_space<vmem>> -> memref<1x128xi32, #tpu.memory_space<vmem>>
    %dma_wait3A_120 = tpu.memref_squeeze %dma_wait3A_119 : memref<1x128xi32, #tpu.memory_space<vmem>> -> memref<128xi32, #tpu.memory_space<vmem>>
    %dma_wait3A_121 = arith.constant 0 : i32
    %dma_wait3A_122 = arith.constant 0 : i32
    %dma_wait3A_123 = tpu.memref_slice %arg4[%dma_wait3A_121, %dma_wait3A_122] : memref<262144x8xf32, #tpu.memory_space<hbm>> -> memref<262144x8xf32, #tpu.memory_space<hbm>>
    tpu.wait_indirect_dma semaphore(%arg22 : memref<!tpu.dma_semaphore, #tpu.memory_space<semaphore_mem>>) src(%dma_wait3A_123 : memref<262144x8xf32, #tpu.memory_space<hbm>>) dst(%dma_wait3A_117 : memref<128x8xf32, #tpu.memory_space<vmem>>)
    %dma_wait3A_124 = arith.constant 11 : i32
    %dma_wait3A_125 = arith.constant 1408 : i32
    %dma_wait3A_126 = arith.constant 0 : i32
    %dma_wait3A_127 = tpu.memref_slice %arg15[%dma_wait3A_125, %dma_wait3A_126] : memref<2048x8xf32, #tpu.memory_space<vmem>> -> memref<128x8xf32, #tpu.memory_space<vmem>>
    %dma_wait3A_128 = arith.constant 0 : i32
    %dma_wait3A_129 = tpu.memref_slice %arg13[%dma_wait3A_124, %dma_wait3A_128] : memref<16x128xi32, #tpu.memory_space<vmem>> -> memref<1x128xi32, #tpu.memory_space<vmem>>
    %dma_wait3A_130 = tpu.memref_squeeze %dma_wait3A_129 : memref<1x128xi32, #tpu.memory_space<vmem>> -> memref<128xi32, #tpu.memory_space<vmem>>
    %dma_wait3A_131 = arith.constant 0 : i32
    %dma_wait3A_132 = arith.constant 0 : i32
    %dma_wait3A_133 = tpu.memref_slice %arg4[%dma_wait3A_131, %dma_wait3A_132] : memref<262144x8xf32, #tpu.memory_space<hbm>> -> memref<262144x8xf32, #tpu.memory_space<hbm>>
    tpu.wait_indirect_dma semaphore(%arg22 : memref<!tpu.dma_semaphore, #tpu.memory_space<semaphore_mem>>) src(%dma_wait3A_133 : memref<262144x8xf32, #tpu.memory_space<hbm>>) dst(%dma_wait3A_127 : memref<128x8xf32, #tpu.memory_space<vmem>>)
    %dma_wait3A_134 = arith.constant 12 : i32
    %dma_wait3A_135 = arith.constant 1536 : i32
    %dma_wait3A_136 = arith.constant 0 : i32
    %dma_wait3A_137 = tpu.memref_slice %arg15[%dma_wait3A_135, %dma_wait3A_136] : memref<2048x8xf32, #tpu.memory_space<vmem>> -> memref<128x8xf32, #tpu.memory_space<vmem>>
    %dma_wait3A_138 = arith.constant 0 : i32
    %dma_wait3A_139 = tpu.memref_slice %arg13[%dma_wait3A_134, %dma_wait3A_138] : memref<16x128xi32, #tpu.memory_space<vmem>> -> memref<1x128xi32, #tpu.memory_space<vmem>>
    %dma_wait3A_140 = tpu.memref_squeeze %dma_wait3A_139 : memref<1x128xi32, #tpu.memory_space<vmem>> -> memref<128xi32, #tpu.memory_space<vmem>>
    %dma_wait3A_141 = arith.constant 0 : i32
    %dma_wait3A_142 = arith.constant 0 : i32
    %dma_wait3A_143 = tpu.memref_slice %arg4[%dma_wait3A_141, %dma_wait3A_142] : memref<262144x8xf32, #tpu.memory_space<hbm>> -> memref<262144x8xf32, #tpu.memory_space<hbm>>
    tpu.wait_indirect_dma semaphore(%arg22 : memref<!tpu.dma_semaphore, #tpu.memory_space<semaphore_mem>>) src(%dma_wait3A_143 : memref<262144x8xf32, #tpu.memory_space<hbm>>) dst(%dma_wait3A_137 : memref<128x8xf32, #tpu.memory_space<vmem>>)
    %dma_wait3A_144 = arith.constant 13 : i32
    %dma_wait3A_145 = arith.constant 1664 : i32
    %dma_wait3A_146 = arith.constant 0 : i32
    %dma_wait3A_147 = tpu.memref_slice %arg15[%dma_wait3A_145, %dma_wait3A_146] : memref<2048x8xf32, #tpu.memory_space<vmem>> -> memref<128x8xf32, #tpu.memory_space<vmem>>
    %dma_wait3A_148 = arith.constant 0 : i32
    %dma_wait3A_149 = tpu.memref_slice %arg13[%dma_wait3A_144, %dma_wait3A_148] : memref<16x128xi32, #tpu.memory_space<vmem>> -> memref<1x128xi32, #tpu.memory_space<vmem>>
    %dma_wait3A_150 = tpu.memref_squeeze %dma_wait3A_149 : memref<1x128xi32, #tpu.memory_space<vmem>> -> memref<128xi32, #tpu.memory_space<vmem>>
    %dma_wait3A_151 = arith.constant 0 : i32
    %dma_wait3A_152 = arith.constant 0 : i32
    %dma_wait3A_153 = tpu.memref_slice %arg4[%dma_wait3A_151, %dma_wait3A_152] : memref<262144x8xf32, #tpu.memory_space<hbm>> -> memref<262144x8xf32, #tpu.memory_space<hbm>>
    tpu.wait_indirect_dma semaphore(%arg22 : memref<!tpu.dma_semaphore, #tpu.memory_space<semaphore_mem>>) src(%dma_wait3A_153 : memref<262144x8xf32, #tpu.memory_space<hbm>>) dst(%dma_wait3A_147 : memref<128x8xf32, #tpu.memory_space<vmem>>)
    %dma_wait3A_154 = arith.constant 14 : i32
    %dma_wait3A_155 = arith.constant 1792 : i32
    %dma_wait3A_156 = arith.constant 0 : i32
    %dma_wait3A_157 = tpu.memref_slice %arg15[%dma_wait3A_155, %dma_wait3A_156] : memref<2048x8xf32, #tpu.memory_space<vmem>> -> memref<128x8xf32, #tpu.memory_space<vmem>>
    %dma_wait3A_158 = arith.constant 0 : i32
    %dma_wait3A_159 = tpu.memref_slice %arg13[%dma_wait3A_154, %dma_wait3A_158] : memref<16x128xi32, #tpu.memory_space<vmem>> -> memref<1x128xi32, #tpu.memory_space<vmem>>
    %dma_wait3A_160 = tpu.memref_squeeze %dma_wait3A_159 : memref<1x128xi32, #tpu.memory_space<vmem>> -> memref<128xi32, #tpu.memory_space<vmem>>
    %dma_wait3A_161 = arith.constant 0 : i32
    %dma_wait3A_162 = arith.constant 0 : i32
    %dma_wait3A_163 = tpu.memref_slice %arg4[%dma_wait3A_161, %dma_wait3A_162] : memref<262144x8xf32, #tpu.memory_space<hbm>> -> memref<262144x8xf32, #tpu.memory_space<hbm>>
    tpu.wait_indirect_dma semaphore(%arg22 : memref<!tpu.dma_semaphore, #tpu.memory_space<semaphore_mem>>) src(%dma_wait3A_163 : memref<262144x8xf32, #tpu.memory_space<hbm>>) dst(%dma_wait3A_157 : memref<128x8xf32, #tpu.memory_space<vmem>>)
    %dma_wait3A_164 = arith.constant 15 : i32
    %dma_wait3A_165 = arith.constant 1920 : i32
    %dma_wait3A_166 = arith.constant 0 : i32
    %dma_wait3A_167 = tpu.memref_slice %arg15[%dma_wait3A_165, %dma_wait3A_166] : memref<2048x8xf32, #tpu.memory_space<vmem>> -> memref<128x8xf32, #tpu.memory_space<vmem>>
    %dma_wait3A_168 = arith.constant 0 : i32
    %dma_wait3A_169 = tpu.memref_slice %arg13[%dma_wait3A_164, %dma_wait3A_168] : memref<16x128xi32, #tpu.memory_space<vmem>> -> memref<1x128xi32, #tpu.memory_space<vmem>>
    %dma_wait3A_170 = tpu.memref_squeeze %dma_wait3A_169 : memref<1x128xi32, #tpu.memory_space<vmem>> -> memref<128xi32, #tpu.memory_space<vmem>>
    %dma_wait3A_171 = arith.constant 0 : i32
    %dma_wait3A_172 = arith.constant 0 : i32
    %dma_wait3A_173 = tpu.memref_slice %arg4[%dma_wait3A_171, %dma_wait3A_172] : memref<262144x8xf32, #tpu.memory_space<hbm>> -> memref<262144x8xf32, #tpu.memory_space<hbm>>
    tpu.wait_indirect_dma semaphore(%arg22 : memref<!tpu.dma_semaphore, #tpu.memory_space<semaphore_mem>>) src(%dma_wait3A_173 : memref<262144x8xf32, #tpu.memory_space<hbm>>) dst(%dma_wait3A_167 : memref<128x8xf32, #tpu.memory_space<vmem>>)
    %add3A_174 = arith.constant 30720 : i32
    %add3A_175 = arith.addi %mul3A_2, %add3A_174 : i32
    %mul3A_176 = arith.constant 0 : i32
    %mul3A_177 = vector.broadcast %mul3A_176 : i32 to vector<16xi32>
    %mul3A_178 = arith.muli %iota3A, %mul3A_177 : vector<16xi32>
    %add3A_179 = arith.constant 0 : i32
    %add3A_180 = vector.broadcast %add3A_179 : i32 to vector<16xi32>
    %add3A_181 = arith.addi %mul3A_178, %add3A_180 : vector<16xi32>
    %scan3A_182 = arith.constant 0 : i32
    %scan3A_183 = arith.constant 0 : i32
    %scan3A_184 = arith.constant 128 : i32
    %scan3A_185 = arith.addi %scan3A_183, %scan3A_184 : i32
    %scan3A_186 = arith.constant 1 : i32
    scf.for %scan3A_212 = %scan3A_183 to %scan3A_185 step %scan3A_186  : i32 {
      %mul3A_213 = arith.constant 16 : i32
      %mul3A_214 = arith.muli %mul3A_213, %scan3A_212 : i32
      %add3A_215 = vector.broadcast %mul3A_214 : i32 to vector<16xi32>
      %add3A_216 = arith.addi %iota3A, %add3A_215 : vector<16xi32>
      %gather3A = tpu.vector_load_idx %arg15[%add3A_216, %add3A_181] : memref<2048x8xf32, #tpu.memory_space<vmem>>[vector<16xi32>, vector<16xi32>], vector<16xf32>,
      %mul3A_217 = arith.constant 16 : i32
      %mul3A_218 = arith.muli %mul3A_217, %scan3A_212 : i32
      %swap3A = arith.index_cast %mul3A_218 : i32 to index
      %swap3A_219 = tpu.vector_load %arg16[%swap3A] {strides = array<i32>} : memref<2048xf32, #tpu.memory_space<vmem>>, vector<16xf32>,
      tpu.vector_store %arg16[%swap3A], %gather3A {strides = array<i32>} : memref<2048xf32, #tpu.memory_space<vmem>>, vector<16xf32>,
    }
    %scan3A_187 = arith.constant 128 : i32
    "tpu.region"() ({
      %run_scoped3A = tpu.sem_alloc : memref<!tpu.dma_semaphore, #tpu.memory_space<semaphore_mem>>
      %dma_start3A_212 = tpu.memref_slice %arg5[%add3A_175] : memref<1048576xf32, #tpu.memory_space<hbm>> -> memref<2048xf32, #tpu.memory_space<hbm>>
      %dma_start3A_213 = tpu.memref_slice %arg5[%add3A_175] : memref<1048576xf32, #tpu.memory_space<hbm>> -> memref<2048xf32, #tpu.memory_space<hbm>>
      tpu.enqueue_dma source(%arg16 : memref<2048xf32, #tpu.memory_space<vmem>>) target(%dma_start3A_213 : memref<2048xf32, #tpu.memory_space<hbm>>) target_semaphore(%run_scoped3A : memref<!tpu.dma_semaphore, #tpu.memory_space<semaphore_mem>>)
      %dma_wait3A_214 = tpu.memref_slice %arg5[%add3A_175] : memref<1048576xf32, #tpu.memory_space<hbm>> -> memref<2048xf32, #tpu.memory_space<hbm>>
      %dma_wait3A_215 = tpu.memref_slice %arg5[%add3A_175] : memref<1048576xf32, #tpu.memory_space<hbm>> -> memref<2048xf32, #tpu.memory_space<hbm>>
      tpu.wait_dma2 semaphore(%run_scoped3A : memref<!tpu.dma_semaphore, #tpu.memory_space<semaphore_mem>>) src(%arg16 : memref<2048xf32, #tpu.memory_space<vmem>>) dst(%dma_wait3A_215 : memref<2048xf32, #tpu.memory_space<hbm>>)
      tpu.yield
    }) : () -> ()
    %mul3A_188 = arith.constant 0 : i32
    %mul3A_189 = vector.broadcast %mul3A_188 : i32 to vector<16xi32>
    %mul3A_190 = arith.muli %iota3A, %mul3A_189 : vector<16xi32>
    %add3A_191 = arith.constant 1 : i32
    %add3A_192 = vector.broadcast %add3A_191 : i32 to vector<16xi32>
    %add3A_193 = arith.addi %mul3A_190, %add3A_192 : vector<16xi32>
    %scan3A_194 = arith.constant 0 : i32
    %scan3A_195 = arith.constant 0 : i32
    %scan3A_196 = arith.constant 128 : i32
    %scan3A_197 = arith.addi %scan3A_195, %scan3A_196 : i32
    %scan3A_198 = arith.constant 1 : i32
    scf.for %scan3A_212 = %scan3A_195 to %scan3A_197 step %scan3A_198  : i32 {
      %mul3A_213 = arith.constant 16 : i32
      %mul3A_214 = arith.muli %mul3A_213, %scan3A_212 : i32
      %add3A_215 = vector.broadcast %mul3A_214 : i32 to vector<16xi32>
      %add3A_216 = arith.addi %iota3A, %add3A_215 : vector<16xi32>
      %gather3A = tpu.vector_load_idx %arg15[%add3A_216, %add3A_193] : memref<2048x8xf32, #tpu.memory_space<vmem>>[vector<16xi32>, vector<16xi32>], vector<16xf32>,
      %mul3A_217 = arith.constant 16 : i32
      %mul3A_218 = arith.muli %mul3A_217, %scan3A_212 : i32
      %swap3A = arith.index_cast %mul3A_218 : i32 to index
      %swap3A_219 = tpu.vector_load %arg16[%swap3A] {strides = array<i32>} : memref<2048xf32, #tpu.memory_space<vmem>>, vector<16xf32>,
      tpu.vector_store %arg16[%swap3A], %gather3A {strides = array<i32>} : memref<2048xf32, #tpu.memory_space<vmem>>, vector<16xf32>,
    }
    %scan3A_199 = arith.constant 128 : i32
    "tpu.region"() ({
      %run_scoped3A = tpu.sem_alloc : memref<!tpu.dma_semaphore, #tpu.memory_space<semaphore_mem>>
      %dma_start3A_212 = tpu.memref_slice %arg6[%add3A_175] : memref<1048576xf32, #tpu.memory_space<hbm>> -> memref<2048xf32, #tpu.memory_space<hbm>>
      %dma_start3A_213 = tpu.memref_slice %arg6[%add3A_175] : memref<1048576xf32, #tpu.memory_space<hbm>> -> memref<2048xf32, #tpu.memory_space<hbm>>
      tpu.enqueue_dma source(%arg16 : memref<2048xf32, #tpu.memory_space<vmem>>) target(%dma_start3A_213 : memref<2048xf32, #tpu.memory_space<hbm>>) target_semaphore(%run_scoped3A : memref<!tpu.dma_semaphore, #tpu.memory_space<semaphore_mem>>)
      %dma_wait3A_214 = tpu.memref_slice %arg6[%add3A_175] : memref<1048576xf32, #tpu.memory_space<hbm>> -> memref<2048xf32, #tpu.memory_space<hbm>>
      %dma_wait3A_215 = tpu.memref_slice %arg6[%add3A_175] : memref<1048576xf32, #tpu.memory_space<hbm>> -> memref<2048xf32, #tpu.memory_space<hbm>>
      tpu.wait_dma2 semaphore(%run_scoped3A : memref<!tpu.dma_semaphore, #tpu.memory_space<semaphore_mem>>) src(%arg16 : memref<2048xf32, #tpu.memory_space<vmem>>) dst(%dma_wait3A_215 : memref<2048xf32, #tpu.memory_space<hbm>>)
      tpu.yield
    }) : () -> ()
    %mul3A_200 = arith.constant 0 : i32
    %mul3A_201 = vector.broadcast %mul3A_200 : i32 to vector<16xi32>
    %mul3A_202 = arith.muli %iota3A, %mul3A_201 : vector<16xi32>
    %add3A_203 = arith.constant 2 : i32
    %add3A_204 = vector.broadcast %add3A_203 : i32 to vector<16xi32>
    %add3A_205 = arith.addi %mul3A_202, %add3A_204 : vector<16xi32>
    %scan3A_206 = arith.constant 0 : i32
    %scan3A_207 = arith.constant 0 : i32
    %scan3A_208 = arith.constant 128 : i32
    %scan3A_209 = arith.addi %scan3A_207, %scan3A_208 : i32
    %scan3A_210 = arith.constant 1 : i32
    scf.for %scan3A_212 = %scan3A_207 to %scan3A_209 step %scan3A_210  : i32 {
      %mul3A_213 = arith.constant 16 : i32
      %mul3A_214 = arith.muli %mul3A_213, %scan3A_212 : i32
      %add3A_215 = vector.broadcast %mul3A_214 : i32 to vector<16xi32>
      %add3A_216 = arith.addi %iota3A, %add3A_215 : vector<16xi32>
      %gather3A = tpu.vector_load_idx %arg15[%add3A_216, %add3A_205] : memref<2048x8xf32, #tpu.memory_space<vmem>>[vector<16xi32>, vector<16xi32>], vector<16xf32>,
      %mul3A_217 = arith.constant 16 : i32
      %mul3A_218 = arith.muli %mul3A_217, %scan3A_212 : i32
      %swap3A = arith.index_cast %mul3A_218 : i32 to index
      %swap3A_219 = tpu.vector_load %arg16[%swap3A] {strides = array<i32>} : memref<2048xf32, #tpu.memory_space<vmem>>, vector<16xf32>,
      tpu.vector_store %arg16[%swap3A], %gather3A {strides = array<i32>} : memref<2048xf32, #tpu.memory_space<vmem>>, vector<16xf32>,
    }
    %scan3A_211 = arith.constant 128 : i32
    "tpu.region"() ({
      %run_scoped3A = tpu.sem_alloc : memref<!tpu.dma_semaphore, #tpu.memory_space<semaphore_mem>>
      %dma_start3A_212 = tpu.memref_slice %arg7[%add3A_175] : memref<1048576xf32, #tpu.memory_space<hbm>> -> memref<2048xf32, #tpu.memory_space<hbm>>
      %dma_start3A_213 = tpu.memref_slice %arg7[%add3A_175] : memref<1048576xf32, #tpu.memory_space<hbm>> -> memref<2048xf32, #tpu.memory_space<hbm>>
      tpu.enqueue_dma source(%arg16 : memref<2048xf32, #tpu.memory_space<vmem>>) target(%dma_start3A_213 : memref<2048xf32, #tpu.memory_space<hbm>>) target_semaphore(%run_scoped3A : memref<!tpu.dma_semaphore, #tpu.memory_space<semaphore_mem>>)
      %dma_wait3A_214 = tpu.memref_slice %arg7[%add3A_175] : memref<1048576xf32, #tpu.memory_space<hbm>> -> memref<2048xf32, #tpu.memory_space<hbm>>
      %dma_wait3A_215 = tpu.memref_slice %arg7[%add3A_175] : memref<1048576xf32, #tpu.memory_space<hbm>> -> memref<2048xf32, #tpu.memory_space<hbm>>
      tpu.wait_dma2 semaphore(%run_scoped3A : memref<!tpu.dma_semaphore, #tpu.memory_space<semaphore_mem>>) src(%arg16 : memref<2048xf32, #tpu.memory_space<vmem>>) dst(%dma_wait3A_215 : memref<2048xf32, #tpu.memory_space<hbm>>)
      tpu.yield
    }) : () -> ()
    return
  }
}

</mosaic_0001>

<sc_bundles>
// kernel: kernel.4.cloned.1.call-start
scs
__scs_entry_jumppad:
0x0: {  	(pc) =	sbr.rel $0x88, $3  }
0x1: {  	(tag) =	ssettag $0x0;
	lr =	simm.s32 $0x1  }
0x2: {  	[smem:$0x3F9F] =	sst lr;
	_ =	strace $0xD0000000  }
0x3: {  	_ = 	snop  }
0x4: {  	_ = 	snop  }
0x5: {  	_ = 	snop  }
0x6: {  	_ = 	snop  }
0x7: {  	_ = 	snop  }
__scs_overlays_trampoline_lowered:
0x8: {  	[smem:$0x3FAE] =	sst s0  }
0x9: {  	[smem:$0x3FAF] =	sst s1  }
0xa: {  	[smem:$0x3FB0] =	sst s2  }
0xb: {  	[smem:$0x3FB1] =	sst s3  }
0xc: {  	[smem:$0x3FB2] =	sst s4  }
0xd: {  	[smem:$0x3FB3] =	sst s5  }
0xe: {  	[smem:$0x3FB4] =	sst s6  }
0xf: {  	[smem:$0x3FB5] =	sst s7  }
0x10: {  	[smem:$0x3FB6] =	sst s8  }
0x11: {  	[smem:$0x3FB7] =	sst s9;
	s0 =	simm.s32 @!p0 $0x0  }
0x12: {  	s1 =	sld [smem:$0x3F9D];
	s0 =	simm.s32 @p0 $0x1  }
0x13: {  	[smem:$0x3FB8] =	sst s0;
	s0 =	simm.s32 @!p1 $0x0  }
0x14: {  	s2 =	sld [smem:$0x3F9C];
	s0 =	simm.s32 @p1 $0x1  }
0x15: {  	[smem:$0x3FB9] =	sst s0;
	s0 =	simm.s32 @!p2 $0x0  }
0x16: {  	s3 =	sld [smem:$0x3FDB];
	s0 =	simm.s32 @p2 $0x1  }
0x17: {  	s4 =	simm.s32 $0x1BF5;
	[smem:$0x3FBB] =	sst s0  }
0x18: {  	s0 =	sld [smem:$0x3F9E];
	_ =	swait.ge [sflag:s4], $0x0  }
0x19: {  	s7 =	sld [smem:$0x3F9F]  }
0x1a: {  	s8 =	sadd.s32 $0xFFFFE003, lr  }
0x1b: {  	s9 =	sadd.s32 $0xFFFFFEF7, lr;
	s5 =	simm.s32 $0xFFFFFFFF;
	p2 =	slt.u32 s8, $0xFFFFF086  }
0x1c: {  	p1 =	slt.u32 s9, $0xF7A;
	s5 =	simm.s32 @!p2 $0x0  }
0x1d: {  	s5 =	simm.s32 @p1 $0x1;
	p0 =	seq.s32 s7, s2  }
0x1e: {  	s7 =	smul.u32 @!p0 $0xF7A, s2;
	p2 =	seq.s32 @!p0 s5, $0x0  }
0x1f: {  	s9 =	smul.u32 $0xF7A, s1;
	s8 =	simm.s32 @!p0 $0x1BF5;
	p2 =	por !p2, p0  }
0x20: {  	[sflag:s8] =	ssyncset.s32 @!p0 $0xFFFFF086;
	s6 =	sadd.s32 @!p0 s3, s7;
	s7 =	simm.s32 @!p0 $0x108  }
0x21: {  	s3 =	sadd.s32 s3, s9;
	s6 =	sadd.s32 @!p0 $0x88, s6;
	s7 =	simm.s32 @p2 $0x1082  }
0x22: {  	[simem:s7], [sflag:s8] =	dma.local @!p0 [hbm:s6], $0xF7A  }
0x23: {  	s9 =	sor.u32 $0xD0000000, s2;
	s6 =	simm.s32 $0x108;
	_ =	swait.ge @!p0 [sflag:s8], $0x0  }
0x24: {  	s3 =	sadd.s32 $0x88, s3;
	s6 =	simm.s32 @!p1 $0x1082;
	[sflag:s4] =	ssyncset.s32 $0xFFFFF086  }
0x25: {  	[simem:s6], [sflag:s4] =	dma.local [hbm:s3], $0xF7A  }
0x26: {  	[smem:$0x3F9F] =	sst s1;
	(tag) =	ssettag s2;
	_ =	strace s9  }
0x27: {  	s1 =	sld [smem:$0x3FAF]  }
0x28: {  	s2 =	sld [smem:$0x3FB0]  }
0x29: {  	s4 =	sld [smem:$0x3FB2]  }
0x2a: {  	p0 =	seq.s32 s5, $0x0;
	s5 =	sld [smem:$0x3FB3]  }
0x2b: {  	s6 =	sld [smem:$0x3FB4]  }
0x2c: {  	s7 =	sld [smem:$0x3FB5]  }
0x2d: {  	s3 =	simm.s32 $0x108;
	s8 =	sld [smem:$0x3FB6]  }
0x2e: {  	s3 =	simm.s32 @!p0 $0x1082;
	s9 =	sld [smem:$0x3FB7]  }
0x2f: {  	lr =	sadd.s32 s0, s3;
	s0 =	sld [smem:$0x3FAE]  }
0x30: {  	s3 =	sld [smem:$0x3FB1]  }
0x31: {  	[smem:$0x3FBA] =	sst s10  }
0x32: {  	s10 =	sld [smem:$0x3FB8];
	_ =	sdelay $0x3  }
0x33: {  	p0 =	seq.s32 s10, $0x1;
	s10 =	sld [smem:$0x3FBA];
	_ =	sdelay $0x3  }
0x34: {  	[smem:$0x3FBA] =	sst s10  }
0x35: {  	s10 =	sld [smem:$0x3FB9];
	_ =	sdelay $0x3  }
0x36: {  	p1 =	seq.s32 s10, $0x1;
	s10 =	sld [smem:$0x3FBA];
	_ =	sdelay $0x3  }
0x37: {  	[smem:$0x3FBA] =	sst s10  }
0x38: {  	s10 =	sld [smem:$0x3FBB]  }
0x39: {  	_ = 	snop;
	(pc) =	sbr.ind lr, $3  }
0x3a: {  	_ = 	snop  }
0x3b: {  	_ = 	snop  }
0x3c: {  	p2 =	seq.s32 s10, $0x1;
	s10 =	sld [smem:$0x3FBA]  }
0x3d: {  	_ =	shalt  }
0x3e: {  	_ =	shalt  }
0x3f: {  	_ =	shalt  }
0x40: {  	_ =	shalt  }
0x41: {  	_ =	shalt  }
0x42: {  	_ =	shalt  }
0x43: {  	_ =	shalt  }
0x44: {  	_ =	shalt  }
0x45: {  	_ =	shalt  }
0x46: {  	_ =	shalt  }
0x47: {  	_ =	shalt  }
0x48: {  	_ =	shalt  }
0x49: {  	_ =	shalt  }
0x4a: {  	_ =	shalt  }
0x4b: {  	_ =	shalt  }
0x4c: {  	_ =	shalt  }
0x4d: {  	_ =	shalt  }
0x4e: {  	_ =	shalt  }
0x4f: {  	_ =	shalt  }
0x50: {  	_ =	shalt  }
0x51: {  	_ =	shalt  }
0x52: {  	_ =	shalt  }
0x53: {  	_ =	shalt  }
0x54: {  	_ =	shalt  }
0x55: {  	_ =	shalt  }
0x56: {  	_ =	shalt  }
0x57: {  	_ =	shalt  }
0x58: {  	_ =	shalt  }
0x59: {  	_ =	shalt  }
0x5a: {  	_ =	shalt  }
0x5b: {  	_ =	shalt  }
0x5c: {  	_ =	shalt  }
0x5d: {  	_ =	shalt  }
0x5e: {  	_ =	shalt  }
0x5f: {  	_ =	shalt  }
0x60: {  	_ =	shalt  }
0x61: {  	_ =	shalt  }
0x62: {  	_ =	shalt  }
0x63: {  	_ =	shalt  }
0x64: {  	_ =	shalt  }
0x65: {  	_ =	shalt  }
0x66: {  	_ =	shalt  }
0x67: {  	_ =	shalt  }
0x68: {  	_ =	shalt  }
0x69: {  	_ =	shalt  }
0x6a: {  	_ =	shalt  }
0x6b: {  	_ =	shalt  }
0x6c: {  	_ =	shalt  }
0x6d: {  	_ =	shalt  }
0x6e: {  	_ =	shalt  }
0x6f: {  	_ =	shalt  }
0x70: {  	_ =	shalt  }
0x71: {  	_ =	shalt  }
0x72: {  	_ =	shalt  }
0x73: {  	_ =	shalt  }
0x74: {  	_ =	shalt  }
0x75: {  	_ =	shalt  }
0x76: {  	_ =	shalt  }
0x77: {  	_ =	shalt  }
0x78: {  	_ =	shalt  }
0x79: {  	_ =	shalt  }
0x7a: {  	_ =	shalt  }
0x7b: {  	_ =	shalt  }
0x7c: {  	_ =	shalt  }
0x7d: {  	_ =	shalt  }
0x7e: {  	_ =	shalt  }
0x7f: {  	_ =	shalt  }
0x80: {  	_ =	shalt  }
0x81: {  	_ =	shalt  }
0x82: {  	_ =	shalt  }
0x83: {  	_ =	shalt  }
0x84: {  	_ =	shalt  }
0x85: {  	_ =	shalt  }
0x86: {  	_ =	shalt  }
0x87: {  	_ =	shalt  }
.Lfunc_end0:
.L_simem_size_0:
called_computation_lowered:
.L_overlay_start_0:
0x88: {  	s2 =	sld [smem:$0x3FD9]  }
0x89: {  	s3 =	sld [smem:$0x3FFE];
	_ =	sdelay $0x1  }
0x8a: {  	s1 =	srdreg.scid  }
0x8b: {  	s0 =	sand.u32 $0x1, s1  }
0x8c: {  	s17 =	sshll.u32 s0, $0xA;
	s2 =	sadd.s32 s3, s2  }
0x8d: {  	s2 =	sadd.s32 s2, s17  }
0x8e: {  	[smem:$0x3FC6] =	sst s2  }
0x8f: {  	_ = 	snop  }
0x90: {  	s2 =	sld [smem:$0x3FD0];
	(tm) =	ssettm $0x1  }
0x91: {  	s18 =	sld [smem:$0x3FFB];
	_ =	sdelay $0x3  }
0x92: {  	_ =	strace s18  }
0x93: {  	s3 =	sld [smem:$0x3FFC];
	_ =	sdelay $0x3  }
0x94: {  	_ =	strace s3  }
0x95: {  	s3 =	sld [smem:$0x3FFD];
	_ =	sdelay $0x3  }
0x96: {  	_ =	strace s3  }
0x97: {  	_ =	strace $0x8FFFFFFF  }
0x98: {  	s19 =	sld [smem:$0x3FDB];
	_ =	sdelay $0x1  }
0x99: {  	s4 =	simm.s32 $_scs_section_size  }
0x9a: {  	s5 =	simm.s32 $_size__tile_overlayer_lowered;
	s6 =	simm.s32 $_tile_overlayer_lowered  }
0x9b: {  	s22 =	simm.s32 $0x1BFF;
	s21 =	sshll.u32 s6, $0x1;
	s3 =	sadd.s32 s4, s19  }
0x9c: {  	s7 =	simm.s32 $0x0;
	s20 =	sshll.u32 s5, $0x1;
	s5 =	sadd.s32 s21, s3  }
0x9d: {  	[timem:s7], [sflag:s22] =	dma.local [hbm:s5], s20  }
0x9e: {  	_ =	swait.ge [sflag:s22], s20  }
0x9f: {  	s4 =	ssub.s32 $0x0, s20;
	[sflag:s22] =	ssyncset.done $0x0  }
0xa0: {  	[sflag:s22] =	ssyncadd.s32 s4;
	_ =	sdelay $0x1  }
0xa1: {  	s23 =	simm.s32 $0x1B8B  }
0xa2: {  	_ =	swait.ge [sflag:s23], $0x1  }
0xa3: {  	[sflag:s23] =	ssyncset.done $0x0  }
0xa4: {  	s25 =	simm.s32 $0x1B8E;
	s24 =	sld [smem:$0x3FFE];
	[sflag:s23] =	ssyncadd.s32 $0xFFFFFFFF  }
0xa5: {  	s26 =	simm.s32 $execute0_lowered;
	[smem:$0x3FD2] =	sst s25  }
0xa6: {  	s5 =	sshll.u32 s26, $0x1;
	_ =	strace $0x80000046;
	[dreg:$0x1] =	wrdreg $0xFFFFFFFF  }
0xa7: {  	s28 =	simm.s32 $_size_execute0_lowered;
	s3 =	sadd.s32 s3, s5;
	[dreg:$0x0] =	wrdreg $0x0  }
0xa8: {  	s5 =	sshll.u32 s28, $0x1;
	[dreg:$0x2] =	wrdreg s3  }
0xa9: {  	[dreg:$0x3] =	wrdreg s5  }
0xaa: {  	[dreg:$0x4] =	wrdreg $0xC0  }
0xab: {  	_ =	task [dreg:s7], $0x5FFFF  }
0xac: {  	[dreg:$0x1] =	wrdreg $0xFFFFFFFF  }
0xad: {  	[dreg:$0x0] =	wrdreg $0x60  }
0xae: {  	[dreg:$0x2] =	wrdreg s24  }
0xaf: {  	[dreg:$0x3] =	wrdreg s2  }
0xb0: {  	[dreg:$0x4] =	wrdreg $0x9  }
0xb1: {  	_ =	task.clear_ibuf [dreg:s7], $0x5FFFF;
	_ =	strace $0x90000046  }
0xb2: {  	s29 =	simm.s32 $0x9;
	_ =	strace $0x80000048  }
0xb3: {  	_ =	swait.ge [sflag:s29], $0x1  }
0xb4: {  	[sflag:s29] =	ssyncadd.s32 $0xFFFFFFFF  }
0xb5: {  	_ =	strace $0x90000048  }
0xb6: {  	_ =	sfence  }
0xb7: {  	s30 =	sld [smem:$0x0];
	_ =	sdelay $0x2  }
0xb8: {  	s31 =	sshll.u32 s1, $0xD;
	s1 =	sshrl.u32 s1, $0x2  }
0xb9: {  	s3 =	sand.u32 $0x4000, s31;
	s1 =	sadd.s32 s1, s30  }
0xba: {  	s0 =	sor.u32 s3, s0;
	s1 =	sshll.u32 s1, $0x11  }
0xbb: {  	s0 =	sor.u32 s1, s0  }
0xbc: {  	s0 =	sadd.s32 $0x8F2B, s0  }
0xbd: {  	[sflag:s0] =	ssyncadd.remote.s32 $0x1  }
0xbe: {  	_ =	sfence.sel $0xFFFF  }
0xbf: {  	[dreg:$0x0] =	wrdreg $0xFFFFFFFF;
	(pc) =	sbr.abs _section_cstart, $3  }
0xc0: {  	[dreg:$0x1] =	wrdreg $0xFFFFFFFF  }
0xc1: {  	_ =	task.clear_ibuf [dreg:s7], $0x2FFFF;
	_ =	strace $0x9FFFFFFF  }
0xc2: {  	(tm) =	ssettm $0x7FFFFFFF  }
0xc3: {  	_ =	shalt  }
tec
execute0_lowered:
.L_overlay_start_1:
0x0: {  	(tag) =	ssettag $0x1  }
0x1: {  	v0 =	vimm.s32 $0x58585850  }
0x2: {  	v1 =	vimm.s32 $0x68606060;
	v0 =	vunpack.c.0.s8.s32 v0  }
0x3: {  	vm0 =	vcmask $0xF00;
	vm1 =	vcmask $0x1F10;
	v1 =	vunpack.c.0.s8.s32 v1  }
0x4: {  	v2 =	vimm.s32 $0x70706868;
	v3 =	vimm.s32 $0x38383830;
	v0 =	vnsel vm0, $0x78, v0  }
0x5: {  	v4 =	vimm.s32 $0x8000000;
	v0 =	vsel vm1, v1, v0;
	v1 =	vimm.s32 $0x30302828  }
0x6: {  	v5 =	vimm.s32 $0x10100808;
	v6 =	vimm.s32 $0x18181810;
	v1 =	vunpack.c.0.s8.s32 v1  }
0x7: {  	v7 =	vimm.s32 $0x49249249;
	v8 =	vimm.s32 $0x92492492;
	v3 =	vunpack.c.0.s8.s32 v3  }
0x8: {  	v2 =	vunpack.c.0.s8.s32 v2;
	v4 =	vunpack.c.0.s8.s32 v4;
	v1 =	vnsel vm0, $0x50, v1  }
0x9: {  	v1 =	vsel vm1, v3, v1;
	v3 =	vunpack.c.0.s8.s32 v5;
	v5 =	vimm.s32 $0x48404040  }
0xa: {  	v8 =	vunpack.c.l.s2.s4 v8;
	v4 =	vnsel vm0, $0x28, v4;
	v5 =	vunpack.c.0.s8.s32 v5  }
0xb: {  	s3 =	rddreg [dreg:$0x0];
	s1 =	srdreg.scid;
	v3 =	vsel vm1, v3, v4;
	v4 =	vunpack.c.0.s8.s32 v6;
	v6 =	vimm.s32 $0x24924924  }
0xc: {  	vm2 =	vcmask $0x2F20;
	s0 =	stileid.u32;
	s4 =	rddreg [dreg:$0x1];
	s2 =	simm.s32 $0x0;
	v7 =	vunpack.c.l.s2.s4 v7;
	v6 =	vunpack.c.l.s2.s4 v6  }
0xd: {  	s5 =	sand.u32 $0x1, s1;
	s6 =	sshll.u32 s0, $0x1;
	s1 =	rddreg [dreg:$0x2];
	v0 =	vsel vm2, v2, v0;
	v1 =	vsel vm2, v5, v1;
	v5 =	vunpack.c.l.s4.s8 v8  }
0xe: {  	[smem:$0x7FF] =	sst s2;
	s6 =	sor.u32 s5, s6;
	s5 =	ssub.s32 $0x2, s5;
	v2 =	vsel vm2, v4, v3;
	v4 =	vunpack.c.l.s4.s8 v7;
	v3 =	vunpack.c.l.s4.s8 v6  }
0xf: {  	vm13 =	vcmask $0x3330;
	vm14 =	vcmask $0x3730;
	vm15 =	vcmask $0x3B30;
	s7 =	smul.u32 $0xC00, s6;
	s8 =	sshrl.u32 s5, $0x1;
	s6 =	sshll.u32 s6, $0xD  }
0x10: {  	_ =	strace $0x80000047;
	s5 =	ssub.s32 s5, s8;
	s4 =	sadd.s32 s4, s6;
	v5 =	vunpack.c.0.s8.s32 v5;
	v4 =	vunpack.c.0.s8.s32 v4;
	v3 =	vunpack.c.0.s8.s32 v3  }
0x11: {  	s6 =	simm.s32 $0x1;
	s8 =	simm.s32 $0x0;
	s3 =	sadd.s32 s7, s3;
	v0 =	vsel vm13, $0x70, v0;
	v1 =	vsel vm14, $0x48, v1;
	v2 =	vsel vm15, $0x20, v2  }
0x12: {  	s5 =	smax.u32 s5, $0x1;
	s7 =	simm.s32 $0x6000;
	s3 =	sadd.s32 $0x401600, s3;
	v5 =	vand.u32 $0x3, v5;
	v4 =	vand.u32 $0x3, v4;
	v3 =	vand.u32 $0x3, v3  }
.LBB2_1:
0x13: {  	[tilespmem:s2], [sflag:$0x1] =	stream.linear.gather [hbm4b:s3+s2], $0x6000, $0x38;
	[tilespmem:$0x16000] =	vst v63  }
0x14: {  	v6 =	vmov s2;
	_ =	swait.ge [sflag:s6], $0x6000  }
0x15: {  	v6 =	vshll.u32 v6, $0x3;
	[sflag:s6] =	ssyncset.done $0x0  }
0x16: {  	s9 =	simm.s32 $0x20;
	v7 =	vor.u32 v2, v6;
	[sflag:s6] =	ssyncadd.s32 $0xFFFFA000  }
0x17: {  	v7 =	vor.u32 v3, v7;
	v8 =	vld [tilespmem:s9+$0xFFFFFFE0];
	_ =	sdelay $0x4  }
0x18: {  	[tilespmem:v7+s7+$0x0] =	vst.idx.msk $0xffff, v8;
	v7 =	vor.u32 v1, v6  }
0x19: {  	v8 =	vld [tilespmem:s9+$0xFFFFFFF0];
	v7 =	vor.u32 v4, v7;
	_ =	sdelay $0x4  }
0x1a: {  	[tilespmem:v7+s7+$0x0] =	vst.idx.msk $0xffff, v8;
	v7 =	vor.u32 v0, v6  }
0x1b: {  	v6 =	vld [tilespmem:s9+$0x0];
	v7 =	vor.u32 v5, v7;
	_ =	sdelay $0x1  }
0x1c: {  	s10 =	simm.s32 $0x10  }
0x1d: {  	v8 =	vmov s10;
	s10 =	simm.s32 $0x20  }
.LBB2_2:
0x1e: {  	p0 =	sne.s32 s10, $0x1FF0;
	v8 =	vshll.u32 v8, $0x3  }
0x1f: {  	s9 =	sadd.s32 $0x30, s9;
	v9 =	vor.u32 v2, v8;
	[tilespmem:v7+s7+$0x0] =	vst.idx.msk $0xffff, v6  }
0x20: {  	v6 =	vld [tilespmem:s9+$0xFFFFFFE0];
	v7 =	vor.u32 v3, v9;
	_ =	sdelay $0x4  }
0x21: {  	[tilespmem:v7+s7+$0x0] =	vst.idx.msk $0xffff, v6;
	v6 =	vor.u32 v1, v8  }
0x22: {  	v7 =	vld [tilespmem:s9+$0xFFFFFFF0];
	v6 =	vor.u32 v4, v6;
	_ =	sdelay $0x4  }
.Ltmp0:
0x23: {  	[tilespmem:v6+s7+$0x0] =	vst.idx.msk $0xffff, v7;
	v7 =	vor.u32 v0, v8;
	(pc) =	sbr.rel @p0 .LBB2_2-.Ltmp0, $2  }
0x24: {  	v6 =	vld [tilespmem:s9+$0x0];
	v7 =	vor.u32 v5, v7;
	_ =	sdelay $0x2  }
0x25: {  	v8 =	vmov s10;
	s10 =	sadd.s32 $0x10, s10  }
0x26: {  	_ =	sdelay $0x2  }
0x27: {  	v8 =	vshll.u32 v8, $0x3  }
0x28: {  	s9 =	sadd.s32 $0x30, s9;
	v9 =	vor.u32 v2, v8;
	[tilespmem:v7+s7+$0x0] =	vst.idx.msk $0xffff, v6  }
0x29: {  	v6 =	vld [tilespmem:s9+$0xFFFFFFE0];
	v7 =	vor.u32 v3, v9;
	_ =	sdelay $0x4  }
0x2a: {  	[tilespmem:v7+s7+$0x0] =	vst.idx.msk $0xffff, v6;
	v6 =	vor.u32 v1, v8  }
0x2b: {  	v7 =	vld [tilespmem:s9+$0xFFFFFFF0];
	v6 =	vor.u32 v4, v6;
	_ =	sdelay $0x4  }
0x2c: {  	[tilespmem:v6+s7+$0x0] =	vst.idx.msk $0xffff, v7;
	v6 =	vor.u32 v0, v8  }
0x2d: {  	v7 =	vld [tilespmem:s9+$0x0];
	v6 =	vor.u32 v5, v6;
	_ =	sdelay $0x2  }
0x2e: {  	s8 =	sadd.s32 $0x1, s8  }
0x2f: {  	p0 =	sne.s32 s8, s5  }
.Ltmp1:
0x30: {  	[tilespmem:v6+s7+$0x0] =	vst.idx.msk $0xffff, v7;
	(pc) =	sbr.rel @p0 .LBB2_1-.Ltmp1, $4  }
0x31: {  	[hbm4b:s4+s2] =	stream.linear.scatter [tilespmem:s7], [sflag:$0x1], $0x10000, $0x38;
	[tilespmem:$0x16000] =	vst v63  }
0x32: {  	_ =	swait.ge [sflag:s6], $0x10000  }
0x33: {  	[sflag:s6] =	ssyncset.done $0x0  }
0x34: {  	[sflag:s6] =	ssyncadd.s32 $0xFFFF0000  }
0x35: {  	_ =	sfence.sel $0x180000  }
0x36: {  	[bflag:$0x0] =	sbarrier.arrive $0xFFFF  }
0x37: {  	p0 =	sne.s32 s0, $0x0;
	_ =	strace $0x90000047  }
0x38: {  	s0 =	sadd.s32 @!p0 $0x100000, s1;
	[bflag:$0x2] =	sbarrier.arrive $0xFFFF  }
0x39: {  	[sflag:s0] =	ssyncadd.tile.s32 @!p0 $0x1;
	_ =	shalt  }
.Lfunc_end2:
_tile_overlayer_lowered:
.L_overlay_start_2:
0x3a: {  	(tag) =	ssettag $0x2  }
0x3b: {  	s0 =	rddreg [dreg:$0x0];
	s2 =	stileid.u32  }
0x3c: {  	s1 =	rddreg [dreg:$0x1];
	p0 =	sne.s32 s2, $0x0  }
0x3d: {  	s3 =	rddreg [dreg:$0x2];
	[bflag:$0x3] =	sbarrier.arrive $0xFFFF;
	s2 =	simm.s32 @!p0 $0x1C01  }
0x3e: {  	[timem:s3], [sflag:s2] =	dma.local @!p0 [hbm:s0], s1  }
0x3f: {  	s0 =	simm.s32 @!p0 $0x1  }
0x40: {  	_ =	swait.ge @!p0 [sflag:s0], s1  }
0x41: {  	s1 =	ssub.s32 @!p0 $0x0, s1;
	[sflag:s0] =	ssyncset.done @!p0 $0x0  }
0x42: {  	[sflag:s0] =	ssyncadd.s32 @!p0 s1  }
0x43: {  	[bflag:$0x3] =	sbarrier.arrive $0xFFFF  }
0x44: {  	_ =	shalt  }

// kernel: kernel.7.cloned.1.call-start
scs
__scs_entry_jumppad:
0x0: {  	(pc) =	sbr.rel $0x88, $3  }
0x1: {  	(tag) =	ssettag $0x0;
	lr =	simm.s32 $0x1  }
0x2: {  	[smem:$0x3F9F] =	sst lr;
	_ =	strace $0xD0000000  }
0x3: {  	_ = 	snop  }
0x4: {  	_ = 	snop  }
0x5: {  	_ = 	snop  }
0x6: {  	_ = 	snop  }
0x7: {  	_ = 	snop  }
__scs_overlays_trampoline_lowered:
0x8: {  	[smem:$0x3FAE] =	sst s0  }
0x9: {  	[smem:$0x3FAF] =	sst s1  }
0xa: {  	[smem:$0x3FB0] =	sst s2  }
0xb: {  	[smem:$0x3FB1] =	sst s3  }
0xc: {  	[smem:$0x3FB2] =	sst s4  }
0xd: {  	[smem:$0x3FB3] =	sst s5  }
0xe: {  	[smem:$0x3FB4] =	sst s6  }
0xf: {  	[smem:$0x3FB5] =	sst s7  }
0x10: {  	[smem:$0x3FB6] =	sst s8  }
0x11: {  	[smem:$0x3FB7] =	sst s9;
	s0 =	simm.s32 @!p0 $0x0  }
0x12: {  	s1 =	sld [smem:$0x3F9D];
	s0 =	simm.s32 @p0 $0x1  }
0x13: {  	[smem:$0x3FB8] =	sst s0;
	s0 =	simm.s32 @!p1 $0x0  }
0x14: {  	s2 =	sld [smem:$0x3F9C];
	s0 =	simm.s32 @p1 $0x1  }
0x15: {  	[smem:$0x3FB9] =	sst s0;
	s0 =	simm.s32 @!p2 $0x0  }
0x16: {  	s3 =	sld [smem:$0x3FDB];
	s0 =	simm.s32 @p2 $0x1  }
0x17: {  	s4 =	simm.s32 $0x1BF5;
	[smem:$0x3FBB] =	sst s0  }
0x18: {  	s0 =	sld [smem:$0x3F9E];
	_ =	swait.ge [sflag:s4], $0x0  }
0x19: {  	s7 =	sld [smem:$0x3F9F]  }
0x1a: {  	s8 =	sadd.s32 $0xFFFFE003, lr  }
0x1b: {  	s9 =	sadd.s32 $0xFFFFFEF7, lr;
	s5 =	simm.s32 $0xFFFFFFFF;
	p2 =	slt.u32 s8, $0xFFFFF086  }
0x1c: {  	p1 =	slt.u32 s9, $0xF7A;
	s5 =	simm.s32 @!p2 $0x0  }
0x1d: {  	s5 =	simm.s32 @p1 $0x1;
	p0 =	seq.s32 s7, s2  }
0x1e: {  	s7 =	smul.u32 @!p0 $0xF7A, s2;
	p2 =	seq.s32 @!p0 s5, $0x0  }
0x1f: {  	s9 =	smul.u32 $0xF7A, s1;
	s8 =	simm.s32 @!p0 $0x1BF5;
	p2 =	por !p2, p0  }
0x20: {  	[sflag:s8] =	ssyncset.s32 @!p0 $0xFFFFF086;
	s6 =	sadd.s32 @!p0 s3, s7;
	s7 =	simm.s32 @!p0 $0x108  }
0x21: {  	s3 =	sadd.s32 s3, s9;
	s6 =	sadd.s32 @!p0 $0x88, s6;
	s7 =	simm.s32 @p2 $0x1082  }
0x22: {  	[simem:s7], [sflag:s8] =	dma.local @!p0 [hbm:s6], $0xF7A  }
0x23: {  	s9 =	sor.u32 $0xD0000000, s2;
	s6 =	simm.s32 $0x108;
	_ =	swait.ge @!p0 [sflag:s8], $0x0  }
0x24: {  	s3 =	sadd.s32 $0x88, s3;
	s6 =	simm.s32 @!p1 $0x1082;
	[sflag:s4] =	ssyncset.s32 $0xFFFFF086  }
0x25: {  	[simem:s6], [sflag:s4] =	dma.local [hbm:s3], $0xF7A  }
0x26: {  	[smem:$0x3F9F] =	sst s1;
	(tag) =	ssettag s2;
	_ =	strace s9  }
0x27: {  	s1 =	sld [smem:$0x3FAF]  }
0x28: {  	s2 =	sld [smem:$0x3FB0]  }
0x29: {  	s4 =	sld [smem:$0x3FB2]  }
0x2a: {  	p0 =	seq.s32 s5, $0x0;
	s5 =	sld [smem:$0x3FB3]  }
0x2b: {  	s6 =	sld [smem:$0x3FB4]  }
0x2c: {  	s7 =	sld [smem:$0x3FB5]  }
0x2d: {  	s3 =	simm.s32 $0x108;
	s8 =	sld [smem:$0x3FB6]  }
0x2e: {  	s3 =	simm.s32 @!p0 $0x1082;
	s9 =	sld [smem:$0x3FB7]  }
0x2f: {  	lr =	sadd.s32 s0, s3;
	s0 =	sld [smem:$0x3FAE]  }
0x30: {  	s3 =	sld [smem:$0x3FB1]  }
0x31: {  	[smem:$0x3FBA] =	sst s10  }
0x32: {  	s10 =	sld [smem:$0x3FB8];
	_ =	sdelay $0x3  }
0x33: {  	p0 =	seq.s32 s10, $0x1;
	s10 =	sld [smem:$0x3FBA];
	_ =	sdelay $0x3  }
0x34: {  	[smem:$0x3FBA] =	sst s10  }
0x35: {  	s10 =	sld [smem:$0x3FB9];
	_ =	sdelay $0x3  }
0x36: {  	p1 =	seq.s32 s10, $0x1;
	s10 =	sld [smem:$0x3FBA];
	_ =	sdelay $0x3  }
0x37: {  	[smem:$0x3FBA] =	sst s10  }
0x38: {  	s10 =	sld [smem:$0x3FBB]  }
0x39: {  	_ = 	snop;
	(pc) =	sbr.ind lr, $3  }
0x3a: {  	_ = 	snop  }
0x3b: {  	_ = 	snop  }
0x3c: {  	p2 =	seq.s32 s10, $0x1;
	s10 =	sld [smem:$0x3FBA]  }
0x3d: {  	_ =	shalt  }
0x3e: {  	_ =	shalt  }
0x3f: {  	_ =	shalt  }
0x40: {  	_ =	shalt  }
0x41: {  	_ =	shalt  }
0x42: {  	_ =	shalt  }
0x43: {  	_ =	shalt  }
0x44: {  	_ =	shalt  }
0x45: {  	_ =	shalt  }
0x46: {  	_ =	shalt  }
0x47: {  	_ =	shalt  }
0x48: {  	_ =	shalt  }
0x49: {  	_ =	shalt  }
0x4a: {  	_ =	shalt  }
0x4b: {  	_ =	shalt  }
0x4c: {  	_ =	shalt  }
0x4d: {  	_ =	shalt  }
0x4e: {  	_ =	shalt  }
0x4f: {  	_ =	shalt  }
0x50: {  	_ =	shalt  }
0x51: {  	_ =	shalt  }
0x52: {  	_ =	shalt  }
0x53: {  	_ =	shalt  }
0x54: {  	_ =	shalt  }
0x55: {  	_ =	shalt  }
0x56: {  	_ =	shalt  }
0x57: {  	_ =	shalt  }
0x58: {  	_ =	shalt  }
0x59: {  	_ =	shalt  }
0x5a: {  	_ =	shalt  }
0x5b: {  	_ =	shalt  }
0x5c: {  	_ =	shalt  }
0x5d: {  	_ =	shalt  }
0x5e: {  	_ =	shalt  }
0x5f: {  	_ =	shalt  }
0x60: {  	_ =	shalt  }
0x61: {  	_ =	shalt  }
0x62: {  	_ =	shalt  }
0x63: {  	_ =	shalt  }
0x64: {  	_ =	shalt  }
0x65: {  	_ =	shalt  }
0x66: {  	_ =	shalt  }
0x67: {  	_ =	shalt  }
0x68: {  	_ =	shalt  }
0x69: {  	_ =	shalt  }
0x6a: {  	_ =	shalt  }
0x6b: {  	_ =	shalt  }
0x6c: {  	_ =	shalt  }
0x6d: {  	_ =	shalt  }
0x6e: {  	_ =	shalt  }
0x6f: {  	_ =	shalt  }
0x70: {  	_ =	shalt  }
0x71: {  	_ =	shalt  }
0x72: {  	_ =	shalt  }
0x73: {  	_ =	shalt  }
0x74: {  	_ =	shalt  }
0x75: {  	_ =	shalt  }
0x76: {  	_ =	shalt  }
0x77: {  	_ =	shalt  }
0x78: {  	_ =	shalt  }
0x79: {  	_ =	shalt  }
0x7a: {  	_ =	shalt  }
0x7b: {  	_ =	shalt  }
0x7c: {  	_ =	shalt  }
0x7d: {  	_ =	shalt  }
0x7e: {  	_ =	shalt  }
0x7f: {  	_ =	shalt  }
0x80: {  	_ =	shalt  }
0x81: {  	_ =	shalt  }
0x82: {  	_ =	shalt  }
0x83: {  	_ =	shalt  }
0x84: {  	_ =	shalt  }
0x85: {  	_ =	shalt  }
0x86: {  	_ =	shalt  }
0x87: {  	_ =	shalt  }
.Lfunc_end0:
.L_simem_size_0:
called_computation.1_lowered:
.L_overlay_start_0:
0x88: {  	s2 =	sld [smem:$0x3FD9]  }
0x89: {  	s3 =	sld [smem:$0x3FFE];
	_ =	sdelay $0x1  }
0x8a: {  	s1 =	srdreg.scid  }
0x8b: {  	s0 =	sand.u32 $0x1, s1  }
0x8c: {  	s17 =	sshll.u32 s0, $0xA;
	s2 =	sadd.s32 s3, s2  }
0x8d: {  	s2 =	sadd.s32 s2, s17  }
0x8e: {  	[smem:$0x3FC6] =	sst s2  }
0x8f: {  	_ = 	snop  }
0x90: {  	s2 =	sld [smem:$0x3FD0];
	(tm) =	ssettm $0x1  }
0x91: {  	s18 =	sld [smem:$0x3FFB];
	_ =	sdelay $0x3  }
0x92: {  	_ =	strace s18  }
0x93: {  	s3 =	sld [smem:$0x3FFC];
	_ =	sdelay $0x3  }
0x94: {  	_ =	strace s3  }
0x95: {  	s3 =	sld [smem:$0x3FFD];
	_ =	sdelay $0x3  }
0x96: {  	_ =	strace s3  }
0x97: {  	_ =	strace $0x8FFFFFFF  }
0x98: {  	s19 =	sld [smem:$0x3FDB];
	_ =	sdelay $0x1  }
0x99: {  	s4 =	simm.s32 $_scs_section_size  }
0x9a: {  	s5 =	simm.s32 $_size__tile_overlayer_lowered;
	s6 =	simm.s32 $_tile_overlayer_lowered  }
0x9b: {  	s22 =	simm.s32 $0x1BFF;
	s21 =	sshll.u32 s6, $0x1;
	s3 =	sadd.s32 s4, s19  }
0x9c: {  	s7 =	simm.s32 $0x0;
	s20 =	sshll.u32 s5, $0x1;
	s5 =	sadd.s32 s21, s3  }
0x9d: {  	[timem:s7], [sflag:s22] =	dma.local [hbm:s5], s20  }
0x9e: {  	_ =	swait.ge [sflag:s22], s20  }
0x9f: {  	s4 =	ssub.s32 $0x0, s20;
	[sflag:s22] =	ssyncset.done $0x0  }
0xa0: {  	[sflag:s22] =	ssyncadd.s32 s4;
	_ =	sdelay $0x1  }
0xa1: {  	s23 =	simm.s32 $0x1B8B  }
0xa2: {  	_ =	swait.ge [sflag:s23], $0x1  }
0xa3: {  	[sflag:s23] =	ssyncset.done $0x0  }
0xa4: {  	s25 =	simm.s32 $0x1B8E;
	s24 =	sld [smem:$0x3FFE];
	[sflag:s23] =	ssyncadd.s32 $0xFFFFFFFF  }
0xa5: {  	s26 =	simm.s32 $execute0_lowered;
	[smem:$0x3FD2] =	sst s25  }
0xa6: {  	s5 =	sshll.u32 s26, $0x1;
	_ =	strace $0x80000049;
	[dreg:$0x1] =	wrdreg $0xFFFFFFFF  }
0xa7: {  	s28 =	simm.s32 $_size_execute0_lowered;
	s3 =	sadd.s32 s3, s5;
	[dreg:$0x0] =	wrdreg $0x0  }
0xa8: {  	s5 =	sshll.u32 s28, $0x1;
	[dreg:$0x2] =	wrdreg s3  }
0xa9: {  	[dreg:$0x3] =	wrdreg s5  }
0xaa: {  	[dreg:$0x4] =	wrdreg $0xC0  }
0xab: {  	_ =	task [dreg:s7], $0x5FFFF  }
0xac: {  	[dreg:$0x1] =	wrdreg $0xFFFFFFFF  }
0xad: {  	[dreg:$0x0] =	wrdreg $0x60  }
0xae: {  	[dreg:$0x2] =	wrdreg s24  }
0xaf: {  	[dreg:$0x3] =	wrdreg s2  }
0xb0: {  	[dreg:$0x4] =	wrdreg $0x9  }
0xb1: {  	_ =	task.clear_ibuf [dreg:s7], $0x5FFFF;
	_ =	strace $0x90000049  }
0xb2: {  	s29 =	simm.s32 $0x9;
	_ =	strace $0x8000004B  }
0xb3: {  	_ =	swait.ge [sflag:s29], $0x1  }
0xb4: {  	[sflag:s29] =	ssyncadd.s32 $0xFFFFFFFF  }
0xb5: {  	_ =	strace $0x9000004B  }
0xb6: {  	_ =	sfence  }
0xb7: {  	s30 =	sld [smem:$0x0];
	_ =	sdelay $0x2  }
0xb8: {  	s31 =	sshll.u32 s1, $0xD;
	s1 =	sshrl.u32 s1, $0x2  }
0xb9: {  	s3 =	sand.u32 $0x4000, s31;
	s1 =	sadd.s32 s1, s30  }
0xba: {  	s0 =	sor.u32 s3, s0;
	s1 =	sshll.u32 s1, $0x11  }
0xbb: {  	s0 =	sor.u32 s1, s0  }
0xbc: {  	s0 =	sadd.s32 $0x8F2B, s0  }
0xbd: {  	[sflag:s0] =	ssyncadd.remote.s32 $0x1  }
0xbe: {  	_ =	sfence.sel $0xFFFF  }
0xbf: {  	[dreg:$0x0] =	wrdreg $0xFFFFFFFF;
	(pc) =	sbr.abs _section_cstart, $3  }
0xc0: {  	[dreg:$0x1] =	wrdreg $0xFFFFFFFF  }
0xc1: {  	_ =	task.clear_ibuf [dreg:s7], $0x2FFFF;
	_ =	strace $0x9FFFFFFF  }
0xc2: {  	(tm) =	ssettm $0x7FFFFFFF  }
0xc3: {  	_ =	shalt  }
tec
execute0_lowered:
.L_overlay_start_1:
0x0: {  	(tag) =	ssettag $0x1  }
0x1: {  	s0 =	rddreg [dreg:$0x0]  }
0x2: {  	s1 =	rddreg [dreg:$0x1]  }
0x3: {  	s2 =	simm.s32 $0x0;
	s3 =	srdreg.scid;
	s7 =	stileid.u32  }
0x4: {  	s19 =	simm.s32 $0x1;
	s20 =	simm.s32 $0x3;
	s17 =	simm.s32 $0x2  }
0x5: {  	s21 =	simm.s32 $0x4;
	s28 =	simm.s32 $0xAC00;
	s29 =	simm.s32 $0x5  }
0x6: {  	s30 =	simm.s32 $0x8;
	s31 =	simm.s32 $0xB000;
	[smem:$0x7FF] =	sst s2  }
0x7: {  	s4 =	sadd.s32 $0x21600, s0;
	s5 =	sadd.s32 $0x1600, s0;
	s3 =	sand.u32 $0x1, s3  }
0x8: {  	s8 =	sshll.u32 s7, $0x10;
	s10 =	ssub.s32 $0x2, s3;
	s3 =	sshll.u32 s3, $0xF  }
0x9: {  	s6 =	sadd.s32 $0x41600, s0;
	s7 =	sadd.s32 $0x61600, s0;
	s8 =	sor.u32 s3, s8  }
0xa: {  	s9 =	sadd.s32 $0x81600, s0;
	s11 =	sshrl.u32 s10, $0x1;
	s3 =	sshrl.u32 s8, $0x3  }
0xb: {  	_ =	strace $0x8000004A;
	s22 =	ssub.s32 s10, s11;
	s23 =	sadd.s32 s4, s3  }
0xc: {  	s12 =	sadd.s32 $0xFFFFF800, s8;
	s24 =	sadd.s32 s5, s3;
	[dreg:$0x3] =	wrdreg s23  }
0xd: {  	s3 =	sor.u32 $0xF00, s3;
	s0 =	smax.u32 s22, $0x1;
	[dreg:$0x4] =	wrdreg s24  }
0xe: {  	s13 =	sor.u32 $0x1000, s8;
	s25 =	sadd.s32 s6, s3;
	[dreg:$0x8] =	wrdreg s0  }
0xf: {  	s11 =	simm.s32 $0x0;
	s26 =	sadd.s32 s7, s3;
	[dreg:$0x5] =	wrdreg s25  }
0x10: {  	s3 =	sadd.s32 s9, s3;
	s23 =	simm.s32 $0x80;
	[dreg:$0x6] =	wrdreg s26  }
0x11: {  	v0 =	vlaneseq.u32;
	s24 =	simm.s32 $0x7000;
	s0 =	simm.s32 $0x7;
	[dreg:$0x7] =	wrdreg s3  }
0x12: {  	v0 =	vmul.u32 $0x8, v0;
	s25 =	simm.s32 $0x3000;
	s26 =	simm.s32 $0x2F80;
	s3 =	simm.s32 $0x6  }
.LBB2_1:
0x13: {  	s10 =	rddreg [dreg:$0x3]  }
0x14: {  	[tilespmem:s2], [sflag:$0x1] =	stream.linear.gather [hbm4b:s10+s2], $0x800, $0x38;
	[tilespmem:$0xB800] =	vst v63  }
0x15: {  	s18 =	rddreg [dreg:$0x4];
	s22 =	simm.s32 $0x1000  }
0x16: {  	[tilespmem:s22], [sflag:$0x3] =	stream.linear.gather [hbm4b:s18+s2], $0x800, $0x38;
	[tilespmem:$0xB800] =	vst v63  }
0x17: {  	[dreg:$0x9] =	wrdreg s11;
	s18 =	simm.s32 $0x0  }
.LBB2_2:
0x18: {  	_ =	swait.ge [sflag:s19], $0x800  }
0x19: {  	s11 =	sshll.u32 s18, $0xC;
	[sflag:s19] =	ssyncset.done $0x0  }
0x1a: {  	s10 =	sor.u32 s11, s8;
	[sflag:s19] =	ssyncadd.s32 $0xFFFFF800  }
0x1b: {  	s10 =	sshrl.u32 s10, $0x3;
	_ =	swait.ge [sflag:s20], $0x800  }
0x1c: {  	s16 =	simm.s32 $0x0;
	s14 =	sor.u32 $0x100, s10;
	[sflag:s20] =	ssyncset.done $0x0  }
0x1d: {  	s22 =	simm.s32 $0x800;
	s15 =	sadd.s32 s4, s14;
	[sflag:s20] =	ssyncadd.s32 $0xFFFFF800  }
0x1e: {  	[tilespmem:s22], [sflag:$0x2] =	stream.linear.gather [hbm4b:s15+s16], $0x800, $0x38;
	[tilespmem:$0xB800] =	vst v63  }
0x1f: {  	s14 =	sadd.s32 s5, s14;
	s22 =	simm.s32 $0x1800  }
0x20: {  	[tilespmem:s22], [sflag:$0x4] =	stream.linear.gather [hbm4b:s14+s16], $0x800, $0x38;
	[tilespmem:$0xB800] =	vst v63  }
0x21: {  	s14 =	simm.s32 $0x0  }
0x22: {  	v1 =	vld [tilespmem:s14+$0x70]  }
0x23: {  	v2 =	vld [tilespmem:s14+$0x1070]  }
0x24: {  	v3 =	vld [tilespmem:s14+$0x0]  }
0x25: {  	v4 =	vld [tilespmem:s14+$0x10]  }
0x26: {  	v5 =	vld [tilespmem:s14+$0x20]  }
0x27: {  	v7 =	vld [tilespmem:s14+$0x30]  }
0x28: {  	v10 =	vld [tilespmem:s14+$0x40]  }
0x29: {  	v9 =	vld [tilespmem:s14+$0x1000]  }
0x2a: {  	v11 =	vld [tilespmem:s14+$0x1010];
	v1 =	vshll.u32 v1, $0x9  }
0x2b: {  	v1 =	vadd.s32 v2, v1;
	v2 =	vld [tilespmem:s14+$0x50]  }
0x2c: {  	[tilespmem:s14+$0x2070] =	vst v1;
	v1 =	vld [tilespmem:s14+$0x60]  }
0x2d: {  	v8 =	vld [tilespmem:s14+$0x1020]  }
0x2e: {  	v6 =	vld [tilespmem:s14+$0x1030]  }
0x2f: {  	v12 =	vshll.u32 v3, $0x9;
	v3 =	vld [tilespmem:s14+$0x1040];
	v13 =	vshll.u32 v4, $0x9;
	v7 =	vshll.u32 v7, $0x9  }
0x30: {  	v4 =	vld [tilespmem:s14+$0x1050];
	v12 =	vadd.s32 v9, v12;
	v9 =	vshll.u32 v5, $0x9;
	v5 =	vshll.u32 v10, $0x9  }
0x31: {  	s15 =	simm.s32 $0x80;
	s16 =	simm.s32 $0x400;
	v11 =	vadd.s32 v11, v13;
	v10 =	vld [tilespmem:s14+$0x1060];
	[tilespmem:s14+$0x2000] =	vst v12;
	v2 =	vshll.u32 v2, $0x9;
	v1 =	vshll.u32 v1, $0x9  }
.LBB2_3:
0x32: {  	p0 =	sne.s32 s16, $0x1E00;
	v12 =	vld [tilespmem:s15+$0x70];
	[tilespmem:s14+$0x2010] =	vst v11;
	v8 =	vadd.s32 v8, v9  }
0x33: {  	v9 =	vld [tilespmem:s15+$0x1070];
	[tilespmem:s14+$0x2020] =	vst v8;
	v6 =	vadd.s32 v6, v7  }
0x34: {  	v7 =	vld [tilespmem:s15+$0x0];
	[tilespmem:s14+$0x2030] =	vst v6;
	v3 =	vadd.s32 v3, v5  }
0x35: {  	v5 =	vld [tilespmem:s15+$0x10];
	[tilespmem:s14+$0x2040] =	vst v3;
	v2 =	vadd.s32 v4, v2  }
0x36: {  	v3 =	vld [tilespmem:s15+$0x20];
	[tilespmem:s14+$0x2050] =	vst v2;
	v1 =	vadd.s32 v10, v1  }
0x37: {  	v2 =	vld [tilespmem:s15+$0x30];
	v4 =	vshll.u32 v12, $0x9;
	[tilespmem:s14+$0x2060] =	vst v1;
	s14 =	smov.u32 s15  }
0x38: {  	v1 =	vld [tilespmem:s14+$0x40];
	v4 =	vadd.s32 v9, v4  }
0x39: {  	v10 =	vshll.u32 v7, $0x9;
	v11 =	vld [tilespmem:s14+$0x50];
	[tilespmem:s14+$0x2070] =	vst v4  }
0x3a: {  	v12 =	vshll.u32 v5, $0x9;
	v4 =	vld [tilespmem:s14+$0x60]  }
0x3b: {  	v13 =	vld [tilespmem:s14+$0x1000];
	v9 =	vshll.u32 v3, $0x9  }
0x3c: {  	v14 =	vld [tilespmem:s14+$0x1010];
	v7 =	vshll.u32 v2, $0x9  }
.Ltmp0:
0x3d: {  	v8 =	vld [tilespmem:s14+$0x1020];
	v5 =	vshll.u32 v1, $0x9;
	(pc) =	sbr.rel @p0 .LBB2_3-.Ltmp0, $4  }
0x3e: {  	v6 =	vld [tilespmem:s14+$0x1030];
	v2 =	vshll.u32 v11, $0x9  }
0x3f: {  	v3 =	vld [tilespmem:s14+$0x1040];
	v1 =	vshll.u32 v4, $0x9  }
0x40: {  	v10 =	vadd.s32 v13, v10;
	v4 =	vld [tilespmem:s14+$0x1050]  }
0x41: {  	s15 =	sshra.s32 s16, $0x2;
	s16 =	sadd.s32 $0x200, s16;
	[tilespmem:s14+$0x2000] =	vst v10;
	v11 =	vadd.s32 v14, v12;
	v10 =	vld [tilespmem:s14+$0x1060]  }
0x42: {  	v12 =	vld [tilespmem:s15+$0x70];
	[tilespmem:s14+$0x2010] =	vst v11;
	v8 =	vadd.s32 v8, v9  }
0x43: {  	v55 =	vld [tilespmem:s15+$0x1070];
	[tilespmem:s14+$0x2020] =	vst v8;
	v6 =	vadd.s32 v6, v7  }
0x44: {  	v56 =	vld [tilespmem:s15+$0x0];
	[tilespmem:s14+$0x2030] =	vst v6;
	v3 =	vadd.s32 v3, v5  }
0x45: {  	v57 =	vld [tilespmem:s15+$0x10];
	[tilespmem:s14+$0x2040] =	vst v3;
	v2 =	vadd.s32 v4, v2  }
0x46: {  	v3 =	vld [tilespmem:s15+$0x20];
	[tilespmem:s14+$0x2050] =	vst v2;
	v1 =	vadd.s32 v10, v1  }
0x47: {  	v2 =	vld [tilespmem:s15+$0x30];
	[tilespmem:s14+$0x2060] =	vst v1  }
0x48: {  	v58 =	vld [tilespmem:s15+$0x40]  }
0x49: {  	v6 =	vld [tilespmem:s15+$0x50]  }
0x4a: {  	v8 =	vld [tilespmem:s15+$0x1000]  }
0x4b: {  	v59 =	vld [tilespmem:s15+$0x1010]  }
0x4c: {  	v60 =	vld [tilespmem:s15+$0x1020]  }
0x4d: {  	v11 =	vld [tilespmem:s15+$0x1030]  }
0x4e: {  	v1 =	vshll.u32 v12, $0x9;
	v61 =	vld [tilespmem:s15+$0x1040]  }
0x4f: {  	v1 =	vadd.s32 v55, v1;
	v62 =	vld [tilespmem:s15+$0x1050];
	v7 =	vshll.u32 v56, $0x9  }
0x50: {  	[tilespmem:s15+$0x2070] =	vst v1;
	v1 =	vld [tilespmem:s15+$0x60];
	v5 =	vshll.u32 v57, $0x9;
	v7 =	vadd.s32 v8, v7  }
0x51: {  	v63 =	vld [tilespmem:s15+$0x1060];
	v3 =	vshll.u32 v3, $0x9;
	v5 =	vadd.s32 v59, v5;
	[tilespmem:s15+$0x2000] =	vst v7  }
0x52: {  	v2 =	vshll.u32 v2, $0x9;
	v3 =	vadd.s32 v60, v3;
	[tilespmem:s15+$0x2010] =	vst v5  }
0x53: {  	v4 =	vshll.u32 v58, $0x9;
	v2 =	vadd.s32 v11, v2;
	[tilespmem:s15+$0x2020] =	vst v3  }
0x54: {  	v3 =	vshll.u32 v6, $0x9;
	[tilespmem:s15+$0x2030] =	vst v2;
	v2 =	vadd.s32 v61, v4  }
0x55: {  	v1 =	vshll.u32 v1, $0x9;
	[tilespmem:s15+$0x2040] =	vst v2;
	v2 =	vadd.s32 v62, v3  }
0x56: {  	v1 =	vadd.s32 v63, v1;
	[tilespmem:s15+$0x2050] =	vst v2  }
0x57: {  	[tilespmem:s15+$0x2060] =	vst v1;
	s15 =	simm.s32 $0x2000  }
0x58: {  	[tilespmem:s25], [sflag:$0x5] =	stream.indirect.gather [hbm4b:s1+s23], $0x8, s15, s23, $0xb8;
	[tilespmem:$0xB800] =	vst v63  }
0x59: {  	s16 =	simm.s32 $0x2080;
	s22 =	simm.s32 $0x3400  }
0x5a: {  	[tilespmem:s22], [sflag:$0x5] =	stream.indirect.gather [hbm4b:s1+s23], $0x8, s16, s23, $0xb8;
	[tilespmem:$0xB800] =	vst v63  }
0x5b: {  	s16 =	simm.s32 $0x2100;
	s22 =	simm.s32 $0x3800  }
0x5c: {  	[tilespmem:s22], [sflag:$0x5] =	stream.indirect.gather [hbm4b:s1+s23], $0x8, s16, s23, $0xb8;
	[tilespmem:$0xB800] =	vst v63  }
0x5d: {  	s16 =	simm.s32 $0x2180;
	s22 =	simm.s32 $0x3C00  }
0x5e: {  	[tilespmem:s22], [sflag:$0x5] =	stream.indirect.gather [hbm4b:s1+s23], $0x8, s16, s23, $0xb8;
	[tilespmem:$0xB800] =	vst v63  }
0x5f: {  	s16 =	simm.s32 $0x2200;
	s22 =	simm.s32 $0x4000  }
0x60: {  	[tilespmem:s22], [sflag:$0x5] =	stream.indirect.gather [hbm4b:s1+s23], $0x8, s16, s23, $0xb8;
	[tilespmem:$0xB800] =	vst v63  }
0x61: {  	s16 =	simm.s32 $0x2280;
	s22 =	simm.s32 $0x4400  }
0x62: {  	[tilespmem:s22], [sflag:$0x5] =	stream.indirect.gather [hbm4b:s1+s23], $0x8, s16, s23, $0xb8;
	[tilespmem:$0xB800] =	vst v63  }
0x63: {  	s16 =	simm.s32 $0x2300;
	s22 =	simm.s32 $0x4800  }
0x64: {  	[tilespmem:s22], [sflag:$0x5] =	stream.indirect.gather [hbm4b:s1+s23], $0x8, s16, s23, $0xb8;
	[tilespmem:$0xB800] =	vst v63  }
0x65: {  	s16 =	simm.s32 $0x2380;
	s22 =	simm.s32 $0x4C00  }
0x66: {  	[tilespmem:s22], [sflag:$0x5] =	stream.indirect.gather [hbm4b:s1+s23], $0x8, s16, s23, $0xb8;
	[tilespmem:$0xB800] =	vst v63  }
0x67: {  	s16 =	simm.s32 $0x2400;
	s22 =	simm.s32 $0x5000  }
0x68: {  	[tilespmem:s22], [sflag:$0x5] =	stream.indirect.gather [hbm4b:s1+s23], $0x8, s16, s23, $0xb8;
	[tilespmem:$0xB800] =	vst v63  }
0x69: {  	s16 =	simm.s32 $0x2480;
	s22 =	simm.s32 $0x5400  }
0x6a: {  	[tilespmem:s22], [sflag:$0x5] =	stream.indirect.gather [hbm4b:s1+s23], $0x8, s16, s23, $0xb8;
	[tilespmem:$0xB800] =	vst v63  }
0x6b: {  	s16 =	simm.s32 $0x2500;
	s22 =	simm.s32 $0x5800  }
0x6c: {  	[tilespmem:s22], [sflag:$0x5] =	stream.indirect.gather [hbm4b:s1+s23], $0x8, s16, s23, $0xb8;
	[tilespmem:$0xB800] =	vst v63  }
0x6d: {  	s16 =	simm.s32 $0x2580;
	s22 =	simm.s32 $0x5C00  }
0x6e: {  	[tilespmem:s22], [sflag:$0x5] =	stream.indirect.gather [hbm4b:s1+s23], $0x8, s16, s23, $0xb8;
	[tilespmem:$0xB800] =	vst v63  }
0x6f: {  	s16 =	simm.s32 $0x2600;
	s22 =	simm.s32 $0x6000  }
0x70: {  	[tilespmem:s22], [sflag:$0x5] =	stream.indirect.gather [hbm4b:s1+s23], $0x8, s16, s23, $0xb8;
	[tilespmem:$0xB800] =	vst v63  }
0x71: {  	p0 =	seq.s32 s18, $0x0;
	s16 =	simm.s32 $0x2680;
	s22 =	simm.s32 $0x6400  }
0x72: {  	[tilespmem:s22], [sflag:$0x5] =	stream.indirect.gather [hbm4b:s1+s23], $0x8, s16, s23, $0xb8;
	[tilespmem:$0xB800] =	vst v63  }
.Ltmp1:
0x73: {  	_ = 	snop;
	(pc) =	sbr.rel @p0 .LBB2_12-.Ltmp1, $4  }
0x74: {  	s16 =	simm.s32 $0x2700;
	s22 =	simm.s32 $0x6800  }
0x75: {  	[tilespmem:s22], [sflag:$0x5] =	stream.indirect.gather [hbm4b:s1+s23], $0x8, s16, s23, $0xb8;
	[tilespmem:$0xB800] =	vst v63  }
0x76: {  	s16 =	simm.s32 $0x2780;
	s22 =	simm.s32 $0x6C00  }
0x77: {  	[tilespmem:s22], [sflag:$0x5] =	stream.indirect.gather [hbm4b:s1+s23], $0x8, s16, s23, $0xb8;
	[tilespmem:$0xB800] =	vst v63  }
0x78: {  	_ =	swait.ge [sflag:s3], $0x400  }
0x79: {  	[sflag:s3] =	ssyncset.done $0x0  }
0x7a: {  	[sflag:s3] =	ssyncadd.s32 $0xFFFFFC00  }
0x7b: {  	_ =	swait.ge [sflag:s3], $0x400  }
0x7c: {  	[sflag:s3] =	ssyncset.done $0x0  }
0x7d: {  	[sflag:s3] =	ssyncadd.s32 $0xFFFFFC00  }
0x7e: {  	_ =	swait.ge [sflag:s3], $0x400  }
0x7f: {  	[sflag:s3] =	ssyncset.done $0x0  }
0x80: {  	[sflag:s3] =	ssyncadd.s32 $0xFFFFFC00  }
0x81: {  	_ =	swait.ge [sflag:s3], $0x400  }
0x82: {  	[sflag:s3] =	ssyncset.done $0x0  }
0x83: {  	[sflag:s3] =	ssyncadd.s32 $0xFFFFFC00  }
0x84: {  	_ =	swait.ge [sflag:s3], $0x400  }
0x85: {  	[sflag:s3] =	ssyncset.done $0x0  }
0x86: {  	[sflag:s3] =	ssyncadd.s32 $0xFFFFFC00  }
0x87: {  	_ =	swait.ge [sflag:s3], $0x400  }
0x88: {  	[sflag:s3] =	ssyncset.done $0x0  }
0x89: {  	[sflag:s3] =	ssyncadd.s32 $0xFFFFFC00  }
0x8a: {  	_ =	swait.ge [sflag:s3], $0x400  }
0x8b: {  	[sflag:s3] =	ssyncset.done $0x0  }
0x8c: {  	[sflag:s3] =	ssyncadd.s32 $0xFFFFFC00  }
0x8d: {  	_ =	swait.ge [sflag:s3], $0x400  }
0x8e: {  	[sflag:s3] =	ssyncset.done $0x0  }
0x8f: {  	[sflag:s3] =	ssyncadd.s32 $0xFFFFFC00  }
0x90: {  	_ =	swait.ge [sflag:s3], $0x400  }
0x91: {  	[sflag:s3] =	ssyncset.done $0x0  }
0x92: {  	[sflag:s3] =	ssyncadd.s32 $0xFFFFFC00  }
0x93: {  	_ =	swait.ge [sflag:s3], $0x400  }
0x94: {  	[sflag:s3] =	ssyncset.done $0x0  }
0x95: {  	[sflag:s3] =	ssyncadd.s32 $0xFFFFFC00  }
0x96: {  	_ =	swait.ge [sflag:s3], $0x400  }
0x97: {  	[sflag:s3] =	ssyncset.done $0x0  }
0x98: {  	[sflag:s3] =	ssyncadd.s32 $0xFFFFFC00  }
0x99: {  	_ =	swait.ge [sflag:s3], $0x400  }
0x9a: {  	[sflag:s3] =	ssyncset.done $0x0  }
0x9b: {  	[sflag:s3] =	ssyncadd.s32 $0xFFFFFC00  }
0x9c: {  	_ =	swait.ge [sflag:s3], $0x400  }
0x9d: {  	[sflag:s3] =	ssyncset.done $0x0  }
0x9e: {  	[sflag:s3] =	ssyncadd.s32 $0xFFFFFC00  }
0x9f: {  	_ =	swait.ge [sflag:s3], $0x400  }
0xa0: {  	s14 =	simm.s32 $0x0;
	[sflag:s3] =	ssyncset.done $0x0  }
0xa1: {  	v1 =	vmov s14;
	[sflag:s3] =	ssyncadd.s32 $0xFFFFFC00  }
0xa2: {  	v1 =	vshll.u32 v1, $0x3;
	_ =	swait.ge [sflag:s3], $0x400  }
0xa3: {  	v1 =	vor.u32 v0, v1;
	[sflag:s3] =	ssyncset.done $0x0  }
0xa4: {  	[sflag:s3] =	ssyncadd.s32 $0xFFFFFC00  }
0xa5: {  	_ =	swait.ge [sflag:s3], $0x400  }
0xa6: {  	s22 =	simm.s32 $0x10;
	[sflag:s3] =	ssyncset.done $0x0  }
0xa7: {  	v2 =	vmov s22;
	[sflag:s3] =	ssyncadd.s32 $0xFFFFFC00  }
0xa8: {  	v2 =	vshll.u32 v2, $0x3;
	v1 =	vld.idx.msk [tilespmem:v1+s24+$0x0], $0xffff  }
0xa9: {  	v3 =	vor.u32 v0, v2;
	_ =	sdelay $0x2  }
0xaa: {  	s14 =	simm.s32 $0xB000  }
0xab: {  	s15 =	simm.s32 $0x20;
	[tilespmem:s14+$0x0] =	vst v1  }
0xac: {  	v2 =	vmov s15;
	s15 =	simm.s32 $0x30;
	v1 =	vld.idx.msk [tilespmem:v3+s24+$0x0], $0xffff  }
.LBB2_6:
0xad: {  	p0 =	sne.s32 s15, $0x7F0;
	v2 =	vshll.u32 v2, $0x3  }
0xae: {  	v3 =	vor.u32 v0, v2  }
.Ltmp2:
0xaf: {  	(pc) =	sbr.rel @p0 .LBB2_6-.Ltmp2, $4  }
0xb0: {  	_ = 	snop  }
0xb1: {  	s14 =	sadd.s32 $0x10, s14  }
0xb2: {  	[tilespmem:s14+$0x0] =	vst v1  }
0xb3: {  	v2 =	vmov s15;
	s15 =	sadd.s32 $0x10, s15;
	v1 =	vld.idx.msk [tilespmem:v3+s24+$0x0], $0xffff  }
0xb4: {  	v2 =	vshll.u32 v2, $0x3  }
0xb5: {  	v2 =	vor.u32 v0, v2;
	_ =	sdelay $0x2  }
0xb6: {  	s14 =	sadd.s32 $0x10, s14  }
0xb7: {  	[tilespmem:s14+$0x0] =	vst v1  }
0xb8: {  	v1 =	vld.idx.msk [tilespmem:v2+s24+$0x0], $0xffff  }
0xb9: {  	s16 =	simm.s32 $0x0  }
0xba: {  	v2 =	vmov s16  }
0xbb: {  	s15 =	sadd.s32 s11, s12;
	v2 =	vshll.u32 v2, $0x3  }
0xbc: {  	s22 =	sadd.s32 $0x10, s14;
	s14 =	sshrl.u32 s15, $0x3;
	v2 =	vor.u32 v0, v2  }
0xbd: {  	s15 =	simm.s32 $0xB000;
	[tilespmem:s22+$0x0] =	vst v1;
	s22 =	sadd.s32 s6, s14;
	v1 =	vor.u32 $0x1, v2  }
0xbe: {  	[hbm4b:s22+s16] =	stream.linear.scatter [tilespmem:s15], [sflag:$0x8], $0x800, $0x38;
	[tilespmem:$0xB800] =	vst v63  }
0xbf: {  	_ =	swait.ge [sflag:s30], $0x800  }
0xc0: {  	[sflag:s30] =	ssyncset.done $0x0  }
0xc1: {  	s22 =	simm.s32 $0x10;
	[sflag:s30] =	ssyncadd.s32 $0xFFFFF800  }
0xc2: {  	v3 =	vld.idx.msk [tilespmem:v1+s24+$0x0], $0xffff;
	v1 =	vmov s22  }
0xc3: {  	v1 =	vshll.u32 v1, $0x3  }
0xc4: {  	v1 =	vor.u32 v0, v1  }
0xc5: {  	v1 =	vor.u32 $0x1, v1;
	_ =	sdelay $0x2  }
0xc6: {  	s22 =	simm.s32 $0x20  }
0xc7: {  	s16 =	simm.s32 $0x30;
	v2 =	vmov s22;
	[tilespmem:s15+$0x0] =	vst v3  }
.LBB2_8:
0xc8: {  	p0 =	sne.s32 s16, $0x7F0;
	v2 =	vshll.u32 v2, $0x3;
	v3 =	vld.idx.msk [tilespmem:v1+s24+$0x0], $0xffff  }
0xc9: {  	v1 =	vor.u32 v0, v2  }
.Ltmp3:
0xca: {  	v1 =	vor.u32 $0x1, v1;
	(pc) =	sbr.rel @p0 .LBB2_8-.Ltmp3, $3  }
0xcb: {  	_ =	sdelay $0x1  }
0xcc: {  	s15 =	sadd.s32 $0x10, s15  }
0xcd: {  	v2 =	vmov s16;
	s16 =	sadd.s32 $0x10, s16;
	[tilespmem:s15+$0x0] =	vst v3  }
0xce: {  	_ =	sdelay $0x2  }
0xcf: {  	v2 =	vshll.u32 v2, $0x3  }
0xd0: {  	v1 =	vld.idx.msk [tilespmem:v1+s24+$0x0], $0xffff;
	v2 =	vor.u32 v0, v2  }
0xd1: {  	v2 =	vor.u32 $0x1, v2;
	_ =	sdelay $0x2  }
0xd2: {  	s15 =	sadd.s32 $0x10, s15  }
0xd3: {  	[tilespmem:s15+$0x0] =	vst v1  }
0xd4: {  	v1 =	vld.idx.msk [tilespmem:v2+s24+$0x0], $0xffff  }
0xd5: {  	s16 =	simm.s32 $0x0  }
0xd6: {  	v2 =	vmov s16  }
0xd7: {  	v2 =	vshll.u32 v2, $0x3  }
0xd8: {  	s15 =	sadd.s32 $0x10, s15;
	v2 =	vor.u32 v0, v2  }
0xd9: {  	s22 =	sadd.s32 s7, s14;
	[tilespmem:s15+$0x0] =	vst v1;
	s15 =	simm.s32 $0xB000;
	v1 =	vor.u32 $0x2, v2  }
0xda: {  	[hbm4b:s22+s16] =	stream.linear.scatter [tilespmem:s15], [sflag:$0x8], $0x800, $0x38;
	[tilespmem:$0xB800] =	vst v63  }
0xdb: {  	_ =	swait.ge [sflag:s30], $0x800  }
0xdc: {  	[sflag:s30] =	ssyncset.done $0x0  }
0xdd: {  	s22 =	simm.s32 $0x10;
	[sflag:s30] =	ssyncadd.s32 $0xFFFFF800  }
0xde: {  	v3 =	vld.idx.msk [tilespmem:v1+s24+$0x0], $0xffff;
	v1 =	vmov s22  }
0xdf: {  	v1 =	vshll.u32 v1, $0x3  }
0xe0: {  	v1 =	vor.u32 v0, v1  }
0xe1: {  	v1 =	vor.u32 $0x2, v1;
	_ =	sdelay $0x2  }
0xe2: {  	s22 =	simm.s32 $0x20  }
0xe3: {  	s16 =	simm.s32 $0x30;
	v2 =	vmov s22;
	[tilespmem:s15+$0x0] =	vst v3  }
.LBB2_10:
0xe4: {  	p0 =	sne.s32 s16, $0x7F0;
	v2 =	vshll.u32 v2, $0x3;
	v3 =	vld.idx.msk [tilespmem:v1+s24+$0x0], $0xffff  }
0xe5: {  	v1 =	vor.u32 v0, v2  }
.Ltmp4:
0xe6: {  	v1 =	vor.u32 $0x2, v1;
	(pc) =	sbr.rel @p0 .LBB2_10-.Ltmp4, $3  }
0xe7: {  	_ =	sdelay $0x1  }
0xe8: {  	s15 =	sadd.s32 $0x10, s15  }
0xe9: {  	v2 =	vmov s16;
	s16 =	sadd.s32 $0x10, s16;
	[tilespmem:s15+$0x0] =	vst v3  }
0xea: {  	_ =	sdelay $0x2  }
0xeb: {  	v2 =	vshll.u32 v2, $0x3  }
0xec: {  	v1 =	vld.idx.msk [tilespmem:v1+s24+$0x0], $0xffff;
	v2 =	vor.u32 v0, v2  }
0xed: {  	v2 =	vor.u32 $0x2, v2;
	_ =	sdelay $0x2  }
0xee: {  	s15 =	sadd.s32 $0x10, s15  }
0xef: {  	[tilespmem:s15+$0x0] =	vst v1  }
0xf0: {  	v1 =	vld.idx.msk [tilespmem:v2+s24+$0x0], $0xffff;
	_ =	sdelay $0x3  }
0xf1: {  	s15 =	sadd.s32 $0x10, s15  }
0xf2: {  	s14 =	sadd.s32 s9, s14;
	[tilespmem:s15+$0x0] =	vst v1  }
0xf3: {  	[hbm4b:s14+s2] =	stream.linear.scatter [tilespmem:s31], [sflag:$0x8], $0x800, $0x38;
	[tilespmem:$0xB800] =	vst v63  }
0xf4: {  	_ =	swait.ge [sflag:s30], $0x800  }
0xf5: {  	[sflag:s30] =	ssyncset.done $0x0  }
0xf6: {  	[sflag:s30] =	ssyncadd.s32 $0xFFFFF800  }
.LBB2_12:
0xf7: {  	_ =	swait.ge [sflag:s17], $0x800  }
0xf8: {  	[sflag:s17] =	ssyncset.done $0x0  }
0xf9: {  	p0 =	seq.s32 s18, $0x7;
	[sflag:s17] =	ssyncadd.s32 $0xFFFFF800  }
0xfa: {  	s11 =	sadd.s32 @!p0 s11, s13;
	_ =	swait.ge [sflag:s21], $0x800  }
0xfb: {  	s11 =	sshrl.u32 @!p0 s11, $0x3;
	[sflag:s21] =	ssyncset.done $0x0  }
0xfc: {  	s15 =	simm.s32 @!p0 $0x0;
	s14 =	sadd.s32 @!p0 s4, s11;
	[sflag:s21] =	ssyncadd.s32 $0xFFFFF800  }
0xfd: {  	[tilespmem:s15], [sflag:$0x1] =	stream.linear.gather @!p0 [hbm4b:s14+s15], $0x800, $0x38;
	[tilespmem:$0xB800] =	vst v63  }
0xfe: {  	s11 =	sadd.s32 @!p0 s5, s11;
	s14 =	simm.s32 @!p0 $0x1000  }
0xff: {  	[tilespmem:s14], [sflag:$0x3] =	stream.linear.gather @!p0 [hbm4b:s11+s15], $0x800, $0x38;
	[tilespmem:$0xB800] =	vst v63  }
0x100: {  	s11 =	simm.s32 $0x0  }
0x101: {  	v1 =	vld [tilespmem:s11+$0x870]  }
0x102: {  	v2 =	vld [tilespmem:s11+$0x1870]  }
0x103: {  	v3 =	vld [tilespmem:s11+$0x800]  }
0x104: {  	v4 =	vld [tilespmem:s11+$0x810]  }
0x105: {  	v5 =	vld [tilespmem:s11+$0x820]  }
0x106: {  	v7 =	vld [tilespmem:s11+$0x830]  }
0x107: {  	v10 =	vld [tilespmem:s11+$0x840]  }
0x108: {  	v9 =	vld [tilespmem:s11+$0x1800]  }
0x109: {  	v11 =	vld [tilespmem:s11+$0x1810];
	v1 =	vshll.u32 v1, $0x9  }
0x10a: {  	v1 =	vadd.s32 v2, v1;
	v2 =	vld [tilespmem:s11+$0x850]  }
0x10b: {  	[tilespmem:s11+$0x2870] =	vst v1;
	v1 =	vld [tilespmem:s11+$0x860]  }
0x10c: {  	v8 =	vld [tilespmem:s11+$0x1820]  }
0x10d: {  	v6 =	vld [tilespmem:s11+$0x1830]  }
0x10e: {  	v12 =	vshll.u32 v3, $0x9;
	v3 =	vld [tilespmem:s11+$0x1840];
	v13 =	vshll.u32 v4, $0x9;
	v7 =	vshll.u32 v7, $0x9  }
0x10f: {  	v4 =	vld [tilespmem:s11+$0x1850];
	v12 =	vadd.s32 v9, v12;
	v9 =	vshll.u32 v5, $0x9;
	v5 =	vshll.u32 v10, $0x9  }
0x110: {  	s14 =	simm.s32 $0x80;
	s15 =	simm.s32 $0x400;
	v11 =	vadd.s32 v11, v13;
	v10 =	vld [tilespmem:s11+$0x1860];
	[tilespmem:s11+$0x2800] =	vst v12;
	v2 =	vshll.u32 v2, $0x9;
	v1 =	vshll.u32 v1, $0x9  }
.LBB2_13:
0x111: {  	p0 =	sne.s32 s15, $0x1E00;
	v12 =	vld [tilespmem:s14+$0x870];
	[tilespmem:s11+$0x2810] =	vst v11;
	v8 =	vadd.s32 v8, v9  }
0x112: {  	v9 =	vld [tilespmem:s14+$0x1870];
	[tilespmem:s11+$0x2820] =	vst v8;
	v6 =	vadd.s32 v6, v7  }
0x113: {  	v7 =	vld [tilespmem:s14+$0x800];
	[tilespmem:s11+$0x2830] =	vst v6;
	v3 =	vadd.s32 v3, v5  }
0x114: {  	v5 =	vld [tilespmem:s14+$0x810];
	[tilespmem:s11+$0x2840] =	vst v3;
	v2 =	vadd.s32 v4, v2  }
0x115: {  	v3 =	vld [tilespmem:s14+$0x820];
	[tilespmem:s11+$0x2850] =	vst v2;
	v1 =	vadd.s32 v10, v1  }
0x116: {  	v2 =	vld [tilespmem:s14+$0x830];
	v4 =	vshll.u32 v12, $0x9;
	[tilespmem:s11+$0x2860] =	vst v1;
	s11 =	smov.u32 s14  }
0x117: {  	v1 =	vld [tilespmem:s11+$0x840];
	v4 =	vadd.s32 v9, v4  }
0x118: {  	v10 =	vshll.u32 v7, $0x9;
	v11 =	vld [tilespmem:s11+$0x850];
	[tilespmem:s11+$0x2870] =	vst v4  }
0x119: {  	v12 =	vshll.u32 v5, $0x9;
	v4 =	vld [tilespmem:s11+$0x860]  }
0x11a: {  	v13 =	vld [tilespmem:s11+$0x1800];
	v9 =	vshll.u32 v3, $0x9  }
0x11b: {  	v14 =	vld [tilespmem:s11+$0x1810];
	v7 =	vshll.u32 v2, $0x9  }
.Ltmp5:
0x11c: {  	v8 =	vld [tilespmem:s11+$0x1820];
	v5 =	vshll.u32 v1, $0x9;
	(pc) =	sbr.rel @p0 .LBB2_13-.Ltmp5, $4  }
0x11d: {  	v6 =	vld [tilespmem:s11+$0x1830];
	v2 =	vshll.u32 v11, $0x9  }
0x11e: {  	v3 =	vld [tilespmem:s11+$0x1840];
	v1 =	vshll.u32 v4, $0x9  }
0x11f: {  	v10 =	vadd.s32 v13, v10;
	v4 =	vld [tilespmem:s11+$0x1850]  }
0x120: {  	s14 =	sshra.s32 s15, $0x2;
	s15 =	sadd.s32 $0x200, s15;
	[tilespmem:s11+$0x2800] =	vst v10;
	v11 =	vadd.s32 v14, v12;
	v10 =	vld [tilespmem:s11+$0x1860]  }
0x121: {  	v12 =	vld [tilespmem:s14+$0x870];
	[tilespmem:s11+$0x2810] =	vst v11;
	v8 =	vadd.s32 v8, v9  }
0x122: {  	v55 =	vld [tilespmem:s14+$0x1870];
	[tilespmem:s11+$0x2820] =	vst v8;
	v6 =	vadd.s32 v6, v7  }
0x123: {  	v56 =	vld [tilespmem:s14+$0x800];
	[tilespmem:s11+$0x2830] =	vst v6;
	v3 =	vadd.s32 v3, v5  }
0x124: {  	v57 =	vld [tilespmem:s14+$0x810];
	[tilespmem:s11+$0x2840] =	vst v3;
	v2 =	vadd.s32 v4, v2  }
0x125: {  	v3 =	vld [tilespmem:s14+$0x820];
	[tilespmem:s11+$0x2850] =	vst v2;
	v1 =	vadd.s32 v10, v1  }
0x126: {  	v2 =	vld [tilespmem:s14+$0x830];
	[tilespmem:s11+$0x2860] =	vst v1  }
0x127: {  	v58 =	vld [tilespmem:s14+$0x840]  }
0x128: {  	v6 =	vld [tilespmem:s14+$0x850]  }
0x129: {  	v8 =	vld [tilespmem:s14+$0x1800]  }
0x12a: {  	v59 =	vld [tilespmem:s14+$0x1810]  }
0x12b: {  	v60 =	vld [tilespmem:s14+$0x1820]  }
0x12c: {  	v11 =	vld [tilespmem:s14+$0x1830]  }
0x12d: {  	v1 =	vshll.u32 v12, $0x9;
	v61 =	vld [tilespmem:s14+$0x1840]  }
0x12e: {  	v1 =	vadd.s32 v55, v1;
	v62 =	vld [tilespmem:s14+$0x1850];
	v7 =	vshll.u32 v56, $0x9  }
0x12f: {  	[tilespmem:s14+$0x2870] =	vst v1;
	v1 =	vld [tilespmem:s14+$0x860];
	v5 =	vshll.u32 v57, $0x9;
	v7 =	vadd.s32 v8, v7  }
0x130: {  	v63 =	vld [tilespmem:s14+$0x1860];
	v3 =	vshll.u32 v3, $0x9;
	v5 =	vadd.s32 v59, v5;
	[tilespmem:s14+$0x2800] =	vst v7  }
0x131: {  	v2 =	vshll.u32 v2, $0x9;
	v3 =	vadd.s32 v60, v3;
	[tilespmem:s14+$0x2810] =	vst v5  }
0x132: {  	v4 =	vshll.u32 v58, $0x9;
	v2 =	vadd.s32 v11, v2;
	[tilespmem:s14+$0x2820] =	vst v3  }
0x133: {  	v3 =	vshll.u32 v6, $0x9;
	[tilespmem:s14+$0x2830] =	vst v2;
	v2 =	vadd.s32 v61, v4  }
0x134: {  	v1 =	vshll.u32 v1, $0x9;
	[tilespmem:s14+$0x2840] =	vst v2;
	v2 =	vadd.s32 v62, v3  }
0x135: {  	v1 =	vadd.s32 v63, v1;
	[tilespmem:s14+$0x2850] =	vst v2  }
0x136: {  	s22 =	simm.s32 $0x2800;
	[tilespmem:s14+$0x2860] =	vst v1  }
0x137: {  	[tilespmem:s24], [sflag:$0x6] =	stream.indirect.gather [hbm4b:s1+s23], $0x8, s22, s23, $0xb8;
	[tilespmem:$0xB800] =	vst v63  }
0x138: {  	s15 =	simm.s32 $0x7400;
	s14 =	simm.s32 $0x2880  }
0x139: {  	[tilespmem:s15], [sflag:$0x6] =	stream.indirect.gather [hbm4b:s1+s23], $0x8, s14, s23, $0xb8;
	[tilespmem:$0xB800] =	vst v63  }
0x13a: {  	s16 =	simm.s32 $0x2900;
	s22 =	simm.s32 $0x7800  }
0x13b: {  	[tilespmem:s22], [sflag:$0x6] =	stream.indirect.gather [hbm4b:s1+s23], $0x8, s16, s23, $0xb8;
	[tilespmem:$0xB800] =	vst v63  }
0x13c: {  	s14 =	simm.s32 $0x2980;
	s15 =	simm.s32 $0x7C00  }
0x13d: {  	[tilespmem:s15], [sflag:$0x6] =	stream.indirect.gather [hbm4b:s1+s23], $0x8, s14, s23, $0xb8;
	[tilespmem:$0xB800] =	vst v63  }
0x13e: {  	s16 =	simm.s32 $0x2A00;
	s22 =	simm.s32 $0x8000  }
0x13f: {  	[tilespmem:s22], [sflag:$0x6] =	stream.indirect.gather [hbm4b:s1+s23], $0x8, s16, s23, $0xb8;
	[tilespmem:$0xB800] =	vst v63  }
0x140: {  	s14 =	simm.s32 $0x2A80;
	s15 =	simm.s32 $0x8400  }
0x141: {  	[tilespmem:s15], [sflag:$0x6] =	stream.indirect.gather [hbm4b:s1+s23], $0x8, s14, s23, $0xb8;
	[tilespmem:$0xB800] =	vst v63  }
0x142: {  	s16 =	simm.s32 $0x2B00;
	s22 =	simm.s32 $0x8800  }
0x143: {  	[tilespmem:s22], [sflag:$0x6] =	stream.indirect.gather [hbm4b:s1+s23], $0x8, s16, s23, $0xb8;
	[tilespmem:$0xB800] =	vst v63  }
0x144: {  	s14 =	simm.s32 $0x2B80;
	s15 =	simm.s32 $0x8C00  }
0x145: {  	[tilespmem:s15], [sflag:$0x6] =	stream.indirect.gather [hbm4b:s1+s23], $0x8, s14, s23, $0xb8;
	[tilespmem:$0xB800] =	vst v63  }
0x146: {  	s16 =	simm.s32 $0x2C00;
	s22 =	simm.s32 $0x9000  }
0x147: {  	[tilespmem:s22], [sflag:$0x6] =	stream.indirect.gather [hbm4b:s1+s23], $0x8, s16, s23, $0xb8;
	[tilespmem:$0xB800] =	vst v63  }
0x148: {  	s14 =	simm.s32 $0x2C80;
	s15 =	simm.s32 $0x9400  }
0x149: {  	[tilespmem:s15], [sflag:$0x6] =	stream.indirect.gather [hbm4b:s1+s23], $0x8, s14, s23, $0xb8;
	[tilespmem:$0xB800] =	vst v63  }
0x14a: {  	s16 =	simm.s32 $0x2D00;
	s22 =	simm.s32 $0x9800  }
0x14b: {  	[tilespmem:s22], [sflag:$0x6] =	stream.indirect.gather [hbm4b:s1+s23], $0x8, s16, s23, $0xb8;
	[tilespmem:$0xB800] =	vst v63  }
0x14c: {  	s14 =	simm.s32 $0x2D80;
	s15 =	simm.s32 $0x9C00  }
0x14d: {  	[tilespmem:s15], [sflag:$0x6] =	stream.indirect.gather [hbm4b:s1+s23], $0x8, s14, s23, $0xb8;
	[tilespmem:$0xB800] =	vst v63  }
0x14e: {  	s16 =	simm.s32 $0x2E00;
	s22 =	simm.s32 $0xA000  }
0x14f: {  	[tilespmem:s22], [sflag:$0x6] =	stream.indirect.gather [hbm4b:s1+s23], $0x8, s16, s23, $0xb8;
	[tilespmem:$0xB800] =	vst v63  }
0x150: {  	s14 =	simm.s32 $0x2E80;
	s15 =	simm.s32 $0xA400  }
0x151: {  	[tilespmem:s15], [sflag:$0x6] =	stream.indirect.gather [hbm4b:s1+s23], $0x8, s14, s23, $0xb8;
	[tilespmem:$0xB800] =	vst v63  }
0x152: {  	s16 =	simm.s32 $0x2F00;
	s22 =	simm.s32 $0xA800  }
0x153: {  	[tilespmem:s22], [sflag:$0x6] =	stream.indirect.gather [hbm4b:s1+s23], $0x8, s16, s23, $0xb8;
	[tilespmem:$0xB800] =	vst v63  }
0x154: {  	_ = 	snop  }
0x155: {  	[tilespmem:s28], [sflag:$0x6] =	stream.indirect.gather [hbm4b:s1+s23], $0x8, s26, s23, $0xb8;
	[tilespmem:$0xB800] =	vst v63  }
0x156: {  	_ =	swait.ge [sflag:s29], $0x400  }
0x157: {  	[sflag:s29] =	ssyncset.done $0x0  }
0x158: {  	[sflag:s29] =	ssyncadd.s32 $0xFFFFFC00  }
0x159: {  	_ =	swait.ge [sflag:s29], $0x400  }
0x15a: {  	[sflag:s29] =	ssyncset.done $0x0  }
0x15b: {  	[sflag:s29] =	ssyncadd.s32 $0xFFFFFC00  }
0x15c: {  	_ =	swait.ge [sflag:s29], $0x400  }
0x15d: {  	[sflag:s29] =	ssyncset.done $0x0  }
0x15e: {  	[sflag:s29] =	ssyncadd.s32 $0xFFFFFC00  }
0x15f: {  	_ =	swait.ge [sflag:s29], $0x400  }
0x160: {  	[sflag:s29] =	ssyncset.done $0x0  }
0x161: {  	[sflag:s29] =	ssyncadd.s32 $0xFFFFFC00  }
0x162: {  	_ =	swait.ge [sflag:s29], $0x400  }
0x163: {  	[sflag:s29] =	ssyncset.done $0x0  }
0x164: {  	[sflag:s29] =	ssyncadd.s32 $0xFFFFFC00  }
0x165: {  	_ =	swait.ge [sflag:s29], $0x400  }
0x166: {  	[sflag:s29] =	ssyncset.done $0x0  }
0x167: {  	[sflag:s29] =	ssyncadd.s32 $0xFFFFFC00  }
0x168: {  	_ =	swait.ge [sflag:s29], $0x400  }
0x169: {  	[sflag:s29] =	ssyncset.done $0x0  }
0x16a: {  	[sflag:s29] =	ssyncadd.s32 $0xFFFFFC00  }
0x16b: {  	_ =	swait.ge [sflag:s29], $0x400  }
0x16c: {  	[sflag:s29] =	ssyncset.done $0x0  }
0x16d: {  	[sflag:s29] =	ssyncadd.s32 $0xFFFFFC00  }
0x16e: {  	_ =	swait.ge [sflag:s29], $0x400  }
0x16f: {  	[sflag:s29] =	ssyncset.done $0x0  }
0x170: {  	[sflag:s29] =	ssyncadd.s32 $0xFFFFFC00  }
0x171: {  	_ =	swait.ge [sflag:s29], $0x400  }
0x172: {  	[sflag:s29] =	ssyncset.done $0x0  }
0x173: {  	[sflag:s29] =	ssyncadd.s32 $0xFFFFFC00  }
0x174: {  	_ =	swait.ge [sflag:s29], $0x400  }
0x175: {  	[sflag:s29] =	ssyncset.done $0x0  }
0x176: {  	[sflag:s29] =	ssyncadd.s32 $0xFFFFFC00  }
0x177: {  	_ =	swait.ge [sflag:s29], $0x400  }
0x178: {  	[sflag:s29] =	ssyncset.done $0x0  }
0x179: {  	[sflag:s29] =	ssyncadd.s32 $0xFFFFFC00  }
0x17a: {  	_ =	swait.ge [sflag:s29], $0x400  }
0x17b: {  	[sflag:s29] =	ssyncset.done $0x0  }
0x17c: {  	[sflag:s29] =	ssyncadd.s32 $0xFFFFFC00  }
0x17d: {  	_ =	swait.ge [sflag:s29], $0x400  }
0x17e: {  	s15 =	simm.s32 $0x0;
	[sflag:s29] =	ssyncset.done $0x0  }
0x17f: {  	v1 =	vmov s15;
	[sflag:s29] =	ssyncadd.s32 $0xFFFFFC00  }
0x180: {  	v1 =	vshll.u32 v1, $0x3;
	_ =	swait.ge [sflag:s29], $0x400  }
0x181: {  	v1 =	vor.u32 v0, v1;
	[sflag:s29] =	ssyncset.done $0x0  }
0x182: {  	[sflag:s29] =	ssyncadd.s32 $0xFFFFFC00  }
0x183: {  	_ =	swait.ge [sflag:s29], $0x400  }
0x184: {  	s16 =	simm.s32 $0x10;
	[sflag:s29] =	ssyncset.done $0x0  }
0x185: {  	v2 =	vmov s16;
	[sflag:s29] =	ssyncadd.s32 $0xFFFFFC00  }
0x186: {  	v2 =	vshll.u32 v2, $0x3;
	v1 =	vld.idx.msk [tilespmem:v1+s25+$0x0], $0xffff  }
0x187: {  	v3 =	vor.u32 v0, v2;
	_ =	sdelay $0x2  }
0x188: {  	s11 =	simm.s32 $0xB000  }
0x189: {  	s22 =	simm.s32 $0x20;
	[tilespmem:s11+$0x0] =	vst v1  }
0x18a: {  	s14 =	simm.s32 $0x30;
	v2 =	vmov s22;
	v1 =	vld.idx.msk [tilespmem:v3+s25+$0x0], $0xffff  }
.LBB2_15:
0x18b: {  	p0 =	sne.s32 s14, $0x7F0;
	v2 =	vshll.u32 v2, $0x3  }
0x18c: {  	v3 =	vor.u32 v0, v2  }
.Ltmp6:
0x18d: {  	(pc) =	sbr.rel @p0 .LBB2_15-.Ltmp6, $4  }
0x18e: {  	_ = 	snop  }
0x18f: {  	s11 =	sadd.s32 $0x10, s11  }
0x190: {  	[tilespmem:s11+$0x0] =	vst v1  }
0x191: {  	v2 =	vmov s14;
	s14 =	sadd.s32 $0x10, s14;
	v1 =	vld.idx.msk [tilespmem:v3+s25+$0x0], $0xffff  }
0x192: {  	v2 =	vshll.u32 v2, $0x3  }
0x193: {  	v2 =	vor.u32 v0, v2;
	_ =	sdelay $0x2  }
0x194: {  	s11 =	sadd.s32 $0x10, s11  }
0x195: {  	[tilespmem:s11+$0x0] =	vst v1  }
0x196: {  	v1 =	vld.idx.msk [tilespmem:v2+s25+$0x0], $0xffff  }
0x197: {  	s14 =	simm.s32 $0x0  }
0x198: {  	v2 =	vmov s14  }
0x199: {  	v2 =	vshll.u32 v2, $0x3  }
0x19a: {  	s11 =	sadd.s32 $0x10, s11;
	v2 =	vor.u32 v0, v2  }
0x19b: {  	s15 =	sadd.s32 s6, s10;
	[tilespmem:s11+$0x0] =	vst v1;
	s11 =	simm.s32 $0xB000;
	v1 =	vor.u32 $0x1, v2  }
0x19c: {  	[hbm4b:s15+s14] =	stream.linear.scatter [tilespmem:s11], [sflag:$0x8], $0x800, $0x38;
	[tilespmem:$0xB800] =	vst v63  }
0x19d: {  	_ =	swait.ge [sflag:s30], $0x800  }
0x19e: {  	[sflag:s30] =	ssyncset.done $0x0  }
0x19f: {  	s16 =	simm.s32 $0x10;
	[sflag:s30] =	ssyncadd.s32 $0xFFFFF800  }
0x1a0: {  	v3 =	vld.idx.msk [tilespmem:v1+s25+$0x0], $0xffff;
	v1 =	vmov s16  }
0x1a1: {  	v1 =	vshll.u32 v1, $0x3  }
0x1a2: {  	v1 =	vor.u32 v0, v1  }
0x1a3: {  	v1 =	vor.u32 $0x1, v1;
	_ =	sdelay $0x2  }
0x1a4: {  	s22 =	simm.s32 $0x20  }
0x1a5: {  	v2 =	vmov s22;
	s14 =	simm.s32 $0x30;
	[tilespmem:s11+$0x0] =	vst v3  }
.LBB2_17:
0x1a6: {  	p0 =	sne.s32 s14, $0x7F0;
	v2 =	vshll.u32 v2, $0x3;
	v3 =	vld.idx.msk [tilespmem:v1+s25+$0x0], $0xffff  }
0x1a7: {  	v1 =	vor.u32 v0, v2  }
.Ltmp7:
0x1a8: {  	v1 =	vor.u32 $0x1, v1;
	(pc) =	sbr.rel @p0 .LBB2_17-.Ltmp7, $3  }
0x1a9: {  	_ =	sdelay $0x1  }
0x1aa: {  	s11 =	sadd.s32 $0x10, s11  }
0x1ab: {  	v2 =	vmov s14;
	s14 =	sadd.s32 $0x10, s14;
	[tilespmem:s11+$0x0] =	vst v3  }
0x1ac: {  	_ =	sdelay $0x2  }
0x1ad: {  	v2 =	vshll.u32 v2, $0x3  }
0x1ae: {  	v1 =	vld.idx.msk [tilespmem:v1+s25+$0x0], $0xffff;
	v2 =	vor.u32 v0, v2  }
0x1af: {  	v2 =	vor.u32 $0x1, v2;
	_ =	sdelay $0x2  }
0x1b0: {  	s11 =	sadd.s32 $0x10, s11  }
0x1b1: {  	[tilespmem:s11+$0x0] =	vst v1  }
0x1b2: {  	v1 =	vld.idx.msk [tilespmem:v2+s25+$0x0], $0xffff  }
0x1b3: {  	s14 =	simm.s32 $0x0  }
0x1b4: {  	v2 =	vmov s14  }
0x1b5: {  	v2 =	vshll.u32 v2, $0x3  }
0x1b6: {  	s11 =	sadd.s32 $0x10, s11;
	v2 =	vor.u32 v0, v2  }
0x1b7: {  	s15 =	sadd.s32 s7, s10;
	[tilespmem:s11+$0x0] =	vst v1;
	s11 =	simm.s32 $0xB000;
	v1 =	vor.u32 $0x2, v2  }
0x1b8: {  	[hbm4b:s15+s14] =	stream.linear.scatter [tilespmem:s11], [sflag:$0x8], $0x800, $0x38;
	[tilespmem:$0xB800] =	vst v63  }
0x1b9: {  	_ =	swait.ge [sflag:s30], $0x800  }
0x1ba: {  	[sflag:s30] =	ssyncset.done $0x0  }
0x1bb: {  	s16 =	simm.s32 $0x10;
	[sflag:s30] =	ssyncadd.s32 $0xFFFFF800  }
0x1bc: {  	v3 =	vld.idx.msk [tilespmem:v1+s25+$0x0], $0xffff;
	v1 =	vmov s16  }
0x1bd: {  	v1 =	vshll.u32 v1, $0x3  }
0x1be: {  	v1 =	vor.u32 v0, v1  }
0x1bf: {  	v1 =	vor.u32 $0x2, v1;
	_ =	sdelay $0x2  }
0x1c0: {  	s22 =	simm.s32 $0x20  }
0x1c1: {  	v2 =	vmov s22;
	s14 =	simm.s32 $0x30;
	[tilespmem:s11+$0x0] =	vst v3  }
.LBB2_19:
0x1c2: {  	p0 =	sne.s32 s14, $0x7F0;
	v2 =	vshll.u32 v2, $0x3;
	v3 =	vld.idx.msk [tilespmem:v1+s25+$0x0], $0xffff  }
0x1c3: {  	v1 =	vor.u32 v0, v2  }
.Ltmp8:
0x1c4: {  	v1 =	vor.u32 $0x2, v1;
	(pc) =	sbr.rel @p0 .LBB2_19-.Ltmp8, $3  }
0x1c5: {  	_ =	sdelay $0x1  }
0x1c6: {  	s11 =	sadd.s32 $0x10, s11  }
0x1c7: {  	v2 =	vmov s14;
	s14 =	sadd.s32 $0x10, s14;
	[tilespmem:s11+$0x0] =	vst v3  }
0x1c8: {  	_ =	sdelay $0x2  }
0x1c9: {  	v2 =	vshll.u32 v2, $0x3  }
0x1ca: {  	v1 =	vld.idx.msk [tilespmem:v1+s25+$0x0], $0xffff;
	v2 =	vor.u32 v0, v2  }
0x1cb: {  	v2 =	vor.u32 $0x2, v2;
	_ =	sdelay $0x2  }
0x1cc: {  	s11 =	sadd.s32 $0x10, s11  }
0x1cd: {  	[tilespmem:s11+$0x0] =	vst v1  }
0x1ce: {  	v1 =	vld.idx.msk [tilespmem:v2+s25+$0x0], $0xffff;
	_ =	sdelay $0x2  }
0x1cf: {  	s18 =	sadd.s32 $0x1, s18  }
0x1d0: {  	p0 =	sne.s32 s18, $0x8;
	s11 =	sadd.s32 $0x10, s11  }
.Ltmp9:
0x1d1: {  	s10 =	sadd.s32 s9, s10;
	[tilespmem:s11+$0x0] =	vst v1;
	(pc) =	sbr.rel @p0 .LBB2_2-.Ltmp9, $4  }
0x1d2: {  	[hbm4b:s10+s2] =	stream.linear.scatter [tilespmem:s31], [sflag:$0x7], $0x800, $0x38;
	[tilespmem:$0xB800] =	vst v63  }
0x1d3: {  	_ =	swait.ge [sflag:s0], $0x800  }
0x1d4: {  	[sflag:s0] =	ssyncset.done $0x0  }
0x1d5: {  	[sflag:s0] =	ssyncadd.s32 $0xFFFFF800  }
0x1d6: {  	_ =	swait.ge [sflag:s3], $0x400  }
0x1d7: {  	[sflag:s3] =	ssyncset.done $0x0  }
0x1d8: {  	[sflag:s3] =	ssyncadd.s32 $0xFFFFFC00  }
0x1d9: {  	_ =	swait.ge [sflag:s3], $0x400  }
0x1da: {  	[sflag:s3] =	ssyncset.done $0x0  }
0x1db: {  	[sflag:s3] =	ssyncadd.s32 $0xFFFFFC00  }
0x1dc: {  	_ =	swait.ge [sflag:s3], $0x400  }
0x1dd: {  	[sflag:s3] =	ssyncset.done $0x0  }
0x1de: {  	[sflag:s3] =	ssyncadd.s32 $0xFFFFFC00  }
0x1df: {  	_ =	swait.ge [sflag:s3], $0x400  }
0x1e0: {  	[sflag:s3] =	ssyncset.done $0x0  }
0x1e1: {  	[sflag:s3] =	ssyncadd.s32 $0xFFFFFC00  }
0x1e2: {  	_ =	swait.ge [sflag:s3], $0x400  }
0x1e3: {  	[sflag:s3] =	ssyncset.done $0x0  }
0x1e4: {  	[sflag:s3] =	ssyncadd.s32 $0xFFFFFC00  }
0x1e5: {  	_ =	swait.ge [sflag:s3], $0x400  }
0x1e6: {  	[sflag:s3] =	ssyncset.done $0x0  }
0x1e7: {  	[sflag:s3] =	ssyncadd.s32 $0xFFFFFC00  }
0x1e8: {  	_ =	swait.ge [sflag:s3], $0x400  }
0x1e9: {  	[sflag:s3] =	ssyncset.done $0x0  }
0x1ea: {  	[sflag:s3] =	ssyncadd.s32 $0xFFFFFC00  }
0x1eb: {  	_ =	swait.ge [sflag:s3], $0x400  }
0x1ec: {  	[sflag:s3] =	ssyncset.done $0x0  }
0x1ed: {  	[sflag:s3] =	ssyncadd.s32 $0xFFFFFC00  }
0x1ee: {  	_ =	swait.ge [sflag:s3], $0x400  }
0x1ef: {  	[sflag:s3] =	ssyncset.done $0x0  }
0x1f0: {  	[sflag:s3] =	ssyncadd.s32 $0xFFFFFC00  }
0x1f1: {  	_ =	swait.ge [sflag:s3], $0x400  }
0x1f2: {  	[sflag:s3] =	ssyncset.done $0x0  }
0x1f3: {  	[sflag:s3] =	ssyncadd.s32 $0xFFFFFC00  }
0x1f4: {  	_ =	swait.ge [sflag:s3], $0x400  }
0x1f5: {  	[sflag:s3] =	ssyncset.done $0x0  }
0x1f6: {  	[sflag:s3] =	ssyncadd.s32 $0xFFFFFC00  }
0x1f7: {  	_ =	swait.ge [sflag:s3], $0x400  }
0x1f8: {  	[sflag:s3] =	ssyncset.done $0x0  }
0x1f9: {  	[sflag:s3] =	ssyncadd.s32 $0xFFFFFC00  }
0x1fa: {  	_ =	swait.ge [sflag:s3], $0x400  }
0x1fb: {  	[sflag:s3] =	ssyncset.done $0x0  }
0x1fc: {  	[sflag:s3] =	ssyncadd.s32 $0xFFFFFC00  }
0x1fd: {  	_ =	swait.ge [sflag:s3], $0x400  }
0x1fe: {  	s10 =	simm.s32 $0x0;
	[sflag:s3] =	ssyncset.done $0x0  }
0x1ff: {  	v1 =	vmov s10;
	[sflag:s3] =	ssyncadd.s32 $0xFFFFFC00  }
0x200: {  	v1 =	vshll.u32 v1, $0x3;
	_ =	swait.ge [sflag:s3], $0x400  }
0x201: {  	v1 =	vor.u32 v0, v1;
	[sflag:s3] =	ssyncset.done $0x0  }
0x202: {  	[sflag:s3] =	ssyncadd.s32 $0xFFFFFC00  }
0x203: {  	_ =	swait.ge [sflag:s3], $0x400  }
0x204: {  	s22 =	simm.s32 $0x10;
	[sflag:s3] =	ssyncset.done $0x0  }
0x205: {  	v2 =	vmov s22;
	[sflag:s3] =	ssyncadd.s32 $0xFFFFFC00  }
0x206: {  	v2 =	vshll.u32 v2, $0x3;
	v1 =	vld.idx.msk [tilespmem:v1+s24+$0x0], $0xffff  }
0x207: {  	v3 =	vor.u32 v0, v2;
	_ =	sdelay $0x2  }
0x208: {  	s10 =	simm.s32 $0xB000  }
0x209: {  	s11 =	simm.s32 $0x20;
	[tilespmem:s10+$0x0] =	vst v1  }
0x20a: {  	v2 =	vmov s11;
	s11 =	simm.s32 $0x30;
	v1 =	vld.idx.msk [tilespmem:v3+s24+$0x0], $0xffff  }
.LBB2_22:
0x20b: {  	p0 =	sne.s32 s11, $0x7F0;
	v2 =	vshll.u32 v2, $0x3  }
0x20c: {  	v3 =	vor.u32 v0, v2  }
.Ltmp10:
0x20d: {  	(pc) =	sbr.rel @p0 .LBB2_22-.Ltmp10, $4  }
0x20e: {  	_ = 	snop  }
0x20f: {  	s10 =	sadd.s32 $0x10, s10  }
0x210: {  	[tilespmem:s10+$0x0] =	vst v1  }
0x211: {  	v2 =	vmov s11;
	s11 =	sadd.s32 $0x10, s11;
	v1 =	vld.idx.msk [tilespmem:v3+s24+$0x0], $0xffff  }
0x212: {  	v2 =	vshll.u32 v2, $0x3  }
0x213: {  	v2 =	vor.u32 v0, v2;
	_ =	sdelay $0x2  }
0x214: {  	s10 =	sadd.s32 $0x10, s10  }
0x215: {  	[tilespmem:s10+$0x0] =	vst v1  }
0x216: {  	v1 =	vld.idx.msk [tilespmem:v2+s24+$0x0], $0xffff  }
0x217: {  	s11 =	simm.s32 $0x0  }
0x218: {  	v2 =	vmov s11  }
0x219: {  	v2 =	vshll.u32 v2, $0x3  }
0x21a: {  	s10 =	sadd.s32 $0x10, s10;
	v2 =	vor.u32 v0, v2  }
0x21b: {  	s14 =	rddreg [dreg:$0x5];
	[tilespmem:s10+$0x0] =	vst v1;
	s10 =	simm.s32 $0xB000;
	v1 =	vor.u32 $0x1, v2  }
0x21c: {  	[hbm4b:s14+s11] =	stream.linear.scatter [tilespmem:s10], [sflag:$0x7], $0x800, $0x38;
	[tilespmem:$0xB800] =	vst v63  }
0x21d: {  	_ =	swait.ge [sflag:s0], $0x800  }
0x21e: {  	[sflag:s0] =	ssyncset.done $0x0  }
0x21f: {  	s18 =	simm.s32 $0x10;
	[sflag:s0] =	ssyncadd.s32 $0xFFFFF800  }
0x220: {  	v3 =	vld.idx.msk [tilespmem:v1+s24+$0x0], $0xffff;
	v1 =	vmov s18  }
0x221: {  	v1 =	vshll.u32 v1, $0x3  }
0x222: {  	v1 =	vor.u32 v0, v1  }
0x223: {  	v1 =	vor.u32 $0x1, v1;
	_ =	sdelay $0x2  }
0x224: {  	s22 =	simm.s32 $0x20  }
0x225: {  	v2 =	vmov s22;
	s11 =	simm.s32 $0x30;
	[tilespmem:s10+$0x0] =	vst v3  }
.LBB2_24:
0x226: {  	p0 =	sne.s32 s11, $0x7F0;
	v2 =	vshll.u32 v2, $0x3;
	v3 =	vld.idx.msk [tilespmem:v1+s24+$0x0], $0xffff  }
0x227: {  	v1 =	vor.u32 v0, v2  }
.Ltmp11:
0x228: {  	v1 =	vor.u32 $0x1, v1;
	(pc) =	sbr.rel @p0 .LBB2_24-.Ltmp11, $3  }
0x229: {  	_ =	sdelay $0x1  }
0x22a: {  	s10 =	sadd.s32 $0x10, s10  }
0x22b: {  	v2 =	vmov s11;
	s11 =	sadd.s32 $0x10, s11;
	[tilespmem:s10+$0x0] =	vst v3  }
0x22c: {  	_ =	sdelay $0x2  }
0x22d: {  	v2 =	vshll.u32 v2, $0x3  }
0x22e: {  	v1 =	vld.idx.msk [tilespmem:v1+s24+$0x0], $0xffff;
	v2 =	vor.u32 v0, v2  }
0x22f: {  	v2 =	vor.u32 $0x1, v2;
	_ =	sdelay $0x2  }
0x230: {  	s10 =	sadd.s32 $0x10, s10  }
0x231: {  	[tilespmem:s10+$0x0] =	vst v1  }
0x232: {  	v1 =	vld.idx.msk [tilespmem:v2+s24+$0x0], $0xffff  }
0x233: {  	s11 =	simm.s32 $0x0  }
0x234: {  	v2 =	vmov s11  }
0x235: {  	v2 =	vshll.u32 v2, $0x3  }
0x236: {  	s10 =	sadd.s32 $0x10, s10;
	v2 =	vor.u32 v0, v2  }
0x237: {  	s14 =	rddreg [dreg:$0x6];
	[tilespmem:s10+$0x0] =	vst v1;
	s10 =	simm.s32 $0xB000;
	v1 =	vor.u32 $0x2, v2  }
0x238: {  	[hbm4b:s14+s11] =	stream.linear.scatter [tilespmem:s10], [sflag:$0x7], $0x800, $0x38;
	[tilespmem:$0xB800] =	vst v63  }
0x239: {  	_ =	swait.ge [sflag:s0], $0x800  }
0x23a: {  	[sflag:s0] =	ssyncset.done $0x0  }
0x23b: {  	s18 =	simm.s32 $0x10;
	[sflag:s0] =	ssyncadd.s32 $0xFFFFF800  }
0x23c: {  	v3 =	vld.idx.msk [tilespmem:v1+s24+$0x0], $0xffff;
	v1 =	vmov s18  }
0x23d: {  	v1 =	vshll.u32 v1, $0x3  }
0x23e: {  	v1 =	vor.u32 v0, v1  }
0x23f: {  	v1 =	vor.u32 $0x2, v1;
	_ =	sdelay $0x2  }
0x240: {  	s22 =	simm.s32 $0x20  }
0x241: {  	v2 =	vmov s22;
	s11 =	simm.s32 $0x30;
	[tilespmem:s10+$0x0] =	vst v3  }
.LBB2_26:
0x242: {  	p0 =	sne.s32 s11, $0x7F0;
	v2 =	vshll.u32 v2, $0x3;
	v3 =	vld.idx.msk [tilespmem:v1+s24+$0x0], $0xffff  }
0x243: {  	v1 =	vor.u32 v0, v2  }
.Ltmp12:
0x244: {  	v1 =	vor.u32 $0x2, v1;
	(pc) =	sbr.rel @p0 .LBB2_26-.Ltmp12, $3  }
0x245: {  	_ =	sdelay $0x1  }
0x246: {  	s10 =	sadd.s32 $0x10, s10  }
0x247: {  	v2 =	vmov s11;
	s11 =	sadd.s32 $0x10, s11;
	[tilespmem:s10+$0x0] =	vst v3  }
0x248: {  	_ =	sdelay $0x2  }
0x249: {  	v2 =	vshll.u32 v2, $0x3  }
0x24a: {  	v1 =	vld.idx.msk [tilespmem:v1+s24+$0x0], $0xffff;
	v2 =	vor.u32 v0, v2  }
0x24b: {  	v2 =	vor.u32 $0x2, v2;
	_ =	sdelay $0x2  }
0x24c: {  	s10 =	sadd.s32 $0x10, s10  }
0x24d: {  	[tilespmem:s10+$0x0] =	vst v1  }
0x24e: {  	v1 =	vld.idx.msk [tilespmem:v2+s24+$0x0], $0xffff;
	_ =	sdelay $0x3  }
0x24f: {  	s10 =	sadd.s32 $0x10, s10  }
0x250: {  	s18 =	rddreg [dreg:$0x7];
	[tilespmem:s10+$0x0] =	vst v1  }
0x251: {  	[hbm4b:s18+s2] =	stream.linear.scatter [tilespmem:s31], [sflag:$0x7], $0x800, $0x38;
	[tilespmem:$0xB800] =	vst v63  }
0x252: {  	_ =	swait.ge [sflag:s0], $0x800  }
0x253: {  	s11 =	rddreg [dreg:$0x9]  }
0x254: {  	s22 =	rddreg [dreg:$0x8];
	s11 =	sadd.s32 $0x1, s11  }
0x255: {  	p0 =	sne.s32 s11, s22  }
.Ltmp13:
0x256: {  	_ = 	snop;
	(pc) =	sbr.rel @p0 .LBB2_1-.Ltmp13, $3  }
0x257: {  	_ =	sdelay $0x1  }
0x258: {  	[sflag:s0] =	ssyncset.done $0x0  }
0x259: {  	[sflag:s0] =	ssyncadd.s32 $0xFFFFF800  }
0x25a: {  	_ =	sfence.sel $0x180000  }
0x25b: {  	[bflag:$0x0] =	sbarrier.arrive $0xFFFF  }
0x25c: {  	_ =	strace $0x9000004A  }
0x25d: {  	s0 =	stileid.u32;
	[bflag:$0x2] =	sbarrier.arrive $0xFFFF  }
0x25e: {  	p0 =	sne.s32 s0, $0x0;
	s0 =	rddreg [dreg:$0x2]  }
0x25f: {  	s0 =	sadd.s32 @!p0 $0x100000, s0  }
0x260: {  	[sflag:s0] =	ssyncadd.tile.s32 @!p0 $0x1;
	_ =	shalt  }
.Lfunc_end2:
_tile_overlayer_lowered:
.L_overlay_start_2:
0x261: {  	(tag) =	ssettag $0x2  }
0x262: {  	s0 =	rddreg [dreg:$0x0];
	s2 =	stileid.u32  }
0x263: {  	s1 =	rddreg [dreg:$0x1];
	p0 =	sne.s32 s2, $0x0  }
0x264: {  	s3 =	rddreg [dreg:$0x2];
	[bflag:$0x3] =	sbarrier.arrive $0xFFFF;
	s2 =	simm.s32 @!p0 $0x1C07  }
0x265: {  	[timem:s3], [sflag:s2] =	dma.local @!p0 [hbm:s0], s1  }
0x266: {  	s0 =	simm.s32 @!p0 $0x7  }
0x267: {  	_ =	swait.ge @!p0 [sflag:s0], s1  }
0x268: {  	s1 =	ssub.s32 @!p0 $0x0, s1;
	[sflag:s0] =	ssyncset.done @!p0 $0x0  }
0x269: {  	[sflag:s0] =	ssyncadd.s32 @!p0 s1  }
0x26a: {  	[bflag:$0x3] =	sbarrier.arrive $0xFFFF  }
0x26b: {  	_ =	shalt  }

</sc_bundles>
